<compile_context>
chip_gen: v7x
topology: tpu7x:2x2x1
jax: 0.10.2.dev20260603
libtpu: 0.0.44.dev20260713+nightly
codegen_flags: <defaults>
</compile_context>

<pallas_src>
import functools

import jax
import jax.numpy as jnp
from jax import lax
from jax.experimental import pallas as pl
from jax.experimental.pallas import tpu as pltpu
from jax.experimental.pallas import tpu_sc as plsc

L = 16
NC = 2
NS = 16
NW = NC * NS

G = 8
KA = 3584


def _sc_body(n_desc, nnz, rows_per_w,
             right_hbm, left_hbm, comb_hbm, out_hbm,
             right_vs, la_v, lb_v, idx_v, out_vs,
             sem_r, sem_la, sem_lb, sem_o):
    wid = lax.axis_index("s") * NC + lax.axis_index("c")
    base = wid * rows_per_w
    n_groups = rows_per_w // G
    kb = nnz - KA
    n_full = nnz // L
    ca = KA // L
    tail = nnz - n_full * L
    out_dim = out_hbm.shape[1]
    zeros16 = jnp.zeros((L,), jnp.float32)
    lane = lax.iota(jnp.int32, L)
    tail_k = n_full * L - KA + lane
    tail_m = lane < tail
    zfull = out_dim // L
    ztail_s = zfull * L + lane
    ztail_m = lane < out_dim - zfull * L

    def copy_a(g, wait):
        roff = base + g * G
        dma = pltpu.make_async_copy(
            left_hbm.at[pl.ds(roff, G), pl.ds(0, KA)], la_v, sem_la)
        dma.wait() if wait else dma.start()

    def copy_b(g, wait):
        roff = base + g * G
        dma = pltpu.make_async_copy(
            left_hbm.at[pl.ds(roff, G), pl.ds(KA, kb)], lb_v, sem_lb)
        dma.wait() if wait else dma.start()

    def copy_o(g, p, wait):
        roff = base + g * G
        dma = pltpu.make_async_copy(
            out_vs[p], out_hbm.at[pl.ds(roff, G)], sem_o[p])
        dma.wait() if wait else dma.start()

    def copy_r(g, p, wait):
        roff = base + g * G
        dma = pltpu.make_async_copy(
            right_hbm.at[pl.ds(roff, G)], right_vs[p], sem_r[p])
        dma.wait() if wait else dma.start()

    copy_a(0, False)
    copy_b(0, False)
    copy_r(0, 0, False)
    pltpu.sync_copy(comb_hbm, idx_v)

    def compute_half(lref, koff, c_lo, c_hi, out_v, right_v):
        @plsc.parallel_loop(c_lo, c_hi, unroll=1)
        def chunk_loop(c):
            comb = idx_v[pl.ds(c * L, L)]
            d = lax.shift_right_logical(comb, 8)
            s = lax.bitwise_and(comb, 255)
            for r in range(G):
                rr = jnp.full((L,), r, jnp.int32)
                gat = plsc.load_gather(right_v, [rr, d])
                lv = lref[r, pl.ds(c * L - koff, L)]
                plsc.addupdate_scatter(out_v, [rr, s], gat * lv)

    def do_group(g, p):
        out_v = out_vs[p]
        right_v = right_vs[p]
        @pl.when(g >= 2)
        def _():
            copy_o(g, p, True)
        copy_r(g, p, True)

        @pl.when(g + 1 < n_groups)
        def _():
            copy_r(g + 1, 1 - p, False)
        for r in range(G):
            rr = jnp.full((L,), r, jnp.int32)
            for i in range(zfull):
                out_v[r, pl.ds(i * L, L)] = zeros16
            plsc.store_scatter(out_v, [rr, ztail_s], zeros16, mask=ztail_m)

        copy_a(g, True)
        compute_half(la_v, 0, 0, ca, out_v, right_v)

        @pl.when(g + 1 < n_groups)
        def _():
            copy_a(g + 1, False)

        copy_b(g, True)
        compute_half(lb_v, KA, ca, n_full, out_v, right_v)

        comb = idx_v[pl.ds(n_full * L, L)]
        d = lax.shift_right_logical(comb, 8)
        s = lax.bitwise_and(comb, 255)
        for r in range(G):
            rr = jnp.full((L,), r, jnp.int32)
            gat = plsc.load_gather(right_v, [rr, d], mask=tail_m)
            lv = plsc.load_gather(lb_v, [rr, tail_k], mask=tail_m)
            plsc.addupdate_scatter(out_v, [rr, s], gat * lv, mask=tail_m)

        @pl.when(g + 1 < n_groups)
        def _():
            copy_b(g + 1, False)

        copy_o(g, p, False)

    def group_pair(i, _):
        do_group(2 * i, 0)
        do_group(2 * i + 1, 1)
        return 0

    lax.fori_loop(0, n_groups // 2, group_pair, 0)
    copy_o(n_groups - 2, 0, True)
    copy_o(n_groups - 1, 1, True)


def kernel(right, left_values, desc_idx, scatter_idx):
    b, n_desc = right.shape
    nnz = left_values.shape[1]
    n_atoms3 = 150

    d32 = desc_idx.astype(jnp.int32)
    s32 = scatter_idx.astype(jnp.int32)
    comb = jnp.left_shift(d32, 8) | s32
    nnz_pad = ((nnz + L - 1) // L) * L
    comb = jnp.concatenate(
        [comb, jnp.full((nnz_pad - nnz,), n_atoms3, jnp.int32)])

    rows_per_w = b // NW
    mesh = plsc.VectorSubcoreMesh(core_axis_name="c", subcore_axis_name="s",
                                  num_cores=NC, num_subcores=NS)
    body = functools.partial(_sc_body, n_desc, nnz, rows_per_w)
    out = pl.kernel(
        body,
        out_type=jax.ShapeDtypeStruct((b, n_atoms3), jnp.float32),
        mesh=mesh,
        compiler_params=pltpu.CompilerParams(needs_layout_passes=False,
                                             skip_device_barrier=True),
        scratch_types=[
            [pltpu.VMEM((G, n_desc), jnp.float32),
             pltpu.VMEM((G, n_desc), jnp.float32)],
            pltpu.VMEM((G, KA), jnp.float32),
            pltpu.VMEM((G, nnz - KA), jnp.float32),
            pltpu.VMEM((nnz_pad,), jnp.int32),
            [pltpu.VMEM((G, n_atoms3), jnp.float32),
             pltpu.VMEM((G, n_atoms3), jnp.float32)],
            [pltpu.SemaphoreType.DMA,
             pltpu.SemaphoreType.DMA],
            pltpu.SemaphoreType.DMA,
            pltpu.SemaphoreType.DMA,
            [pltpu.SemaphoreType.DMA,
             pltpu.SemaphoreType.DMA],
        ],
    )(right, left_values, comb)
    return out.reshape(b, n_atoms3 // 3, 3)

# --- scband reference (transcript-rebuilt; emitter-appended) ---
"""Pipeline reference for scband-smart-derivatives-86440511799647 (READ-ONLY COPY).

The authoritative reference and input builder live on the scoring server;
editing this copy changes nothing except your own understanding.
"""

import jax, jax.numpy as jnp
import numpy as np

B = 4096          # batch of configurations
N_DESC = 1225     # pairwise distances of 50 atoms
N_ATOMS = 50
NNZ = 7350        # 1225 descriptors * 6 nonzero pos-derivative entries each
OUT_DIM = N_ATOMS * 3


def setup_inputs(seed: int = 0) -> dict:
    key = jax.random.key(seed)
    k1, k2, k3, k4 = jax.random.split(key, 4)
    # 'right': derivatives of model output wrt descriptors, per batch sample
    right = jax.random.normal(k1, (B, N_DESC), dtype=jnp.float32)
    # 'left': the stored non-zero entries of d_desc/d_pos, per batch sample
    left_values = jax.random.normal(k2, (B, NNZ), dtype=jnp.float32)
    # index into descriptor axis for each stored non-zero entry
    desc_idx = jax.random.randint(k3, (NNZ,), 0, N_DESC, dtype=jnp.int64)
    # scatter destination in the flattened (atom, xyz) output for each entry
    scatter_idx = jax.random.randint(k4, (NNZ,), 0, OUT_DIM, dtype=jnp.int64)
    return {"right": right, "left_values": left_values, "desc_idx": desc_idx, "scatter_idx": scatter_idx}


def reference(right, left_values, desc_idx, scatter_idx):
    # SmartDerivatives forward:
    # 1) use matrix indices to gather entries of d_output/d_desc (right) into a big tensor
    gathered = jnp.take(right, desc_idx, axis=1)            # [B, NNZ]
    # 2) element-wise multiply with stored non-zero entries of d_desc/d_pos (left)
    contrib = gathered * left_values                        # [B, NNZ]
    # 3) scatter-add single contributions to global per-atom, per-dimension contributions
    out_flat = jnp.zeros((right.shape[0], OUT_DIM), dtype=right.dtype)
    out_flat = out_flat.at[:, scatter_idx].add(contrib)     # [B, OUT_DIM]
    # reshape to [B, n_atoms, 3]: d_output/d_positions
    return out_flat.reshape(right.shape[0], N_ATOMS, 3)

if __name__ == "__main__":
    import jax
    _d = setup_inputs()
    print(jax.jit(kernel)(*tuple(_d.values())))

</pallas_src>

<mosaic_0001>
#map = affine_map<(d0, d1) -> (0, 0)>
#map1 = affine_map<(d0, d1) -> (0)>
module attributes {stable_mosaic.version = 14 : i64} {
  func.func @_sc_body(%arg0: i32, %arg1: i32, %arg2: memref<4096x1225xf32, #tpu.memory_space<hbm>>, %arg3: memref<4096x7350xf32, #tpu.memory_space<hbm>>, %arg4: memref<7360xi32, #tpu.memory_space<hbm>>, %arg5: memref<4096x150xf32, #tpu.memory_space<hbm>>, %arg6: memref<8x1225xf32, #tpu.memory_space<vmem>>, %arg7: memref<8x1225xf32, #tpu.memory_space<vmem>>, %arg8: memref<8x3584xf32, #tpu.memory_space<vmem>>, %arg9: memref<8x3766xf32, #tpu.memory_space<vmem>>, %arg10: memref<7360xi32, #tpu.memory_space<vmem>>, %arg11: memref<8x150xf32, #tpu.memory_space<vmem>>, %arg12: memref<8x150xf32, #tpu.memory_space<vmem>>, %arg13: memref<!tpu.dma_semaphore, #tpu.memory_space<semaphore_mem>>, %arg14: memref<!tpu.dma_semaphore, #tpu.memory_space<semaphore_mem>>, %arg15: memref<!tpu.dma_semaphore, #tpu.memory_space<semaphore_mem>>, %arg16: memref<!tpu.dma_semaphore, #tpu.memory_space<semaphore_mem>>, %arg17: memref<!tpu.dma_semaphore, #tpu.memory_space<semaphore_mem>>, %arg18: memref<!tpu.dma_semaphore, #tpu.memory_space<semaphore_mem>>) attributes {dimension_semantics = [#tpu.dimension_semantics<core_parallel>, #tpu.dimension_semantics<subcore_parallel>], iteration_bounds = array<i64: 2, 16>, scalar_prefetch = 0 : i64, scratch_operands = 13 : i64, tpu.core_type = #tpu.core_type<sc_vector_subcore>, window_params = [{transform_indices = #map}, {transform_indices = #map}, {transform_indices = #map1}, {transform_indices = #map}]} {
    %mul3A = arith.constant 2 : i32
    %mul3A_0 = arith.muli %arg1, %mul3A : i32
    %add3A = arith.addi %mul3A_0, %arg0 : i32
    %mul3A_1 = arith.constant 128 : i32
    %mul3A_2 = arith.muli %add3A, %mul3A_1 : i32
    %broadcast_in_dim3A = arith.constant 0.000000e+00 : f32
    %broadcast_in_dim3A_3 = vector.broadcast %broadcast_in_dim3A : f32 to vector<16xf32>
    %iota3A = tpu.iota {dimensions = array<i32: 0>} : vector<16xi32>
    %add3A_4 = arith.constant 3760 : i32
    %add3A_5 = vector.broadcast %add3A_4 : i32 to vector<16xi32>
    %add3A_6 = arith.addi %add3A_5, %iota3A : vector<16xi32>
    %lt3A = arith.constant 6 : i32
    %lt3A_7 = vector.broadcast %lt3A : i32 to vector<16xi32>
    %lt3A_8 = arith.cmpi slt, %iota3A, %lt3A_7 : vector<16xi32>
    %add3A_9 = arith.constant 144 : i32
    %add3A_10 = vector.broadcast %add3A_9 : i32 to vector<16xi32>
    %add3A_11 = arith.addi %add3A_10, %iota3A : vector<16xi32>
    %lt3A_12 = arith.constant 6 : i32
    %lt3A_13 = vector.broadcast %lt3A_12 : i32 to vector<16xi32>
    %lt3A_14 = arith.cmpi slt, %iota3A, %lt3A_13 : vector<16xi32>
    %add3A_15 = arith.constant 0 : i32
    %add3A_16 = arith.addi %mul3A_2, %add3A_15 : i32
    %dma_start3A = arith.constant 0 : i32
    %dma_start3A_17 = tpu.memref_slice %arg3[%add3A_16, %dma_start3A] : memref<4096x7350xf32, #tpu.memory_space<hbm>> -> memref<8x3584xf32, #tpu.memory_space<hbm>>
    %dma_start3A_18 = arith.constant 0 : i32
    %dma_start3A_19 = tpu.memref_slice %arg3[%add3A_16, %dma_start3A_18] : memref<4096x7350xf32, #tpu.memory_space<hbm>> -> memref<8x3584xf32, #tpu.memory_space<hbm>>
    tpu.enqueue_dma source(%dma_start3A_19 : memref<8x3584xf32, #tpu.memory_space<hbm>>) target(%arg8 : memref<8x3584xf32, #tpu.memory_space<vmem>>) target_semaphore(%arg15 : memref<!tpu.dma_semaphore, #tpu.memory_space<semaphore_mem>>)
    %add3A_20 = arith.constant 0 : i32
    %add3A_21 = arith.addi %mul3A_2, %add3A_20 : i32
    %dma_start3A_22 = arith.constant 3584 : i32
    %dma_start3A_23 = tpu.memref_slice %arg3[%add3A_21, %dma_start3A_22] : memref<4096x7350xf32, #tpu.memory_space<hbm>> -> memref<8x3766xf32, #tpu.memory_space<hbm>>
    %dma_start3A_24 = arith.constant 3584 : i32
    %dma_start3A_25 = tpu.memref_slice %arg3[%add3A_21, %dma_start3A_24] : memref<4096x7350xf32, #tpu.memory_space<hbm>> -> memref<8x3766xf32, #tpu.memory_space<hbm>>
    tpu.enqueue_dma source(%dma_start3A_25 : memref<8x3766xf32, #tpu.memory_space<hbm>>) target(%arg9 : memref<8x3766xf32, #tpu.memory_space<vmem>>) target_semaphore(%arg16 : memref<!tpu.dma_semaphore, #tpu.memory_space<semaphore_mem>>)
    %add3A_26 = arith.constant 0 : i32
    %add3A_27 = arith.addi %mul3A_2, %add3A_26 : i32
    %dma_start3A_28 = arith.constant 0 : i32
    %dma_start3A_29 = tpu.memref_slice %arg2[%add3A_27, %dma_start3A_28] : memref<4096x1225xf32, #tpu.memory_space<hbm>> -> memref<8x1225xf32, #tpu.memory_space<hbm>>
    %dma_start3A_30 = arith.constant 0 : i32
    %dma_start3A_31 = tpu.memref_slice %arg2[%add3A_27, %dma_start3A_30] : memref<4096x1225xf32, #tpu.memory_space<hbm>> -> memref<8x1225xf32, #tpu.memory_space<hbm>>
    tpu.enqueue_dma source(%dma_start3A_31 : memref<8x1225xf32, #tpu.memory_space<hbm>>) target(%arg6 : memref<8x1225xf32, #tpu.memory_space<vmem>>) target_semaphore(%arg13 : memref<!tpu.dma_semaphore, #tpu.memory_space<semaphore_mem>>)
    "tpu.region"() ({
      %run_scoped3A = tpu.sem_alloc : memref<!tpu.dma_semaphore, #tpu.memory_space<semaphore_mem>>
      tpu.enqueue_dma source(%arg4 : memref<7360xi32, #tpu.memory_space<hbm>>) target(%arg10 : memref<7360xi32, #tpu.memory_space<vmem>>) target_semaphore(%run_scoped3A : memref<!tpu.dma_semaphore, #tpu.memory_space<semaphore_mem>>)
      tpu.wait_dma2 semaphore(%run_scoped3A : memref<!tpu.dma_semaphore, #tpu.memory_space<semaphore_mem>>) src(%arg4 : memref<7360xi32, #tpu.memory_space<hbm>>) dst(%arg10 : memref<7360xi32, #tpu.memory_space<vmem>>)
      tpu.yield
    }) : () -> ()
    %scan3A = arith.constant 0 : i32
    %scan3A_32 = arith.constant 0 : i32
    %scan3A_33 = arith.constant 8 : i32
    %scan3A_34 = arith.addi %scan3A_32, %scan3A_33 : i32
    %scan3A_35 = arith.constant 1 : i32
    %scan3A_36 = scf.for %scan3A_49 = %scan3A_32 to %scan3A_34 step %scan3A_35 iter_args(%scan3A_50 = %scan3A) -> (i32)  : i32 {
      %mul3A_51 = arith.constant 2 : i32
      %mul3A_52 = arith.muli %mul3A_51, %scan3A_49 : i32
      %ge3A = arith.constant 2 : i32
      %ge3A_53 = arith.cmpi sge, %mul3A_52, %ge3A : i32
      %convert_element_type3A = arith.extui %ge3A_53 : i1 to i32
      %cond3A = arith.constant 0 : i32
      %cond3A_54 = arith.cmpi ne, %convert_element_type3A, %cond3A : i32
      scf.if %cond3A_54 {
        %mul3A_873 = arith.constant 8 : i32
        %mul3A_874 = arith.muli %mul3A_52, %mul3A_873 : i32
        %add3A_875 = arith.addi %mul3A_2, %mul3A_874 : i32
        %dma_wait3A_876 = arith.constant 0 : i32
        %dma_wait3A_877 = tpu.memref_slice %arg5[%add3A_875, %dma_wait3A_876] : memref<4096x150xf32, #tpu.memory_space<hbm>> -> memref<8x150xf32, #tpu.memory_space<hbm>>
        %dma_wait3A_878 = arith.constant 0 : i32
        %dma_wait3A_879 = tpu.memref_slice %arg5[%add3A_875, %dma_wait3A_878] : memref<4096x150xf32, #tpu.memory_space<hbm>> -> memref<8x150xf32, #tpu.memory_space<hbm>>
        tpu.wait_dma2 semaphore(%arg17 : memref<!tpu.dma_semaphore, #tpu.memory_space<semaphore_mem>>) src(%arg11 : memref<8x150xf32, #tpu.memory_space<vmem>>) dst(%dma_wait3A_879 : memref<8x150xf32, #tpu.memory_space<hbm>>)
      } else {
      }
      %mul3A_55 = arith.constant 8 : i32
      %mul3A_56 = arith.muli %mul3A_52, %mul3A_55 : i32
      %add3A_57 = arith.addi %mul3A_2, %mul3A_56 : i32
      %dma_wait3A_58 = arith.constant 0 : i32
      %dma_wait3A_59 = tpu.memref_slice %arg2[%add3A_57, %dma_wait3A_58] : memref<4096x1225xf32, #tpu.memory_space<hbm>> -> memref<8x1225xf32, #tpu.memory_space<hbm>>
      %dma_wait3A_60 = arith.constant 0 : i32
      %dma_wait3A_61 = tpu.memref_slice %arg2[%add3A_57, %dma_wait3A_60] : memref<4096x1225xf32, #tpu.memory_space<hbm>> -> memref<8x1225xf32, #tpu.memory_space<hbm>>
      tpu.wait_dma2 semaphore(%arg13 : memref<!tpu.dma_semaphore, #tpu.memory_space<semaphore_mem>>) src(%dma_wait3A_61 : memref<8x1225xf32, #tpu.memory_space<hbm>>) dst(%arg6 : memref<8x1225xf32, #tpu.memory_space<vmem>>)
      %add3A_62 = arith.constant 1 : i32
      %add3A_63 = arith.addi %mul3A_52, %add3A_62 : i32
      %lt3A_64 = arith.constant 16 : i32
      %lt3A_65 = arith.cmpi slt, %add3A_63, %lt3A_64 : i32
      %convert_element_type3A_66 = arith.extui %lt3A_65 : i1 to i32
      %cond3A_67 = arith.constant 0 : i32
      %cond3A_68 = arith.cmpi ne, %convert_element_type3A_66, %cond3A_67 : i32
      scf.if %cond3A_68 {
        %add3A_873 = arith.constant 1 : i32
        %add3A_874 = arith.addi %mul3A_52, %add3A_873 : i32
        %mul3A_875 = arith.constant 8 : i32
        %mul3A_876 = arith.muli %add3A_874, %mul3A_875 : i32
        %add3A_877 = arith.addi %mul3A_2, %mul3A_876 : i32
        %dma_start3A_878 = arith.constant 0 : i32
        %dma_start3A_879 = tpu.memref_slice %arg2[%add3A_877, %dma_start3A_878] : memref<4096x1225xf32, #tpu.memory_space<hbm>> -> memref<8x1225xf32, #tpu.memory_space<hbm>>
        %dma_start3A_880 = arith.constant 0 : i32
        %dma_start3A_881 = tpu.memref_slice %arg2[%add3A_877, %dma_start3A_880] : memref<4096x1225xf32, #tpu.memory_space<hbm>> -> memref<8x1225xf32, #tpu.memory_space<hbm>>
        tpu.enqueue_dma source(%dma_start3A_881 : memref<8x1225xf32, #tpu.memory_space<hbm>>) target(%arg7 : memref<8x1225xf32, #tpu.memory_space<vmem>>) target_semaphore(%arg14 : memref<!tpu.dma_semaphore, #tpu.memory_space<semaphore_mem>>)
      } else {
      }
      %broadcast_in_dim3A_69 = arith.constant 0 : i32
      %broadcast_in_dim3A_70 = vector.broadcast %broadcast_in_dim3A_69 : i32 to vector<16xi32>
      %swap3A = arith.constant 0 : i32
      %swap3A_71 = arith.index_cast %swap3A : i32 to index
      %swap3A_72 = arith.constant 0 : index
      %swap3A_73 = tpu.vector_load %arg11[%swap3A_71, %swap3A_72] {strides = array<i32>} : memref<8x150xf32, #tpu.memory_space<vmem>>, vector<16xf32>,
      tpu.vector_store %arg11[%swap3A_71, %swap3A_72], %broadcast_in_dim3A_3 {strides = array<i32>} : memref<8x150xf32, #tpu.memory_space<vmem>>, vector<16xf32>,
      %swap3A_74 = arith.constant 0 : i32
      %swap3A_75 = arith.index_cast %swap3A_74 : i32 to index
      %swap3A_76 = arith.constant 16 : index
      %swap3A_77 = tpu.vector_load %arg11[%swap3A_75, %swap3A_76] {strides = array<i32>} : memref<8x150xf32, #tpu.memory_space<vmem>>, vector<16xf32>,
      tpu.vector_store %arg11[%swap3A_75, %swap3A_76], %broadcast_in_dim3A_3 {strides = array<i32>} : memref<8x150xf32, #tpu.memory_space<vmem>>, vector<16xf32>,
      %swap3A_78 = arith.constant 0 : i32
      %swap3A_79 = arith.index_cast %swap3A_78 : i32 to index
      %swap3A_80 = arith.constant 32 : index
      %swap3A_81 = tpu.vector_load %arg11[%swap3A_79, %swap3A_80] {strides = array<i32>} : memref<8x150xf32, #tpu.memory_space<vmem>>, vector<16xf32>,
      tpu.vector_store %arg11[%swap3A_79, %swap3A_80], %broadcast_in_dim3A_3 {strides = array<i32>} : memref<8x150xf32, #tpu.memory_space<vmem>>, vector<16xf32>,
      %swap3A_82 = arith.constant 0 : i32
      %swap3A_83 = arith.index_cast %swap3A_82 : i32 to index
      %swap3A_84 = arith.constant 48 : index
      %swap3A_85 = tpu.vector_load %arg11[%swap3A_83, %swap3A_84] {strides = array<i32>} : memref<8x150xf32, #tpu.memory_space<vmem>>, vector<16xf32>,
      tpu.vector_store %arg11[%swap3A_83, %swap3A_84], %broadcast_in_dim3A_3 {strides = array<i32>} : memref<8x150xf32, #tpu.memory_space<vmem>>, vector<16xf32>,
      %swap3A_86 = arith.constant 0 : i32
      %swap3A_87 = arith.index_cast %swap3A_86 : i32 to index
      %swap3A_88 = arith.constant 64 : index
      %swap3A_89 = tpu.vector_load %arg11[%swap3A_87, %swap3A_88] {strides = array<i32>} : memref<8x150xf32, #tpu.memory_space<vmem>>, vector<16xf32>,
      tpu.vector_store %arg11[%swap3A_87, %swap3A_88], %broadcast_in_dim3A_3 {strides = array<i32>} : memref<8x150xf32, #tpu.memory_space<vmem>>, vector<16xf32>,
      %swap3A_90 = arith.constant 0 : i32
      %swap3A_91 = arith.index_cast %swap3A_90 : i32 to index
      %swap3A_92 = arith.constant 80 : index
      %swap3A_93 = tpu.vector_load %arg11[%swap3A_91, %swap3A_92] {strides = array<i32>} : memref<8x150xf32, #tpu.memory_space<vmem>>, vector<16xf32>,
      tpu.vector_store %arg11[%swap3A_91, %swap3A_92], %broadcast_in_dim3A_3 {strides = array<i32>} : memref<8x150xf32, #tpu.memory_space<vmem>>, vector<16xf32>,
      %swap3A_94 = arith.constant 0 : i32
      %swap3A_95 = arith.index_cast %swap3A_94 : i32 to index
      %swap3A_96 = arith.constant 96 : index
      %swap3A_97 = tpu.vector_load %arg11[%swap3A_95, %swap3A_96] {strides = array<i32>} : memref<8x150xf32, #tpu.memory_space<vmem>>, vector<16xf32>,
      tpu.vector_store %arg11[%swap3A_95, %swap3A_96], %broadcast_in_dim3A_3 {strides = array<i32>} : memref<8x150xf32, #tpu.memory_space<vmem>>, vector<16xf32>,
      %swap3A_98 = arith.constant 0 : i32
      %swap3A_99 = arith.index_cast %swap3A_98 : i32 to index
      %swap3A_100 = arith.constant 112 : index
      %swap3A_101 = tpu.vector_load %arg11[%swap3A_99, %swap3A_100] {strides = array<i32>} : memref<8x150xf32, #tpu.memory_space<vmem>>, vector<16xf32>,
      tpu.vector_store %arg11[%swap3A_99, %swap3A_100], %broadcast_in_dim3A_3 {strides = array<i32>} : memref<8x150xf32, #tpu.memory_space<vmem>>, vector<16xf32>,
      %swap3A_102 = arith.constant 0 : i32
      %swap3A_103 = arith.index_cast %swap3A_102 : i32 to index
      %swap3A_104 = arith.constant 128 : index
      %swap3A_105 = tpu.vector_load %arg11[%swap3A_103, %swap3A_104] {strides = array<i32>} : memref<8x150xf32, #tpu.memory_space<vmem>>, vector<16xf32>,
      tpu.vector_store %arg11[%swap3A_103, %swap3A_104], %broadcast_in_dim3A_3 {strides = array<i32>} : memref<8x150xf32, #tpu.memory_space<vmem>>, vector<16xf32>,
      tpu.vector_store_idx %arg11[%broadcast_in_dim3A_70, %add3A_11], %broadcast_in_dim3A_3 masked %lt3A_14 : memref<8x150xf32, #tpu.memory_space<vmem>>[vector<16xi32>, vector<16xi32>], vector<16xf32>, vector<16xi1>
      %broadcast_in_dim3A_106 = arith.constant 1 : i32
      %broadcast_in_dim3A_107 = vector.broadcast %broadcast_in_dim3A_106 : i32 to vector<16xi32>
      %swap3A_108 = arith.constant 1 : i32
      %swap3A_109 = arith.index_cast %swap3A_108 : i32 to index
      %swap3A_110 = arith.constant 0 : index
      %swap3A_111 = tpu.vector_load %arg11[%swap3A_109, %swap3A_110] {strides = array<i32>} : memref<8x150xf32, #tpu.memory_space<vmem>>, vector<16xf32>,
      tpu.vector_store %arg11[%swap3A_109, %swap3A_110], %broadcast_in_dim3A_3 {strides = array<i32>} : memref<8x150xf32, #tpu.memory_space<vmem>>, vector<16xf32>,
      %swap3A_112 = arith.constant 1 : i32
      %swap3A_113 = arith.index_cast %swap3A_112 : i32 to index
      %swap3A_114 = arith.constant 16 : index
      %swap3A_115 = tpu.vector_load %arg11[%swap3A_113, %swap3A_114] {strides = array<i32>} : memref<8x150xf32, #tpu.memory_space<vmem>>, vector<16xf32>,
      tpu.vector_store %arg11[%swap3A_113, %swap3A_114], %broadcast_in_dim3A_3 {strides = array<i32>} : memref<8x150xf32, #tpu.memory_space<vmem>>, vector<16xf32>,
      %swap3A_116 = arith.constant 1 : i32
      %swap3A_117 = arith.index_cast %swap3A_116 : i32 to index
      %swap3A_118 = arith.constant 32 : index
      %swap3A_119 = tpu.vector_load %arg11[%swap3A_117, %swap3A_118] {strides = array<i32>} : memref<8x150xf32, #tpu.memory_space<vmem>>, vector<16xf32>,
      tpu.vector_store %arg11[%swap3A_117, %swap3A_118], %broadcast_in_dim3A_3 {strides = array<i32>} : memref<8x150xf32, #tpu.memory_space<vmem>>, vector<16xf32>,
      %swap3A_120 = arith.constant 1 : i32
      %swap3A_121 = arith.index_cast %swap3A_120 : i32 to index
      %swap3A_122 = arith.constant 48 : index
      %swap3A_123 = tpu.vector_load %arg11[%swap3A_121, %swap3A_122] {strides = array<i32>} : memref<8x150xf32, #tpu.memory_space<vmem>>, vector<16xf32>,
      tpu.vector_store %arg11[%swap3A_121, %swap3A_122], %broadcast_in_dim3A_3 {strides = array<i32>} : memref<8x150xf32, #tpu.memory_space<vmem>>, vector<16xf32>,
      %swap3A_124 = arith.constant 1 : i32
      %swap3A_125 = arith.index_cast %swap3A_124 : i32 to index
      %swap3A_126 = arith.constant 64 : index
      %swap3A_127 = tpu.vector_load %arg11[%swap3A_125, %swap3A_126] {strides = array<i32>} : memref<8x150xf32, #tpu.memory_space<vmem>>, vector<16xf32>,
      tpu.vector_store %arg11[%swap3A_125, %swap3A_126], %broadcast_in_dim3A_3 {strides = array<i32>} : memref<8x150xf32, #tpu.memory_space<vmem>>, vector<16xf32>,
      %swap3A_128 = arith.constant 1 : i32
      %swap3A_129 = arith.index_cast %swap3A_128 : i32 to index
      %swap3A_130 = arith.constant 80 : index
      %swap3A_131 = tpu.vector_load %arg11[%swap3A_129, %swap3A_130] {strides = array<i32>} : memref<8x150xf32, #tpu.memory_space<vmem>>, vector<16xf32>,
      tpu.vector_store %arg11[%swap3A_129, %swap3A_130], %broadcast_in_dim3A_3 {strides = array<i32>} : memref<8x150xf32, #tpu.memory_space<vmem>>, vector<16xf32>,
      %swap3A_132 = arith.constant 1 : i32
      %swap3A_133 = arith.index_cast %swap3A_132 : i32 to index
      %swap3A_134 = arith.constant 96 : index
      %swap3A_135 = tpu.vector_load %arg11[%swap3A_133, %swap3A_134] {strides = array<i32>} : memref<8x150xf32, #tpu.memory_space<vmem>>, vector<16xf32>,
      tpu.vector_store %arg11[%swap3A_133, %swap3A_134], %broadcast_in_dim3A_3 {strides = array<i32>} : memref<8x150xf32, #tpu.memory_space<vmem>>, vector<16xf32>,
      %swap3A_136 = arith.constant 1 : i32
      %swap3A_137 = arith.index_cast %swap3A_136 : i32 to index
      %swap3A_138 = arith.constant 112 : index
      %swap3A_139 = tpu.vector_load %arg11[%swap3A_137, %swap3A_138] {strides = array<i32>} : memref<8x150xf32, #tpu.memory_space<vmem>>, vector<16xf32>,
      tpu.vector_store %arg11[%swap3A_137, %swap3A_138], %broadcast_in_dim3A_3 {strides = array<i32>} : memref<8x150xf32, #tpu.memory_space<vmem>>, vector<16xf32>,
      %swap3A_140 = arith.constant 1 : i32
      %swap3A_141 = arith.index_cast %swap3A_140 : i32 to index
      %swap3A_142 = arith.constant 128 : index
      %swap3A_143 = tpu.vector_load %arg11[%swap3A_141, %swap3A_142] {strides = array<i32>} : memref<8x150xf32, #tpu.memory_space<vmem>>, vector<16xf32>,
      tpu.vector_store %arg11[%swap3A_141, %swap3A_142], %broadcast_in_dim3A_3 {strides = array<i32>} : memref<8x150xf32, #tpu.memory_space<vmem>>, vector<16xf32>,
      tpu.vector_store_idx %arg11[%broadcast_in_dim3A_107, %add3A_11], %broadcast_in_dim3A_3 masked %lt3A_14 : memref<8x150xf32, #tpu.memory_space<vmem>>[vector<16xi32>, vector<16xi32>], vector<16xf32>, vector<16xi1>
      %broadcast_in_dim3A_144 = arith.constant 2 : i32
      %broadcast_in_dim3A_145 = vector.broadcast %broadcast_in_dim3A_144 : i32 to vector<16xi32>
      %swap3A_146 = arith.constant 2 : i32
      %swap3A_147 = arith.index_cast %swap3A_146 : i32 to index
      %swap3A_148 = arith.constant 0 : index
      %swap3A_149 = tpu.vector_load %arg11[%swap3A_147, %swap3A_148] {strides = array<i32>} : memref<8x150xf32, #tpu.memory_space<vmem>>, vector<16xf32>,
      tpu.vector_store %arg11[%swap3A_147, %swap3A_148], %broadcast_in_dim3A_3 {strides = array<i32>} : memref<8x150xf32, #tpu.memory_space<vmem>>, vector<16xf32>,
      %swap3A_150 = arith.constant 2 : i32
      %swap3A_151 = arith.index_cast %swap3A_150 : i32 to index
      %swap3A_152 = arith.constant 16 : index
      %swap3A_153 = tpu.vector_load %arg11[%swap3A_151, %swap3A_152] {strides = array<i32>} : memref<8x150xf32, #tpu.memory_space<vmem>>, vector<16xf32>,
      tpu.vector_store %arg11[%swap3A_151, %swap3A_152], %broadcast_in_dim3A_3 {strides = array<i32>} : memref<8x150xf32, #tpu.memory_space<vmem>>, vector<16xf32>,
      %swap3A_154 = arith.constant 2 : i32
      %swap3A_155 = arith.index_cast %swap3A_154 : i32 to index
      %swap3A_156 = arith.constant 32 : index
      %swap3A_157 = tpu.vector_load %arg11[%swap3A_155, %swap3A_156] {strides = array<i32>} : memref<8x150xf32, #tpu.memory_space<vmem>>, vector<16xf32>,
      tpu.vector_store %arg11[%swap3A_155, %swap3A_156], %broadcast_in_dim3A_3 {strides = array<i32>} : memref<8x150xf32, #tpu.memory_space<vmem>>, vector<16xf32>,
      %swap3A_158 = arith.constant 2 : i32
      %swap3A_159 = arith.index_cast %swap3A_158 : i32 to index
      %swap3A_160 = arith.constant 48 : index
      %swap3A_161 = tpu.vector_load %arg11[%swap3A_159, %swap3A_160] {strides = array<i32>} : memref<8x150xf32, #tpu.memory_space<vmem>>, vector<16xf32>,
      tpu.vector_store %arg11[%swap3A_159, %swap3A_160], %broadcast_in_dim3A_3 {strides = array<i32>} : memref<8x150xf32, #tpu.memory_space<vmem>>, vector<16xf32>,
      %swap3A_162 = arith.constant 2 : i32
      %swap3A_163 = arith.index_cast %swap3A_162 : i32 to index
      %swap3A_164 = arith.constant 64 : index
      %swap3A_165 = tpu.vector_load %arg11[%swap3A_163, %swap3A_164] {strides = array<i32>} : memref<8x150xf32, #tpu.memory_space<vmem>>, vector<16xf32>,
      tpu.vector_store %arg11[%swap3A_163, %swap3A_164], %broadcast_in_dim3A_3 {strides = array<i32>} : memref<8x150xf32, #tpu.memory_space<vmem>>, vector<16xf32>,
      %swap3A_166 = arith.constant 2 : i32
      %swap3A_167 = arith.index_cast %swap3A_166 : i32 to index
      %swap3A_168 = arith.constant 80 : index
      %swap3A_169 = tpu.vector_load %arg11[%swap3A_167, %swap3A_168] {strides = array<i32>} : memref<8x150xf32, #tpu.memory_space<vmem>>, vector<16xf32>,
      tpu.vector_store %arg11[%swap3A_167, %swap3A_168], %broadcast_in_dim3A_3 {strides = array<i32>} : memref<8x150xf32, #tpu.memory_space<vmem>>, vector<16xf32>,
      %swap3A_170 = arith.constant 2 : i32
      %swap3A_171 = arith.index_cast %swap3A_170 : i32 to index
      %swap3A_172 = arith.constant 96 : index
      %swap3A_173 = tpu.vector_load %arg11[%swap3A_171, %swap3A_172] {strides = array<i32>} : memref<8x150xf32, #tpu.memory_space<vmem>>, vector<16xf32>,
      tpu.vector_store %arg11[%swap3A_171, %swap3A_172], %broadcast_in_dim3A_3 {strides = array<i32>} : memref<8x150xf32, #tpu.memory_space<vmem>>, vector<16xf32>,
      %swap3A_174 = arith.constant 2 : i32
      %swap3A_175 = arith.index_cast %swap3A_174 : i32 to index
      %swap3A_176 = arith.constant 112 : index
      %swap3A_177 = tpu.vector_load %arg11[%swap3A_175, %swap3A_176] {strides = array<i32>} : memref<8x150xf32, #tpu.memory_space<vmem>>, vector<16xf32>,
      tpu.vector_store %arg11[%swap3A_175, %swap3A_176], %broadcast_in_dim3A_3 {strides = array<i32>} : memref<8x150xf32, #tpu.memory_space<vmem>>, vector<16xf32>,
      %swap3A_178 = arith.constant 2 : i32
      %swap3A_179 = arith.index_cast %swap3A_178 : i32 to index
      %swap3A_180 = arith.constant 128 : index
      %swap3A_181 = tpu.vector_load %arg11[%swap3A_179, %swap3A_180] {strides = array<i32>} : memref<8x150xf32, #tpu.memory_space<vmem>>, vector<16xf32>,
      tpu.vector_store %arg11[%swap3A_179, %swap3A_180], %broadcast_in_dim3A_3 {strides = array<i32>} : memref<8x150xf32, #tpu.memory_space<vmem>>, vector<16xf32>,
      tpu.vector_store_idx %arg11[%broadcast_in_dim3A_145, %add3A_11], %broadcast_in_dim3A_3 masked %lt3A_14 : memref<8x150xf32, #tpu.memory_space<vmem>>[vector<16xi32>, vector<16xi32>], vector<16xf32>, vector<16xi1>
      %broadcast_in_dim3A_182 = arith.constant 3 : i32
      %broadcast_in_dim3A_183 = vector.broadcast %broadcast_in_dim3A_182 : i32 to vector<16xi32>
      %swap3A_184 = arith.constant 3 : i32
      %swap3A_185 = arith.index_cast %swap3A_184 : i32 to index
      %swap3A_186 = arith.constant 0 : index
      %swap3A_187 = tpu.vector_load %arg11[%swap3A_185, %swap3A_186] {strides = array<i32>} : memref<8x150xf32, #tpu.memory_space<vmem>>, vector<16xf32>,
      tpu.vector_store %arg11[%swap3A_185, %swap3A_186], %broadcast_in_dim3A_3 {strides = array<i32>} : memref<8x150xf32, #tpu.memory_space<vmem>>, vector<16xf32>,
      %swap3A_188 = arith.constant 3 : i32
      %swap3A_189 = arith.index_cast %swap3A_188 : i32 to index
      %swap3A_190 = arith.constant 16 : index
      %swap3A_191 = tpu.vector_load %arg11[%swap3A_189, %swap3A_190] {strides = array<i32>} : memref<8x150xf32, #tpu.memory_space<vmem>>, vector<16xf32>,
      tpu.vector_store %arg11[%swap3A_189, %swap3A_190], %broadcast_in_dim3A_3 {strides = array<i32>} : memref<8x150xf32, #tpu.memory_space<vmem>>, vector<16xf32>,
      %swap3A_192 = arith.constant 3 : i32
      %swap3A_193 = arith.index_cast %swap3A_192 : i32 to index
      %swap3A_194 = arith.constant 32 : index
      %swap3A_195 = tpu.vector_load %arg11[%swap3A_193, %swap3A_194] {strides = array<i32>} : memref<8x150xf32, #tpu.memory_space<vmem>>, vector<16xf32>,
      tpu.vector_store %arg11[%swap3A_193, %swap3A_194], %broadcast_in_dim3A_3 {strides = array<i32>} : memref<8x150xf32, #tpu.memory_space<vmem>>, vector<16xf32>,
      %swap3A_196 = arith.constant 3 : i32
      %swap3A_197 = arith.index_cast %swap3A_196 : i32 to index
      %swap3A_198 = arith.constant 48 : index
      %swap3A_199 = tpu.vector_load %arg11[%swap3A_197, %swap3A_198] {strides = array<i32>} : memref<8x150xf32, #tpu.memory_space<vmem>>, vector<16xf32>,
      tpu.vector_store %arg11[%swap3A_197, %swap3A_198], %broadcast_in_dim3A_3 {strides = array<i32>} : memref<8x150xf32, #tpu.memory_space<vmem>>, vector<16xf32>,
      %swap3A_200 = arith.constant 3 : i32
      %swap3A_201 = arith.index_cast %swap3A_200 : i32 to index
      %swap3A_202 = arith.constant 64 : index
      %swap3A_203 = tpu.vector_load %arg11[%swap3A_201, %swap3A_202] {strides = array<i32>} : memref<8x150xf32, #tpu.memory_space<vmem>>, vector<16xf32>,
      tpu.vector_store %arg11[%swap3A_201, %swap3A_202], %broadcast_in_dim3A_3 {strides = array<i32>} : memref<8x150xf32, #tpu.memory_space<vmem>>, vector<16xf32>,
      %swap3A_204 = arith.constant 3 : i32
      %swap3A_205 = arith.index_cast %swap3A_204 : i32 to index
      %swap3A_206 = arith.constant 80 : index
      %swap3A_207 = tpu.vector_load %arg11[%swap3A_205, %swap3A_206] {strides = array<i32>} : memref<8x150xf32, #tpu.memory_space<vmem>>, vector<16xf32>,
      tpu.vector_store %arg11[%swap3A_205, %swap3A_206], %broadcast_in_dim3A_3 {strides = array<i32>} : memref<8x150xf32, #tpu.memory_space<vmem>>, vector<16xf32>,
      %swap3A_208 = arith.constant 3 : i32
      %swap3A_209 = arith.index_cast %swap3A_208 : i32 to index
      %swap3A_210 = arith.constant 96 : index
      %swap3A_211 = tpu.vector_load %arg11[%swap3A_209, %swap3A_210] {strides = array<i32>} : memref<8x150xf32, #tpu.memory_space<vmem>>, vector<16xf32>,
      tpu.vector_store %arg11[%swap3A_209, %swap3A_210], %broadcast_in_dim3A_3 {strides = array<i32>} : memref<8x150xf32, #tpu.memory_space<vmem>>, vector<16xf32>,
      %swap3A_212 = arith.constant 3 : i32
      %swap3A_213 = arith.index_cast %swap3A_212 : i32 to index
      %swap3A_214 = arith.constant 112 : index
      %swap3A_215 = tpu.vector_load %arg11[%swap3A_213, %swap3A_214] {strides = array<i32>} : memref<8x150xf32, #tpu.memory_space<vmem>>, vector<16xf32>,
      tpu.vector_store %arg11[%swap3A_213, %swap3A_214], %broadcast_in_dim3A_3 {strides = array<i32>} : memref<8x150xf32, #tpu.memory_space<vmem>>, vector<16xf32>,
      %swap3A_216 = arith.constant 3 : i32
      %swap3A_217 = arith.index_cast %swap3A_216 : i32 to index
      %swap3A_218 = arith.constant 128 : index
      %swap3A_219 = tpu.vector_load %arg11[%swap3A_217, %swap3A_218] {strides = array<i32>} : memref<8x150xf32, #tpu.memory_space<vmem>>, vector<16xf32>,
      tpu.vector_store %arg11[%swap3A_217, %swap3A_218], %broadcast_in_dim3A_3 {strides = array<i32>} : memref<8x150xf32, #tpu.memory_space<vmem>>, vector<16xf32>,
      tpu.vector_store_idx %arg11[%broadcast_in_dim3A_183, %add3A_11], %broadcast_in_dim3A_3 masked %lt3A_14 : memref<8x150xf32, #tpu.memory_space<vmem>>[vector<16xi32>, vector<16xi32>], vector<16xf32>, vector<16xi1>
      %broadcast_in_dim3A_220 = arith.constant 4 : i32
      %broadcast_in_dim3A_221 = vector.broadcast %broadcast_in_dim3A_220 : i32 to vector<16xi32>
      %swap3A_222 = arith.constant 4 : i32
      %swap3A_223 = arith.index_cast %swap3A_222 : i32 to index
      %swap3A_224 = arith.constant 0 : index
      %swap3A_225 = tpu.vector_load %arg11[%swap3A_223, %swap3A_224] {strides = array<i32>} : memref<8x150xf32, #tpu.memory_space<vmem>>, vector<16xf32>,
      tpu.vector_store %arg11[%swap3A_223, %swap3A_224], %broadcast_in_dim3A_3 {strides = array<i32>} : memref<8x150xf32, #tpu.memory_space<vmem>>, vector<16xf32>,
      %swap3A_226 = arith.constant 4 : i32
      %swap3A_227 = arith.index_cast %swap3A_226 : i32 to index
      %swap3A_228 = arith.constant 16 : index
      %swap3A_229 = tpu.vector_load %arg11[%swap3A_227, %swap3A_228] {strides = array<i32>} : memref<8x150xf32, #tpu.memory_space<vmem>>, vector<16xf32>,
      tpu.vector_store %arg11[%swap3A_227, %swap3A_228], %broadcast_in_dim3A_3 {strides = array<i32>} : memref<8x150xf32, #tpu.memory_space<vmem>>, vector<16xf32>,
      %swap3A_230 = arith.constant 4 : i32
      %swap3A_231 = arith.index_cast %swap3A_230 : i32 to index
      %swap3A_232 = arith.constant 32 : index
      %swap3A_233 = tpu.vector_load %arg11[%swap3A_231, %swap3A_232] {strides = array<i32>} : memref<8x150xf32, #tpu.memory_space<vmem>>, vector<16xf32>,
      tpu.vector_store %arg11[%swap3A_231, %swap3A_232], %broadcast_in_dim3A_3 {strides = array<i32>} : memref<8x150xf32, #tpu.memory_space<vmem>>, vector<16xf32>,
      %swap3A_234 = arith.constant 4 : i32
      %swap3A_235 = arith.index_cast %swap3A_234 : i32 to index
      %swap3A_236 = arith.constant 48 : index
      %swap3A_237 = tpu.vector_load %arg11[%swap3A_235, %swap3A_236] {strides = array<i32>} : memref<8x150xf32, #tpu.memory_space<vmem>>, vector<16xf32>,
      tpu.vector_store %arg11[%swap3A_235, %swap3A_236], %broadcast_in_dim3A_3 {strides = array<i32>} : memref<8x150xf32, #tpu.memory_space<vmem>>, vector<16xf32>,
      %swap3A_238 = arith.constant 4 : i32
      %swap3A_239 = arith.index_cast %swap3A_238 : i32 to index
      %swap3A_240 = arith.constant 64 : index
      %swap3A_241 = tpu.vector_load %arg11[%swap3A_239, %swap3A_240] {strides = array<i32>} : memref<8x150xf32, #tpu.memory_space<vmem>>, vector<16xf32>,
      tpu.vector_store %arg11[%swap3A_239, %swap3A_240], %broadcast_in_dim3A_3 {strides = array<i32>} : memref<8x150xf32, #tpu.memory_space<vmem>>, vector<16xf32>,
      %swap3A_242 = arith.constant 4 : i32
      %swap3A_243 = arith.index_cast %swap3A_242 : i32 to index
      %swap3A_244 = arith.constant 80 : index
      %swap3A_245 = tpu.vector_load %arg11[%swap3A_243, %swap3A_244] {strides = array<i32>} : memref<8x150xf32, #tpu.memory_space<vmem>>, vector<16xf32>,
      tpu.vector_store %arg11[%swap3A_243, %swap3A_244], %broadcast_in_dim3A_3 {strides = array<i32>} : memref<8x150xf32, #tpu.memory_space<vmem>>, vector<16xf32>,
      %swap3A_246 = arith.constant 4 : i32
      %swap3A_247 = arith.index_cast %swap3A_246 : i32 to index
      %swap3A_248 = arith.constant 96 : index
      %swap3A_249 = tpu.vector_load %arg11[%swap3A_247, %swap3A_248] {strides = array<i32>} : memref<8x150xf32, #tpu.memory_space<vmem>>, vector<16xf32>,
      tpu.vector_store %arg11[%swap3A_247, %swap3A_248], %broadcast_in_dim3A_3 {strides = array<i32>} : memref<8x150xf32, #tpu.memory_space<vmem>>, vector<16xf32>,
      %swap3A_250 = arith.constant 4 : i32
      %swap3A_251 = arith.index_cast %swap3A_250 : i32 to index
      %swap3A_252 = arith.constant 112 : index
      %swap3A_253 = tpu.vector_load %arg11[%swap3A_251, %swap3A_252] {strides = array<i32>} : memref<8x150xf32, #tpu.memory_space<vmem>>, vector<16xf32>,
      tpu.vector_store %arg11[%swap3A_251, %swap3A_252], %broadcast_in_dim3A_3 {strides = array<i32>} : memref<8x150xf32, #tpu.memory_space<vmem>>, vector<16xf32>,
      %swap3A_254 = arith.constant 4 : i32
      %swap3A_255 = arith.index_cast %swap3A_254 : i32 to index
      %swap3A_256 = arith.constant 128 : index
      %swap3A_257 = tpu.vector_load %arg11[%swap3A_255, %swap3A_256] {strides = array<i32>} : memref<8x150xf32, #tpu.memory_space<vmem>>, vector<16xf32>,
      tpu.vector_store %arg11[%swap3A_255, %swap3A_256], %broadcast_in_dim3A_3 {strides = array<i32>} : memref<8x150xf32, #tpu.memory_space<vmem>>, vector<16xf32>,
      tpu.vector_store_idx %arg11[%broadcast_in_dim3A_221, %add3A_11], %broadcast_in_dim3A_3 masked %lt3A_14 : memref<8x150xf32, #tpu.memory_space<vmem>>[vector<16xi32>, vector<16xi32>], vector<16xf32>, vector<16xi1>
      %broadcast_in_dim3A_258 = arith.constant 5 : i32
      %broadcast_in_dim3A_259 = vector.broadcast %broadcast_in_dim3A_258 : i32 to vector<16xi32>
      %swap3A_260 = arith.constant 5 : i32
      %swap3A_261 = arith.index_cast %swap3A_260 : i32 to index
      %swap3A_262 = arith.constant 0 : index
      %swap3A_263 = tpu.vector_load %arg11[%swap3A_261, %swap3A_262] {strides = array<i32>} : memref<8x150xf32, #tpu.memory_space<vmem>>, vector<16xf32>,
      tpu.vector_store %arg11[%swap3A_261, %swap3A_262], %broadcast_in_dim3A_3 {strides = array<i32>} : memref<8x150xf32, #tpu.memory_space<vmem>>, vector<16xf32>,
      %swap3A_264 = arith.constant 5 : i32
      %swap3A_265 = arith.index_cast %swap3A_264 : i32 to index
      %swap3A_266 = arith.constant 16 : index
      %swap3A_267 = tpu.vector_load %arg11[%swap3A_265, %swap3A_266] {strides = array<i32>} : memref<8x150xf32, #tpu.memory_space<vmem>>, vector<16xf32>,
      tpu.vector_store %arg11[%swap3A_265, %swap3A_266], %broadcast_in_dim3A_3 {strides = array<i32>} : memref<8x150xf32, #tpu.memory_space<vmem>>, vector<16xf32>,
      %swap3A_268 = arith.constant 5 : i32
      %swap3A_269 = arith.index_cast %swap3A_268 : i32 to index
      %swap3A_270 = arith.constant 32 : index
      %swap3A_271 = tpu.vector_load %arg11[%swap3A_269, %swap3A_270] {strides = array<i32>} : memref<8x150xf32, #tpu.memory_space<vmem>>, vector<16xf32>,
      tpu.vector_store %arg11[%swap3A_269, %swap3A_270], %broadcast_in_dim3A_3 {strides = array<i32>} : memref<8x150xf32, #tpu.memory_space<vmem>>, vector<16xf32>,
      %swap3A_272 = arith.constant 5 : i32
      %swap3A_273 = arith.index_cast %swap3A_272 : i32 to index
      %swap3A_274 = arith.constant 48 : index
      %swap3A_275 = tpu.vector_load %arg11[%swap3A_273, %swap3A_274] {strides = array<i32>} : memref<8x150xf32, #tpu.memory_space<vmem>>, vector<16xf32>,
      tpu.vector_store %arg11[%swap3A_273, %swap3A_274], %broadcast_in_dim3A_3 {strides = array<i32>} : memref<8x150xf32, #tpu.memory_space<vmem>>, vector<16xf32>,
      %swap3A_276 = arith.constant 5 : i32
      %swap3A_277 = arith.index_cast %swap3A_276 : i32 to index
      %swap3A_278 = arith.constant 64 : index
      %swap3A_279 = tpu.vector_load %arg11[%swap3A_277, %swap3A_278] {strides = array<i32>} : memref<8x150xf32, #tpu.memory_space<vmem>>, vector<16xf32>,
      tpu.vector_store %arg11[%swap3A_277, %swap3A_278], %broadcast_in_dim3A_3 {strides = array<i32>} : memref<8x150xf32, #tpu.memory_space<vmem>>, vector<16xf32>,
      %swap3A_280 = arith.constant 5 : i32
      %swap3A_281 = arith.index_cast %swap3A_280 : i32 to index
      %swap3A_282 = arith.constant 80 : index
      %swap3A_283 = tpu.vector_load %arg11[%swap3A_281, %swap3A_282] {strides = array<i32>} : memref<8x150xf32, #tpu.memory_space<vmem>>, vector<16xf32>,
      tpu.vector_store %arg11[%swap3A_281, %swap3A_282], %broadcast_in_dim3A_3 {strides = array<i32>} : memref<8x150xf32, #tpu.memory_space<vmem>>, vector<16xf32>,
      %swap3A_284 = arith.constant 5 : i32
      %swap3A_285 = arith.index_cast %swap3A_284 : i32 to index
      %swap3A_286 = arith.constant 96 : index
      %swap3A_287 = tpu.vector_load %arg11[%swap3A_285, %swap3A_286] {strides = array<i32>} : memref<8x150xf32, #tpu.memory_space<vmem>>, vector<16xf32>,
      tpu.vector_store %arg11[%swap3A_285, %swap3A_286], %broadcast_in_dim3A_3 {strides = array<i32>} : memref<8x150xf32, #tpu.memory_space<vmem>>, vector<16xf32>,
      %swap3A_288 = arith.constant 5 : i32
      %swap3A_289 = arith.index_cast %swap3A_288 : i32 to index
      %swap3A_290 = arith.constant 112 : index
      %swap3A_291 = tpu.vector_load %arg11[%swap3A_289, %swap3A_290] {strides = array<i32>} : memref<8x150xf32, #tpu.memory_space<vmem>>, vector<16xf32>,
      tpu.vector_store %arg11[%swap3A_289, %swap3A_290], %broadcast_in_dim3A_3 {strides = array<i32>} : memref<8x150xf32, #tpu.memory_space<vmem>>, vector<16xf32>,
      %swap3A_292 = arith.constant 5 : i32
      %swap3A_293 = arith.index_cast %swap3A_292 : i32 to index
      %swap3A_294 = arith.constant 128 : index
      %swap3A_295 = tpu.vector_load %arg11[%swap3A_293, %swap3A_294] {strides = array<i32>} : memref<8x150xf32, #tpu.memory_space<vmem>>, vector<16xf32>,
      tpu.vector_store %arg11[%swap3A_293, %swap3A_294], %broadcast_in_dim3A_3 {strides = array<i32>} : memref<8x150xf32, #tpu.memory_space<vmem>>, vector<16xf32>,
      tpu.vector_store_idx %arg11[%broadcast_in_dim3A_259, %add3A_11], %broadcast_in_dim3A_3 masked %lt3A_14 : memref<8x150xf32, #tpu.memory_space<vmem>>[vector<16xi32>, vector<16xi32>], vector<16xf32>, vector<16xi1>
      %broadcast_in_dim3A_296 = arith.constant 6 : i32
      %broadcast_in_dim3A_297 = vector.broadcast %broadcast_in_dim3A_296 : i32 to vector<16xi32>
      %swap3A_298 = arith.constant 6 : i32
      %swap3A_299 = arith.index_cast %swap3A_298 : i32 to index
      %swap3A_300 = arith.constant 0 : index
      %swap3A_301 = tpu.vector_load %arg11[%swap3A_299, %swap3A_300] {strides = array<i32>} : memref<8x150xf32, #tpu.memory_space<vmem>>, vector<16xf32>,
      tpu.vector_store %arg11[%swap3A_299, %swap3A_300], %broadcast_in_dim3A_3 {strides = array<i32>} : memref<8x150xf32, #tpu.memory_space<vmem>>, vector<16xf32>,
      %swap3A_302 = arith.constant 6 : i32
      %swap3A_303 = arith.index_cast %swap3A_302 : i32 to index
      %swap3A_304 = arith.constant 16 : index
      %swap3A_305 = tpu.vector_load %arg11[%swap3A_303, %swap3A_304] {strides = array<i32>} : memref<8x150xf32, #tpu.memory_space<vmem>>, vector<16xf32>,
      tpu.vector_store %arg11[%swap3A_303, %swap3A_304], %broadcast_in_dim3A_3 {strides = array<i32>} : memref<8x150xf32, #tpu.memory_space<vmem>>, vector<16xf32>,
      %swap3A_306 = arith.constant 6 : i32
      %swap3A_307 = arith.index_cast %swap3A_306 : i32 to index
      %swap3A_308 = arith.constant 32 : index
      %swap3A_309 = tpu.vector_load %arg11[%swap3A_307, %swap3A_308] {strides = array<i32>} : memref<8x150xf32, #tpu.memory_space<vmem>>, vector<16xf32>,
      tpu.vector_store %arg11[%swap3A_307, %swap3A_308], %broadcast_in_dim3A_3 {strides = array<i32>} : memref<8x150xf32, #tpu.memory_space<vmem>>, vector<16xf32>,
      %swap3A_310 = arith.constant 6 : i32
      %swap3A_311 = arith.index_cast %swap3A_310 : i32 to index
      %swap3A_312 = arith.constant 48 : index
      %swap3A_313 = tpu.vector_load %arg11[%swap3A_311, %swap3A_312] {strides = array<i32>} : memref<8x150xf32, #tpu.memory_space<vmem>>, vector<16xf32>,
      tpu.vector_store %arg11[%swap3A_311, %swap3A_312], %broadcast_in_dim3A_3 {strides = array<i32>} : memref<8x150xf32, #tpu.memory_space<vmem>>, vector<16xf32>,
      %swap3A_314 = arith.constant 6 : i32
      %swap3A_315 = arith.index_cast %swap3A_314 : i32 to index
      %swap3A_316 = arith.constant 64 : index
      %swap3A_317 = tpu.vector_load %arg11[%swap3A_315, %swap3A_316] {strides = array<i32>} : memref<8x150xf32, #tpu.memory_space<vmem>>, vector<16xf32>,
      tpu.vector_store %arg11[%swap3A_315, %swap3A_316], %broadcast_in_dim3A_3 {strides = array<i32>} : memref<8x150xf32, #tpu.memory_space<vmem>>, vector<16xf32>,
      %swap3A_318 = arith.constant 6 : i32
      %swap3A_319 = arith.index_cast %swap3A_318 : i32 to index
      %swap3A_320 = arith.constant 80 : index
      %swap3A_321 = tpu.vector_load %arg11[%swap3A_319, %swap3A_320] {strides = array<i32>} : memref<8x150xf32, #tpu.memory_space<vmem>>, vector<16xf32>,
      tpu.vector_store %arg11[%swap3A_319, %swap3A_320], %broadcast_in_dim3A_3 {strides = array<i32>} : memref<8x150xf32, #tpu.memory_space<vmem>>, vector<16xf32>,
      %swap3A_322 = arith.constant 6 : i32
      %swap3A_323 = arith.index_cast %swap3A_322 : i32 to index
      %swap3A_324 = arith.constant 96 : index
      %swap3A_325 = tpu.vector_load %arg11[%swap3A_323, %swap3A_324] {strides = array<i32>} : memref<8x150xf32, #tpu.memory_space<vmem>>, vector<16xf32>,
      tpu.vector_store %arg11[%swap3A_323, %swap3A_324], %broadcast_in_dim3A_3 {strides = array<i32>} : memref<8x150xf32, #tpu.memory_space<vmem>>, vector<16xf32>,
      %swap3A_326 = arith.constant 6 : i32
      %swap3A_327 = arith.index_cast %swap3A_326 : i32 to index
      %swap3A_328 = arith.constant 112 : index
      %swap3A_329 = tpu.vector_load %arg11[%swap3A_327, %swap3A_328] {strides = array<i32>} : memref<8x150xf32, #tpu.memory_space<vmem>>, vector<16xf32>,
      tpu.vector_store %arg11[%swap3A_327, %swap3A_328], %broadcast_in_dim3A_3 {strides = array<i32>} : memref<8x150xf32, #tpu.memory_space<vmem>>, vector<16xf32>,
      %swap3A_330 = arith.constant 6 : i32
      %swap3A_331 = arith.index_cast %swap3A_330 : i32 to index
      %swap3A_332 = arith.constant 128 : index
      %swap3A_333 = tpu.vector_load %arg11[%swap3A_331, %swap3A_332] {strides = array<i32>} : memref<8x150xf32, #tpu.memory_space<vmem>>, vector<16xf32>,
      tpu.vector_store %arg11[%swap3A_331, %swap3A_332], %broadcast_in_dim3A_3 {strides = array<i32>} : memref<8x150xf32, #tpu.memory_space<vmem>>, vector<16xf32>,
      tpu.vector_store_idx %arg11[%broadcast_in_dim3A_297, %add3A_11], %broadcast_in_dim3A_3 masked %lt3A_14 : memref<8x150xf32, #tpu.memory_space<vmem>>[vector<16xi32>, vector<16xi32>], vector<16xf32>, vector<16xi1>
      %broadcast_in_dim3A_334 = arith.constant 7 : i32
      %broadcast_in_dim3A_335 = vector.broadcast %broadcast_in_dim3A_334 : i32 to vector<16xi32>
      %swap3A_336 = arith.constant 7 : i32
      %swap3A_337 = arith.index_cast %swap3A_336 : i32 to index
      %swap3A_338 = arith.constant 0 : index
      %swap3A_339 = tpu.vector_load %arg11[%swap3A_337, %swap3A_338] {strides = array<i32>} : memref<8x150xf32, #tpu.memory_space<vmem>>, vector<16xf32>,
      tpu.vector_store %arg11[%swap3A_337, %swap3A_338], %broadcast_in_dim3A_3 {strides = array<i32>} : memref<8x150xf32, #tpu.memory_space<vmem>>, vector<16xf32>,
      %swap3A_340 = arith.constant 7 : i32
      %swap3A_341 = arith.index_cast %swap3A_340 : i32 to index
      %swap3A_342 = arith.constant 16 : index
      %swap3A_343 = tpu.vector_load %arg11[%swap3A_341, %swap3A_342] {strides = array<i32>} : memref<8x150xf32, #tpu.memory_space<vmem>>, vector<16xf32>,
      tpu.vector_store %arg11[%swap3A_341, %swap3A_342], %broadcast_in_dim3A_3 {strides = array<i32>} : memref<8x150xf32, #tpu.memory_space<vmem>>, vector<16xf32>,
      %swap3A_344 = arith.constant 7 : i32
      %swap3A_345 = arith.index_cast %swap3A_344 : i32 to index
      %swap3A_346 = arith.constant 32 : index
      %swap3A_347 = tpu.vector_load %arg11[%swap3A_345, %swap3A_346] {strides = array<i32>} : memref<8x150xf32, #tpu.memory_space<vmem>>, vector<16xf32>,
      tpu.vector_store %arg11[%swap3A_345, %swap3A_346], %broadcast_in_dim3A_3 {strides = array<i32>} : memref<8x150xf32, #tpu.memory_space<vmem>>, vector<16xf32>,
      %swap3A_348 = arith.constant 7 : i32
      %swap3A_349 = arith.index_cast %swap3A_348 : i32 to index
      %swap3A_350 = arith.constant 48 : index
      %swap3A_351 = tpu.vector_load %arg11[%swap3A_349, %swap3A_350] {strides = array<i32>} : memref<8x150xf32, #tpu.memory_space<vmem>>, vector<16xf32>,
      tpu.vector_store %arg11[%swap3A_349, %swap3A_350], %broadcast_in_dim3A_3 {strides = array<i32>} : memref<8x150xf32, #tpu.memory_space<vmem>>, vector<16xf32>,
      %swap3A_352 = arith.constant 7 : i32
      %swap3A_353 = arith.index_cast %swap3A_352 : i32 to index
      %swap3A_354 = arith.constant 64 : index
      %swap3A_355 = tpu.vector_load %arg11[%swap3A_353, %swap3A_354] {strides = array<i32>} : memref<8x150xf32, #tpu.memory_space<vmem>>, vector<16xf32>,
      tpu.vector_store %arg11[%swap3A_353, %swap3A_354], %broadcast_in_dim3A_3 {strides = array<i32>} : memref<8x150xf32, #tpu.memory_space<vmem>>, vector<16xf32>,
      %swap3A_356 = arith.constant 7 : i32
      %swap3A_357 = arith.index_cast %swap3A_356 : i32 to index
      %swap3A_358 = arith.constant 80 : index
      %swap3A_359 = tpu.vector_load %arg11[%swap3A_357, %swap3A_358] {strides = array<i32>} : memref<8x150xf32, #tpu.memory_space<vmem>>, vector<16xf32>,
      tpu.vector_store %arg11[%swap3A_357, %swap3A_358], %broadcast_in_dim3A_3 {strides = array<i32>} : memref<8x150xf32, #tpu.memory_space<vmem>>, vector<16xf32>,
      %swap3A_360 = arith.constant 7 : i32
      %swap3A_361 = arith.index_cast %swap3A_360 : i32 to index
      %swap3A_362 = arith.constant 96 : index
      %swap3A_363 = tpu.vector_load %arg11[%swap3A_361, %swap3A_362] {strides = array<i32>} : memref<8x150xf32, #tpu.memory_space<vmem>>, vector<16xf32>,
      tpu.vector_store %arg11[%swap3A_361, %swap3A_362], %broadcast_in_dim3A_3 {strides = array<i32>} : memref<8x150xf32, #tpu.memory_space<vmem>>, vector<16xf32>,
      %swap3A_364 = arith.constant 7 : i32
      %swap3A_365 = arith.index_cast %swap3A_364 : i32 to index
      %swap3A_366 = arith.constant 112 : index
      %swap3A_367 = tpu.vector_load %arg11[%swap3A_365, %swap3A_366] {strides = array<i32>} : memref<8x150xf32, #tpu.memory_space<vmem>>, vector<16xf32>,
      tpu.vector_store %arg11[%swap3A_365, %swap3A_366], %broadcast_in_dim3A_3 {strides = array<i32>} : memref<8x150xf32, #tpu.memory_space<vmem>>, vector<16xf32>,
      %swap3A_368 = arith.constant 7 : i32
      %swap3A_369 = arith.index_cast %swap3A_368 : i32 to index
      %swap3A_370 = arith.constant 128 : index
      %swap3A_371 = tpu.vector_load %arg11[%swap3A_369, %swap3A_370] {strides = array<i32>} : memref<8x150xf32, #tpu.memory_space<vmem>>, vector<16xf32>,
      tpu.vector_store %arg11[%swap3A_369, %swap3A_370], %broadcast_in_dim3A_3 {strides = array<i32>} : memref<8x150xf32, #tpu.memory_space<vmem>>, vector<16xf32>,
      tpu.vector_store_idx %arg11[%broadcast_in_dim3A_335, %add3A_11], %broadcast_in_dim3A_3 masked %lt3A_14 : memref<8x150xf32, #tpu.memory_space<vmem>>[vector<16xi32>, vector<16xi32>], vector<16xf32>, vector<16xi1>
      %mul3A_372 = arith.constant 8 : i32
      %mul3A_373 = arith.muli %mul3A_52, %mul3A_372 : i32
      %add3A_374 = arith.addi %mul3A_2, %mul3A_373 : i32
      %dma_wait3A_375 = arith.constant 0 : i32
      %dma_wait3A_376 = tpu.memref_slice %arg3[%add3A_374, %dma_wait3A_375] : memref<4096x7350xf32, #tpu.memory_space<hbm>> -> memref<8x3584xf32, #tpu.memory_space<hbm>>
      %dma_wait3A_377 = arith.constant 0 : i32
      %dma_wait3A_378 = tpu.memref_slice %arg3[%add3A_374, %dma_wait3A_377] : memref<4096x7350xf32, #tpu.memory_space<hbm>> -> memref<8x3584xf32, #tpu.memory_space<hbm>>
      tpu.wait_dma2 semaphore(%arg15 : memref<!tpu.dma_semaphore, #tpu.memory_space<semaphore_mem>>) src(%dma_wait3A_378 : memref<8x3584xf32, #tpu.memory_space<hbm>>) dst(%arg8 : memref<8x3584xf32, #tpu.memory_space<vmem>>)
      %parallel_loop3A = arith.constant 0 : i32
      %parallel_loop3A_379 = arith.constant 224 : i32
      %parallel_loop3A_380 = arith.constant 1 : i32
      scf.for %parallel_loop3A_873 = %parallel_loop3A to %parallel_loop3A_379 step %parallel_loop3A_380  : i32 {
        %parallel_loop3A_874 = arith.constant 16 : i32
        %parallel_loop3A_875 = arith.muli %parallel_loop3A_873, %parallel_loop3A_874 : i32
        %parallel_loop3A_876 = arith.index_cast %parallel_loop3A_875 : i32 to index
        %parallel_loop3A_877 = tpu.vector_load %arg10[%parallel_loop3A_876] {strides = array<i32>} : memref<7360xi32, #tpu.memory_space<vmem>>, vector<16xi32>,
        %parallel_loop3A_878 = arith.constant 8 : i32
        %parallel_loop3A_879 = vector.broadcast %parallel_loop3A_878 : i32 to vector<16xi32>
        %parallel_loop3A_880 = arith.shrui %parallel_loop3A_877, %parallel_loop3A_879 : vector<16xi32>
        %parallel_loop3A_881 = arith.constant 255 : i32
        %parallel_loop3A_882 = vector.broadcast %parallel_loop3A_881 : i32 to vector<16xi32>
        %parallel_loop3A_883 = arith.andi %parallel_loop3A_877, %parallel_loop3A_882 : vector<16xi32>
        %parallel_loop3A_884 = arith.constant 0 : i32
        %parallel_loop3A_885 = vector.broadcast %parallel_loop3A_884 : i32 to vector<16xi32>
        %parallel_loop3A_886 = tpu.vector_load_idx %arg6[%parallel_loop3A_885, %parallel_loop3A_880] : memref<8x1225xf32, #tpu.memory_space<vmem>>[vector<16xi32>, vector<16xi32>], vector<16xf32>,
        %parallel_loop3A_887 = arith.constant 16 : i32
        %parallel_loop3A_888 = arith.muli %parallel_loop3A_873, %parallel_loop3A_887 : i32
        %parallel_loop3A_889 = arith.constant 0 : i32
        %parallel_loop3A_890 = arith.subi %parallel_loop3A_888, %parallel_loop3A_889 : i32
        %parallel_loop3A_891 = arith.constant 0 : i32
        %parallel_loop3A_892 = arith.index_cast %parallel_loop3A_891 : i32 to index
        %parallel_loop3A_893 = arith.index_cast %parallel_loop3A_890 : i32 to index
        %parallel_loop3A_894 = tpu.vector_load %arg8[%parallel_loop3A_892, %parallel_loop3A_893] {strides = array<i32>} : memref<8x3584xf32, #tpu.memory_space<vmem>>, vector<16xf32>,
        %parallel_loop3A_895 = arith.mulf %parallel_loop3A_886, %parallel_loop3A_894 : vector<16xf32>
        tpu.vector_store_idx %arg11[%parallel_loop3A_885, %parallel_loop3A_883], %parallel_loop3A_895 {add = true} : memref<8x150xf32, #tpu.memory_space<vmem>>[vector<16xi32>, vector<16xi32>], vector<16xf32>,
        %parallel_loop3A_896 = arith.constant 1 : i32
        %parallel_loop3A_897 = vector.broadcast %parallel_loop3A_896 : i32 to vector<16xi32>
        %parallel_loop3A_898 = tpu.vector_load_idx %arg6[%parallel_loop3A_897, %parallel_loop3A_880] : memref<8x1225xf32, #tpu.memory_space<vmem>>[vector<16xi32>, vector<16xi32>], vector<16xf32>,
        %parallel_loop3A_899 = arith.constant 16 : i32
        %parallel_loop3A_900 = arith.muli %parallel_loop3A_873, %parallel_loop3A_899 : i32
        %parallel_loop3A_901 = arith.constant 0 : i32
        %parallel_loop3A_902 = arith.subi %parallel_loop3A_900, %parallel_loop3A_901 : i32
        %parallel_loop3A_903 = arith.constant 1 : i32
        %parallel_loop3A_904 = arith.index_cast %parallel_loop3A_903 : i32 to index
        %parallel_loop3A_905 = arith.index_cast %parallel_loop3A_902 : i32 to index
        %parallel_loop3A_906 = tpu.vector_load %arg8[%parallel_loop3A_904, %parallel_loop3A_905] {strides = array<i32>} : memref<8x3584xf32, #tpu.memory_space<vmem>>, vector<16xf32>,
        %parallel_loop3A_907 = arith.mulf %parallel_loop3A_898, %parallel_loop3A_906 : vector<16xf32>
        tpu.vector_store_idx %arg11[%parallel_loop3A_897, %parallel_loop3A_883], %parallel_loop3A_907 {add = true} : memref<8x150xf32, #tpu.memory_space<vmem>>[vector<16xi32>, vector<16xi32>], vector<16xf32>,
        %parallel_loop3A_908 = arith.constant 2 : i32
        %parallel_loop3A_909 = vector.broadcast %parallel_loop3A_908 : i32 to vector<16xi32>
        %parallel_loop3A_910 = tpu.vector_load_idx %arg6[%parallel_loop3A_909, %parallel_loop3A_880] : memref<8x1225xf32, #tpu.memory_space<vmem>>[vector<16xi32>, vector<16xi32>], vector<16xf32>,
        %parallel_loop3A_911 = arith.constant 16 : i32
        %parallel_loop3A_912 = arith.muli %parallel_loop3A_873, %parallel_loop3A_911 : i32
        %parallel_loop3A_913 = arith.constant 0 : i32
        %parallel_loop3A_914 = arith.subi %parallel_loop3A_912, %parallel_loop3A_913 : i32
        %parallel_loop3A_915 = arith.constant 2 : i32
        %parallel_loop3A_916 = arith.index_cast %parallel_loop3A_915 : i32 to index
        %parallel_loop3A_917 = arith.index_cast %parallel_loop3A_914 : i32 to index
        %parallel_loop3A_918 = tpu.vector_load %arg8[%parallel_loop3A_916, %parallel_loop3A_917] {strides = array<i32>} : memref<8x3584xf32, #tpu.memory_space<vmem>>, vector<16xf32>,
        %parallel_loop3A_919 = arith.mulf %parallel_loop3A_910, %parallel_loop3A_918 : vector<16xf32>
        tpu.vector_store_idx %arg11[%parallel_loop3A_909, %parallel_loop3A_883], %parallel_loop3A_919 {add = true} : memref<8x150xf32, #tpu.memory_space<vmem>>[vector<16xi32>, vector<16xi32>], vector<16xf32>,
        %parallel_loop3A_920 = arith.constant 3 : i32
        %parallel_loop3A_921 = vector.broadcast %parallel_loop3A_920 : i32 to vector<16xi32>
        %parallel_loop3A_922 = tpu.vector_load_idx %arg6[%parallel_loop3A_921, %parallel_loop3A_880] : memref<8x1225xf32, #tpu.memory_space<vmem>>[vector<16xi32>, vector<16xi32>], vector<16xf32>,
        %parallel_loop3A_923 = arith.constant 16 : i32
        %parallel_loop3A_924 = arith.muli %parallel_loop3A_873, %parallel_loop3A_923 : i32
        %parallel_loop3A_925 = arith.constant 0 : i32
        %parallel_loop3A_926 = arith.subi %parallel_loop3A_924, %parallel_loop3A_925 : i32
        %parallel_loop3A_927 = arith.constant 3 : i32
        %parallel_loop3A_928 = arith.index_cast %parallel_loop3A_927 : i32 to index
        %parallel_loop3A_929 = arith.index_cast %parallel_loop3A_926 : i32 to index
        %parallel_loop3A_930 = tpu.vector_load %arg8[%parallel_loop3A_928, %parallel_loop3A_929] {strides = array<i32>} : memref<8x3584xf32, #tpu.memory_space<vmem>>, vector<16xf32>,
        %parallel_loop3A_931 = arith.mulf %parallel_loop3A_922, %parallel_loop3A_930 : vector<16xf32>
        tpu.vector_store_idx %arg11[%parallel_loop3A_921, %parallel_loop3A_883], %parallel_loop3A_931 {add = true} : memref<8x150xf32, #tpu.memory_space<vmem>>[vector<16xi32>, vector<16xi32>], vector<16xf32>,
        %parallel_loop3A_932 = arith.constant 4 : i32
        %parallel_loop3A_933 = vector.broadcast %parallel_loop3A_932 : i32 to vector<16xi32>
        %parallel_loop3A_934 = tpu.vector_load_idx %arg6[%parallel_loop3A_933, %parallel_loop3A_880] : memref<8x1225xf32, #tpu.memory_space<vmem>>[vector<16xi32>, vector<16xi32>], vector<16xf32>,
        %parallel_loop3A_935 = arith.constant 16 : i32
        %parallel_loop3A_936 = arith.muli %parallel_loop3A_873, %parallel_loop3A_935 : i32
        %parallel_loop3A_937 = arith.constant 0 : i32
        %parallel_loop3A_938 = arith.subi %parallel_loop3A_936, %parallel_loop3A_937 : i32
        %parallel_loop3A_939 = arith.constant 4 : i32
        %parallel_loop3A_940 = arith.index_cast %parallel_loop3A_939 : i32 to index
        %parallel_loop3A_941 = arith.index_cast %parallel_loop3A_938 : i32 to index
        %parallel_loop3A_942 = tpu.vector_load %arg8[%parallel_loop3A_940, %parallel_loop3A_941] {strides = array<i32>} : memref<8x3584xf32, #tpu.memory_space<vmem>>, vector<16xf32>,
        %parallel_loop3A_943 = arith.mulf %parallel_loop3A_934, %parallel_loop3A_942 : vector<16xf32>
        tpu.vector_store_idx %arg11[%parallel_loop3A_933, %parallel_loop3A_883], %parallel_loop3A_943 {add = true} : memref<8x150xf32, #tpu.memory_space<vmem>>[vector<16xi32>, vector<16xi32>], vector<16xf32>,
        %parallel_loop3A_944 = arith.constant 5 : i32
        %parallel_loop3A_945 = vector.broadcast %parallel_loop3A_944 : i32 to vector<16xi32>
        %parallel_loop3A_946 = tpu.vector_load_idx %arg6[%parallel_loop3A_945, %parallel_loop3A_880] : memref<8x1225xf32, #tpu.memory_space<vmem>>[vector<16xi32>, vector<16xi32>], vector<16xf32>,
        %parallel_loop3A_947 = arith.constant 16 : i32
        %parallel_loop3A_948 = arith.muli %parallel_loop3A_873, %parallel_loop3A_947 : i32
        %parallel_loop3A_949 = arith.constant 0 : i32
        %parallel_loop3A_950 = arith.subi %parallel_loop3A_948, %parallel_loop3A_949 : i32
        %parallel_loop3A_951 = arith.constant 5 : i32
        %parallel_loop3A_952 = arith.index_cast %parallel_loop3A_951 : i32 to index
        %parallel_loop3A_953 = arith.index_cast %parallel_loop3A_950 : i32 to index
        %parallel_loop3A_954 = tpu.vector_load %arg8[%parallel_loop3A_952, %parallel_loop3A_953] {strides = array<i32>} : memref<8x3584xf32, #tpu.memory_space<vmem>>, vector<16xf32>,
        %parallel_loop3A_955 = arith.mulf %parallel_loop3A_946, %parallel_loop3A_954 : vector<16xf32>
        tpu.vector_store_idx %arg11[%parallel_loop3A_945, %parallel_loop3A_883], %parallel_loop3A_955 {add = true} : memref<8x150xf32, #tpu.memory_space<vmem>>[vector<16xi32>, vector<16xi32>], vector<16xf32>,
        %parallel_loop3A_956 = arith.constant 6 : i32
        %parallel_loop3A_957 = vector.broadcast %parallel_loop3A_956 : i32 to vector<16xi32>
        %parallel_loop3A_958 = tpu.vector_load_idx %arg6[%parallel_loop3A_957, %parallel_loop3A_880] : memref<8x1225xf32, #tpu.memory_space<vmem>>[vector<16xi32>, vector<16xi32>], vector<16xf32>,
        %parallel_loop3A_959 = arith.constant 16 : i32
        %parallel_loop3A_960 = arith.muli %parallel_loop3A_873, %parallel_loop3A_959 : i32
        %parallel_loop3A_961 = arith.constant 0 : i32
        %parallel_loop3A_962 = arith.subi %parallel_loop3A_960, %parallel_loop3A_961 : i32
        %parallel_loop3A_963 = arith.constant 6 : i32
        %parallel_loop3A_964 = arith.index_cast %parallel_loop3A_963 : i32 to index
        %parallel_loop3A_965 = arith.index_cast %parallel_loop3A_962 : i32 to index
        %parallel_loop3A_966 = tpu.vector_load %arg8[%parallel_loop3A_964, %parallel_loop3A_965] {strides = array<i32>} : memref<8x3584xf32, #tpu.memory_space<vmem>>, vector<16xf32>,
        %parallel_loop3A_967 = arith.mulf %parallel_loop3A_958, %parallel_loop3A_966 : vector<16xf32>
        tpu.vector_store_idx %arg11[%parallel_loop3A_957, %parallel_loop3A_883], %parallel_loop3A_967 {add = true} : memref<8x150xf32, #tpu.memory_space<vmem>>[vector<16xi32>, vector<16xi32>], vector<16xf32>,
        %parallel_loop3A_968 = arith.constant 7 : i32
        %parallel_loop3A_969 = vector.broadcast %parallel_loop3A_968 : i32 to vector<16xi32>
        %parallel_loop3A_970 = tpu.vector_load_idx %arg6[%parallel_loop3A_969, %parallel_loop3A_880] : memref<8x1225xf32, #tpu.memory_space<vmem>>[vector<16xi32>, vector<16xi32>], vector<16xf32>,
        %parallel_loop3A_971 = arith.constant 16 : i32
        %parallel_loop3A_972 = arith.muli %parallel_loop3A_873, %parallel_loop3A_971 : i32
        %parallel_loop3A_973 = arith.constant 0 : i32
        %parallel_loop3A_974 = arith.subi %parallel_loop3A_972, %parallel_loop3A_973 : i32
        %parallel_loop3A_975 = arith.constant 7 : i32
        %parallel_loop3A_976 = arith.index_cast %parallel_loop3A_975 : i32 to index
        %parallel_loop3A_977 = arith.index_cast %parallel_loop3A_974 : i32 to index
        %parallel_loop3A_978 = tpu.vector_load %arg8[%parallel_loop3A_976, %parallel_loop3A_977] {strides = array<i32>} : memref<8x3584xf32, #tpu.memory_space<vmem>>, vector<16xf32>,
        %parallel_loop3A_979 = arith.mulf %parallel_loop3A_970, %parallel_loop3A_978 : vector<16xf32>
        tpu.vector_store_idx %arg11[%parallel_loop3A_969, %parallel_loop3A_883], %parallel_loop3A_979 {add = true} : memref<8x150xf32, #tpu.memory_space<vmem>>[vector<16xi32>, vector<16xi32>], vector<16xf32>,
      } {sc.loop_unroll_factor = 1 : i64, sc.parallel_access}
      %add3A_381 = arith.constant 1 : i32
      %add3A_382 = arith.addi %mul3A_52, %add3A_381 : i32
      %lt3A_383 = arith.constant 16 : i32
      %lt3A_384 = arith.cmpi slt, %add3A_382, %lt3A_383 : i32
      %convert_element_type3A_385 = arith.extui %lt3A_384 : i1 to i32
      %cond3A_386 = arith.constant 0 : i32
      %cond3A_387 = arith.cmpi ne, %convert_element_type3A_385, %cond3A_386 : i32
      scf.if %cond3A_387 {
        %add3A_873 = arith.constant 1 : i32
        %add3A_874 = arith.addi %mul3A_52, %add3A_873 : i32
        %mul3A_875 = arith.constant 8 : i32
        %mul3A_876 = arith.muli %add3A_874, %mul3A_875 : i32
        %add3A_877 = arith.addi %mul3A_2, %mul3A_876 : i32
        %dma_start3A_878 = arith.constant 0 : i32
        %dma_start3A_879 = tpu.memref_slice %arg3[%add3A_877, %dma_start3A_878] : memref<4096x7350xf32, #tpu.memory_space<hbm>> -> memref<8x3584xf32, #tpu.memory_space<hbm>>
        %dma_start3A_880 = arith.constant 0 : i32
        %dma_start3A_881 = tpu.memref_slice %arg3[%add3A_877, %dma_start3A_880] : memref<4096x7350xf32, #tpu.memory_space<hbm>> -> memref<8x3584xf32, #tpu.memory_space<hbm>>
        tpu.enqueue_dma source(%dma_start3A_881 : memref<8x3584xf32, #tpu.memory_space<hbm>>) target(%arg8 : memref<8x3584xf32, #tpu.memory_space<vmem>>) target_semaphore(%arg15 : memref<!tpu.dma_semaphore, #tpu.memory_space<semaphore_mem>>)
      } else {
      }
      %mul3A_388 = arith.constant 8 : i32
      %mul3A_389 = arith.muli %mul3A_52, %mul3A_388 : i32
      %add3A_390 = arith.addi %mul3A_2, %mul3A_389 : i32
      %dma_wait3A_391 = arith.constant 3584 : i32
      %dma_wait3A_392 = tpu.memref_slice %arg3[%add3A_390, %dma_wait3A_391] : memref<4096x7350xf32, #tpu.memory_space<hbm>> -> memref<8x3766xf32, #tpu.memory_space<hbm>>
      %dma_wait3A_393 = arith.constant 3584 : i32
      %dma_wait3A_394 = tpu.memref_slice %arg3[%add3A_390, %dma_wait3A_393] : memref<4096x7350xf32, #tpu.memory_space<hbm>> -> memref<8x3766xf32, #tpu.memory_space<hbm>>
      tpu.wait_dma2 semaphore(%arg16 : memref<!tpu.dma_semaphore, #tpu.memory_space<semaphore_mem>>) src(%dma_wait3A_394 : memref<8x3766xf32, #tpu.memory_space<hbm>>) dst(%arg9 : memref<8x3766xf32, #tpu.memory_space<vmem>>)
      %parallel_loop3A_395 = arith.constant 224 : i32
      %parallel_loop3A_396 = arith.constant 459 : i32
      %parallel_loop3A_397 = arith.constant 1 : i32
      scf.for %parallel_loop3A_873 = %parallel_loop3A_395 to %parallel_loop3A_396 step %parallel_loop3A_397  : i32 {
        %parallel_loop3A_874 = arith.constant 16 : i32
        %parallel_loop3A_875 = arith.muli %parallel_loop3A_873, %parallel_loop3A_874 : i32
        %parallel_loop3A_876 = arith.index_cast %parallel_loop3A_875 : i32 to index
        %parallel_loop3A_877 = tpu.vector_load %arg10[%parallel_loop3A_876] {strides = array<i32>} : memref<7360xi32, #tpu.memory_space<vmem>>, vector<16xi32>,
        %parallel_loop3A_878 = arith.constant 8 : i32
        %parallel_loop3A_879 = vector.broadcast %parallel_loop3A_878 : i32 to vector<16xi32>
        %parallel_loop3A_880 = arith.shrui %parallel_loop3A_877, %parallel_loop3A_879 : vector<16xi32>
        %parallel_loop3A_881 = arith.constant 255 : i32
        %parallel_loop3A_882 = vector.broadcast %parallel_loop3A_881 : i32 to vector<16xi32>
        %parallel_loop3A_883 = arith.andi %parallel_loop3A_877, %parallel_loop3A_882 : vector<16xi32>
        %parallel_loop3A_884 = arith.constant 0 : i32
        %parallel_loop3A_885 = vector.broadcast %parallel_loop3A_884 : i32 to vector<16xi32>
        %parallel_loop3A_886 = tpu.vector_load_idx %arg6[%parallel_loop3A_885, %parallel_loop3A_880] : memref<8x1225xf32, #tpu.memory_space<vmem>>[vector<16xi32>, vector<16xi32>], vector<16xf32>,
        %parallel_loop3A_887 = arith.constant 16 : i32
        %parallel_loop3A_888 = arith.muli %parallel_loop3A_873, %parallel_loop3A_887 : i32
        %parallel_loop3A_889 = arith.constant 3584 : i32
        %parallel_loop3A_890 = arith.subi %parallel_loop3A_888, %parallel_loop3A_889 : i32
        %parallel_loop3A_891 = arith.constant 0 : i32
        %parallel_loop3A_892 = arith.index_cast %parallel_loop3A_891 : i32 to index
        %parallel_loop3A_893 = arith.index_cast %parallel_loop3A_890 : i32 to index
        %parallel_loop3A_894 = tpu.vector_load %arg9[%parallel_loop3A_892, %parallel_loop3A_893] {strides = array<i32>} : memref<8x3766xf32, #tpu.memory_space<vmem>>, vector<16xf32>,
        %parallel_loop3A_895 = arith.mulf %parallel_loop3A_886, %parallel_loop3A_894 : vector<16xf32>
        tpu.vector_store_idx %arg11[%parallel_loop3A_885, %parallel_loop3A_883], %parallel_loop3A_895 {add = true} : memref<8x150xf32, #tpu.memory_space<vmem>>[vector<16xi32>, vector<16xi32>], vector<16xf32>,
        %parallel_loop3A_896 = arith.constant 1 : i32
        %parallel_loop3A_897 = vector.broadcast %parallel_loop3A_896 : i32 to vector<16xi32>
        %parallel_loop3A_898 = tpu.vector_load_idx %arg6[%parallel_loop3A_897, %parallel_loop3A_880] : memref<8x1225xf32, #tpu.memory_space<vmem>>[vector<16xi32>, vector<16xi32>], vector<16xf32>,
        %parallel_loop3A_899 = arith.constant 16 : i32
        %parallel_loop3A_900 = arith.muli %parallel_loop3A_873, %parallel_loop3A_899 : i32
        %parallel_loop3A_901 = arith.constant 3584 : i32
        %parallel_loop3A_902 = arith.subi %parallel_loop3A_900, %parallel_loop3A_901 : i32
        %parallel_loop3A_903 = arith.constant 1 : i32
        %parallel_loop3A_904 = arith.index_cast %parallel_loop3A_903 : i32 to index
        %parallel_loop3A_905 = arith.index_cast %parallel_loop3A_902 : i32 to index
        %parallel_loop3A_906 = tpu.vector_load %arg9[%parallel_loop3A_904, %parallel_loop3A_905] {strides = array<i32>} : memref<8x3766xf32, #tpu.memory_space<vmem>>, vector<16xf32>,
        %parallel_loop3A_907 = arith.mulf %parallel_loop3A_898, %parallel_loop3A_906 : vector<16xf32>
        tpu.vector_store_idx %arg11[%parallel_loop3A_897, %parallel_loop3A_883], %parallel_loop3A_907 {add = true} : memref<8x150xf32, #tpu.memory_space<vmem>>[vector<16xi32>, vector<16xi32>], vector<16xf32>,
        %parallel_loop3A_908 = arith.constant 2 : i32
        %parallel_loop3A_909 = vector.broadcast %parallel_loop3A_908 : i32 to vector<16xi32>
        %parallel_loop3A_910 = tpu.vector_load_idx %arg6[%parallel_loop3A_909, %parallel_loop3A_880] : memref<8x1225xf32, #tpu.memory_space<vmem>>[vector<16xi32>, vector<16xi32>], vector<16xf32>,
        %parallel_loop3A_911 = arith.constant 16 : i32
        %parallel_loop3A_912 = arith.muli %parallel_loop3A_873, %parallel_loop3A_911 : i32
        %parallel_loop3A_913 = arith.constant 3584 : i32
        %parallel_loop3A_914 = arith.subi %parallel_loop3A_912, %parallel_loop3A_913 : i32
        %parallel_loop3A_915 = arith.constant 2 : i32
        %parallel_loop3A_916 = arith.index_cast %parallel_loop3A_915 : i32 to index
        %parallel_loop3A_917 = arith.index_cast %parallel_loop3A_914 : i32 to index
        %parallel_loop3A_918 = tpu.vector_load %arg9[%parallel_loop3A_916, %parallel_loop3A_917] {strides = array<i32>} : memref<8x3766xf32, #tpu.memory_space<vmem>>, vector<16xf32>,
        %parallel_loop3A_919 = arith.mulf %parallel_loop3A_910, %parallel_loop3A_918 : vector<16xf32>
        tpu.vector_store_idx %arg11[%parallel_loop3A_909, %parallel_loop3A_883], %parallel_loop3A_919 {add = true} : memref<8x150xf32, #tpu.memory_space<vmem>>[vector<16xi32>, vector<16xi32>], vector<16xf32>,
        %parallel_loop3A_920 = arith.constant 3 : i32
        %parallel_loop3A_921 = vector.broadcast %parallel_loop3A_920 : i32 to vector<16xi32>
        %parallel_loop3A_922 = tpu.vector_load_idx %arg6[%parallel_loop3A_921, %parallel_loop3A_880] : memref<8x1225xf32, #tpu.memory_space<vmem>>[vector<16xi32>, vector<16xi32>], vector<16xf32>,
        %parallel_loop3A_923 = arith.constant 16 : i32
        %parallel_loop3A_924 = arith.muli %parallel_loop3A_873, %parallel_loop3A_923 : i32
        %parallel_loop3A_925 = arith.constant 3584 : i32
        %parallel_loop3A_926 = arith.subi %parallel_loop3A_924, %parallel_loop3A_925 : i32
        %parallel_loop3A_927 = arith.constant 3 : i32
        %parallel_loop3A_928 = arith.index_cast %parallel_loop3A_927 : i32 to index
        %parallel_loop3A_929 = arith.index_cast %parallel_loop3A_926 : i32 to index
        %parallel_loop3A_930 = tpu.vector_load %arg9[%parallel_loop3A_928, %parallel_loop3A_929] {strides = array<i32>} : memref<8x3766xf32, #tpu.memory_space<vmem>>, vector<16xf32>,
        %parallel_loop3A_931 = arith.mulf %parallel_loop3A_922, %parallel_loop3A_930 : vector<16xf32>
        tpu.vector_store_idx %arg11[%parallel_loop3A_921, %parallel_loop3A_883], %parallel_loop3A_931 {add = true} : memref<8x150xf32, #tpu.memory_space<vmem>>[vector<16xi32>, vector<16xi32>], vector<16xf32>,
        %parallel_loop3A_932 = arith.constant 4 : i32
        %parallel_loop3A_933 = vector.broadcast %parallel_loop3A_932 : i32 to vector<16xi32>
        %parallel_loop3A_934 = tpu.vector_load_idx %arg6[%parallel_loop3A_933, %parallel_loop3A_880] : memref<8x1225xf32, #tpu.memory_space<vmem>>[vector<16xi32>, vector<16xi32>], vector<16xf32>,
        %parallel_loop3A_935 = arith.constant 16 : i32
        %parallel_loop3A_936 = arith.muli %parallel_loop3A_873, %parallel_loop3A_935 : i32
        %parallel_loop3A_937 = arith.constant 3584 : i32
        %parallel_loop3A_938 = arith.subi %parallel_loop3A_936, %parallel_loop3A_937 : i32
        %parallel_loop3A_939 = arith.constant 4 : i32
        %parallel_loop3A_940 = arith.index_cast %parallel_loop3A_939 : i32 to index
        %parallel_loop3A_941 = arith.index_cast %parallel_loop3A_938 : i32 to index
        %parallel_loop3A_942 = tpu.vector_load %arg9[%parallel_loop3A_940, %parallel_loop3A_941] {strides = array<i32>} : memref<8x3766xf32, #tpu.memory_space<vmem>>, vector<16xf32>,
        %parallel_loop3A_943 = arith.mulf %parallel_loop3A_934, %parallel_loop3A_942 : vector<16xf32>
        tpu.vector_store_idx %arg11[%parallel_loop3A_933, %parallel_loop3A_883], %parallel_loop3A_943 {add = true} : memref<8x150xf32, #tpu.memory_space<vmem>>[vector<16xi32>, vector<16xi32>], vector<16xf32>,
        %parallel_loop3A_944 = arith.constant 5 : i32
        %parallel_loop3A_945 = vector.broadcast %parallel_loop3A_944 : i32 to vector<16xi32>
        %parallel_loop3A_946 = tpu.vector_load_idx %arg6[%parallel_loop3A_945, %parallel_loop3A_880] : memref<8x1225xf32, #tpu.memory_space<vmem>>[vector<16xi32>, vector<16xi32>], vector<16xf32>,
        %parallel_loop3A_947 = arith.constant 16 : i32
        %parallel_loop3A_948 = arith.muli %parallel_loop3A_873, %parallel_loop3A_947 : i32
        %parallel_loop3A_949 = arith.constant 3584 : i32
        %parallel_loop3A_950 = arith.subi %parallel_loop3A_948, %parallel_loop3A_949 : i32
        %parallel_loop3A_951 = arith.constant 5 : i32
        %parallel_loop3A_952 = arith.index_cast %parallel_loop3A_951 : i32 to index
        %parallel_loop3A_953 = arith.index_cast %parallel_loop3A_950 : i32 to index
        %parallel_loop3A_954 = tpu.vector_load %arg9[%parallel_loop3A_952, %parallel_loop3A_953] {strides = array<i32>} : memref<8x3766xf32, #tpu.memory_space<vmem>>, vector<16xf32>,
        %parallel_loop3A_955 = arith.mulf %parallel_loop3A_946, %parallel_loop3A_954 : vector<16xf32>
        tpu.vector_store_idx %arg11[%parallel_loop3A_945, %parallel_loop3A_883], %parallel_loop3A_955 {add = true} : memref<8x150xf32, #tpu.memory_space<vmem>>[vector<16xi32>, vector<16xi32>], vector<16xf32>,
        %parallel_loop3A_956 = arith.constant 6 : i32
        %parallel_loop3A_957 = vector.broadcast %parallel_loop3A_956 : i32 to vector<16xi32>
        %parallel_loop3A_958 = tpu.vector_load_idx %arg6[%parallel_loop3A_957, %parallel_loop3A_880] : memref<8x1225xf32, #tpu.memory_space<vmem>>[vector<16xi32>, vector<16xi32>], vector<16xf32>,
        %parallel_loop3A_959 = arith.constant 16 : i32
        %parallel_loop3A_960 = arith.muli %parallel_loop3A_873, %parallel_loop3A_959 : i32
        %parallel_loop3A_961 = arith.constant 3584 : i32
        %parallel_loop3A_962 = arith.subi %parallel_loop3A_960, %parallel_loop3A_961 : i32
        %parallel_loop3A_963 = arith.constant 6 : i32
        %parallel_loop3A_964 = arith.index_cast %parallel_loop3A_963 : i32 to index
        %parallel_loop3A_965 = arith.index_cast %parallel_loop3A_962 : i32 to index
        %parallel_loop3A_966 = tpu.vector_load %arg9[%parallel_loop3A_964, %parallel_loop3A_965] {strides = array<i32>} : memref<8x3766xf32, #tpu.memory_space<vmem>>, vector<16xf32>,
        %parallel_loop3A_967 = arith.mulf %parallel_loop3A_958, %parallel_loop3A_966 : vector<16xf32>
        tpu.vector_store_idx %arg11[%parallel_loop3A_957, %parallel_loop3A_883], %parallel_loop3A_967 {add = true} : memref<8x150xf32, #tpu.memory_space<vmem>>[vector<16xi32>, vector<16xi32>], vector<16xf32>,
        %parallel_loop3A_968 = arith.constant 7 : i32
        %parallel_loop3A_969 = vector.broadcast %parallel_loop3A_968 : i32 to vector<16xi32>
        %parallel_loop3A_970 = tpu.vector_load_idx %arg6[%parallel_loop3A_969, %parallel_loop3A_880] : memref<8x1225xf32, #tpu.memory_space<vmem>>[vector<16xi32>, vector<16xi32>], vector<16xf32>,
        %parallel_loop3A_971 = arith.constant 16 : i32
        %parallel_loop3A_972 = arith.muli %parallel_loop3A_873, %parallel_loop3A_971 : i32
        %parallel_loop3A_973 = arith.constant 3584 : i32
        %parallel_loop3A_974 = arith.subi %parallel_loop3A_972, %parallel_loop3A_973 : i32
        %parallel_loop3A_975 = arith.constant 7 : i32
        %parallel_loop3A_976 = arith.index_cast %parallel_loop3A_975 : i32 to index
        %parallel_loop3A_977 = arith.index_cast %parallel_loop3A_974 : i32 to index
        %parallel_loop3A_978 = tpu.vector_load %arg9[%parallel_loop3A_976, %parallel_loop3A_977] {strides = array<i32>} : memref<8x3766xf32, #tpu.memory_space<vmem>>, vector<16xf32>,
        %parallel_loop3A_979 = arith.mulf %parallel_loop3A_970, %parallel_loop3A_978 : vector<16xf32>
        tpu.vector_store_idx %arg11[%parallel_loop3A_969, %parallel_loop3A_883], %parallel_loop3A_979 {add = true} : memref<8x150xf32, #tpu.memory_space<vmem>>[vector<16xi32>, vector<16xi32>], vector<16xf32>,
      } {sc.loop_unroll_factor = 1 : i64, sc.parallel_access}
      %get3A = arith.constant 7344 : index
      %get3A_398 = tpu.vector_load %arg10[%get3A] {strides = array<i32>} : memref<7360xi32, #tpu.memory_space<vmem>>, vector<16xi32>,
      %shift_right_logical3A = arith.constant 8 : i32
      %shift_right_logical3A_399 = vector.broadcast %shift_right_logical3A : i32 to vector<16xi32>
      %shift_right_logical3A_400 = arith.shrui %get3A_398, %shift_right_logical3A_399 : vector<16xi32>
      %and3A = arith.constant 255 : i32
      %and3A_401 = vector.broadcast %and3A : i32 to vector<16xi32>
      %and3A_402 = arith.andi %get3A_398, %and3A_401 : vector<16xi32>
      %broadcast_in_dim3A_403 = arith.constant 0 : i32
      %broadcast_in_dim3A_404 = vector.broadcast %broadcast_in_dim3A_403 : i32 to vector<16xi32>
      %gather3A = tpu.vector_load_idx %arg6[%broadcast_in_dim3A_404, %shift_right_logical3A_400] masked %lt3A_8 : memref<8x1225xf32, #tpu.memory_space<vmem>>[vector<16xi32>, vector<16xi32>], vector<16xf32>, vector<16xi1>
      %gather3A_405 = tpu.vector_load_idx %arg9[%broadcast_in_dim3A_404, %add3A_6] masked %lt3A_8 : memref<8x3766xf32, #tpu.memory_space<vmem>>[vector<16xi32>, vector<16xi32>], vector<16xf32>, vector<16xi1>
      %mul3A_406 = arith.mulf %gather3A, %gather3A_405 : vector<16xf32>
      tpu.vector_store_idx %arg11[%broadcast_in_dim3A_404, %and3A_402], %mul3A_406 masked %lt3A_8 {add = true} : memref<8x150xf32, #tpu.memory_space<vmem>>[vector<16xi32>, vector<16xi32>], vector<16xf32>, vector<16xi1>
      %broadcast_in_dim3A_407 = arith.constant 1 : i32
      %broadcast_in_dim3A_408 = vector.broadcast %broadcast_in_dim3A_407 : i32 to vector<16xi32>
      %gather3A_409 = tpu.vector_load_idx %arg6[%broadcast_in_dim3A_408, %shift_right_logical3A_400] masked %lt3A_8 : memref<8x1225xf32, #tpu.memory_space<vmem>>[vector<16xi32>, vector<16xi32>], vector<16xf32>, vector<16xi1>
      %gather3A_410 = tpu.vector_load_idx %arg9[%broadcast_in_dim3A_408, %add3A_6] masked %lt3A_8 : memref<8x3766xf32, #tpu.memory_space<vmem>>[vector<16xi32>, vector<16xi32>], vector<16xf32>, vector<16xi1>
      %mul3A_411 = arith.mulf %gather3A_409, %gather3A_410 : vector<16xf32>
      tpu.vector_store_idx %arg11[%broadcast_in_dim3A_408, %and3A_402], %mul3A_411 masked %lt3A_8 {add = true} : memref<8x150xf32, #tpu.memory_space<vmem>>[vector<16xi32>, vector<16xi32>], vector<16xf32>, vector<16xi1>
      %broadcast_in_dim3A_412 = arith.constant 2 : i32
      %broadcast_in_dim3A_413 = vector.broadcast %broadcast_in_dim3A_412 : i32 to vector<16xi32>
      %gather3A_414 = tpu.vector_load_idx %arg6[%broadcast_in_dim3A_413, %shift_right_logical3A_400] masked %lt3A_8 : memref<8x1225xf32, #tpu.memory_space<vmem>>[vector<16xi32>, vector<16xi32>], vector<16xf32>, vector<16xi1>
      %gather3A_415 = tpu.vector_load_idx %arg9[%broadcast_in_dim3A_413, %add3A_6] masked %lt3A_8 : memref<8x3766xf32, #tpu.memory_space<vmem>>[vector<16xi32>, vector<16xi32>], vector<16xf32>, vector<16xi1>
      %mul3A_416 = arith.mulf %gather3A_414, %gather3A_415 : vector<16xf32>
      tpu.vector_store_idx %arg11[%broadcast_in_dim3A_413, %and3A_402], %mul3A_416 masked %lt3A_8 {add = true} : memref<8x150xf32, #tpu.memory_space<vmem>>[vector<16xi32>, vector<16xi32>], vector<16xf32>, vector<16xi1>
      %broadcast_in_dim3A_417 = arith.constant 3 : i32
      %broadcast_in_dim3A_418 = vector.broadcast %broadcast_in_dim3A_417 : i32 to vector<16xi32>
      %gather3A_419 = tpu.vector_load_idx %arg6[%broadcast_in_dim3A_418, %shift_right_logical3A_400] masked %lt3A_8 : memref<8x1225xf32, #tpu.memory_space<vmem>>[vector<16xi32>, vector<16xi32>], vector<16xf32>, vector<16xi1>
      %gather3A_420 = tpu.vector_load_idx %arg9[%broadcast_in_dim3A_418, %add3A_6] masked %lt3A_8 : memref<8x3766xf32, #tpu.memory_space<vmem>>[vector<16xi32>, vector<16xi32>], vector<16xf32>, vector<16xi1>
      %mul3A_421 = arith.mulf %gather3A_419, %gather3A_420 : vector<16xf32>
      tpu.vector_store_idx %arg11[%broadcast_in_dim3A_418, %and3A_402], %mul3A_421 masked %lt3A_8 {add = true} : memref<8x150xf32, #tpu.memory_space<vmem>>[vector<16xi32>, vector<16xi32>], vector<16xf32>, vector<16xi1>
      %broadcast_in_dim3A_422 = arith.constant 4 : i32
      %broadcast_in_dim3A_423 = vector.broadcast %broadcast_in_dim3A_422 : i32 to vector<16xi32>
      %gather3A_424 = tpu.vector_load_idx %arg6[%broadcast_in_dim3A_423, %shift_right_logical3A_400] masked %lt3A_8 : memref<8x1225xf32, #tpu.memory_space<vmem>>[vector<16xi32>, vector<16xi32>], vector<16xf32>, vector<16xi1>
      %gather3A_425 = tpu.vector_load_idx %arg9[%broadcast_in_dim3A_423, %add3A_6] masked %lt3A_8 : memref<8x3766xf32, #tpu.memory_space<vmem>>[vector<16xi32>, vector<16xi32>], vector<16xf32>, vector<16xi1>
      %mul3A_426 = arith.mulf %gather3A_424, %gather3A_425 : vector<16xf32>
      tpu.vector_store_idx %arg11[%broadcast_in_dim3A_423, %and3A_402], %mul3A_426 masked %lt3A_8 {add = true} : memref<8x150xf32, #tpu.memory_space<vmem>>[vector<16xi32>, vector<16xi32>], vector<16xf32>, vector<16xi1>
      %broadcast_in_dim3A_427 = arith.constant 5 : i32
      %broadcast_in_dim3A_428 = vector.broadcast %broadcast_in_dim3A_427 : i32 to vector<16xi32>
      %gather3A_429 = tpu.vector_load_idx %arg6[%broadcast_in_dim3A_428, %shift_right_logical3A_400] masked %lt3A_8 : memref<8x1225xf32, #tpu.memory_space<vmem>>[vector<16xi32>, vector<16xi32>], vector<16xf32>, vector<16xi1>
      %gather3A_430 = tpu.vector_load_idx %arg9[%broadcast_in_dim3A_428, %add3A_6] masked %lt3A_8 : memref<8x3766xf32, #tpu.memory_space<vmem>>[vector<16xi32>, vector<16xi32>], vector<16xf32>, vector<16xi1>
      %mul3A_431 = arith.mulf %gather3A_429, %gather3A_430 : vector<16xf32>
      tpu.vector_store_idx %arg11[%broadcast_in_dim3A_428, %and3A_402], %mul3A_431 masked %lt3A_8 {add = true} : memref<8x150xf32, #tpu.memory_space<vmem>>[vector<16xi32>, vector<16xi32>], vector<16xf32>, vector<16xi1>
      %broadcast_in_dim3A_432 = arith.constant 6 : i32
      %broadcast_in_dim3A_433 = vector.broadcast %broadcast_in_dim3A_432 : i32 to vector<16xi32>
      %gather3A_434 = tpu.vector_load_idx %arg6[%broadcast_in_dim3A_433, %shift_right_logical3A_400] masked %lt3A_8 : memref<8x1225xf32, #tpu.memory_space<vmem>>[vector<16xi32>, vector<16xi32>], vector<16xf32>, vector<16xi1>
      %gather3A_435 = tpu.vector_load_idx %arg9[%broadcast_in_dim3A_433, %add3A_6] masked %lt3A_8 : memref<8x3766xf32, #tpu.memory_space<vmem>>[vector<16xi32>, vector<16xi32>], vector<16xf32>, vector<16xi1>
      %mul3A_436 = arith.mulf %gather3A_434, %gather3A_435 : vector<16xf32>
      tpu.vector_store_idx %arg11[%broadcast_in_dim3A_433, %and3A_402], %mul3A_436 masked %lt3A_8 {add = true} : memref<8x150xf32, #tpu.memory_space<vmem>>[vector<16xi32>, vector<16xi32>], vector<16xf32>, vector<16xi1>
      %broadcast_in_dim3A_437 = arith.constant 7 : i32
      %broadcast_in_dim3A_438 = vector.broadcast %broadcast_in_dim3A_437 : i32 to vector<16xi32>
      %gather3A_439 = tpu.vector_load_idx %arg6[%broadcast_in_dim3A_438, %shift_right_logical3A_400] masked %lt3A_8 : memref<8x1225xf32, #tpu.memory_space<vmem>>[vector<16xi32>, vector<16xi32>], vector<16xf32>, vector<16xi1>
      %gather3A_440 = tpu.vector_load_idx %arg9[%broadcast_in_dim3A_438, %add3A_6] masked %lt3A_8 : memref<8x3766xf32, #tpu.memory_space<vmem>>[vector<16xi32>, vector<16xi32>], vector<16xf32>, vector<16xi1>
      %mul3A_441 = arith.mulf %gather3A_439, %gather3A_440 : vector<16xf32>
      tpu.vector_store_idx %arg11[%broadcast_in_dim3A_438, %and3A_402], %mul3A_441 masked %lt3A_8 {add = true} : memref<8x150xf32, #tpu.memory_space<vmem>>[vector<16xi32>, vector<16xi32>], vector<16xf32>, vector<16xi1>
      %add3A_442 = arith.constant 1 : i32
      %add3A_443 = arith.addi %mul3A_52, %add3A_442 : i32
      %lt3A_444 = arith.constant 16 : i32
      %lt3A_445 = arith.cmpi slt, %add3A_443, %lt3A_444 : i32
      %convert_element_type3A_446 = arith.extui %lt3A_445 : i1 to i32
      %cond3A_447 = arith.constant 0 : i32
      %cond3A_448 = arith.cmpi ne, %convert_element_type3A_446, %cond3A_447 : i32
      scf.if %cond3A_448 {
        %add3A_873 = arith.constant 1 : i32
        %add3A_874 = arith.addi %mul3A_52, %add3A_873 : i32
        %mul3A_875 = arith.constant 8 : i32
        %mul3A_876 = arith.muli %add3A_874, %mul3A_875 : i32
        %add3A_877 = arith.addi %mul3A_2, %mul3A_876 : i32
        %dma_start3A_878 = arith.constant 3584 : i32
        %dma_start3A_879 = tpu.memref_slice %arg3[%add3A_877, %dma_start3A_878] : memref<4096x7350xf32, #tpu.memory_space<hbm>> -> memref<8x3766xf32, #tpu.memory_space<hbm>>
        %dma_start3A_880 = arith.constant 3584 : i32
        %dma_start3A_881 = tpu.memref_slice %arg3[%add3A_877, %dma_start3A_880] : memref<4096x7350xf32, #tpu.memory_space<hbm>> -> memref<8x3766xf32, #tpu.memory_space<hbm>>
        tpu.enqueue_dma source(%dma_start3A_881 : memref<8x3766xf32, #tpu.memory_space<hbm>>) target(%arg9 : memref<8x3766xf32, #tpu.memory_space<vmem>>) target_semaphore(%arg16 : memref<!tpu.dma_semaphore, #tpu.memory_space<semaphore_mem>>)
      } else {
      }
      %mul3A_449 = arith.constant 8 : i32
      %mul3A_450 = arith.muli %mul3A_52, %mul3A_449 : i32
      %add3A_451 = arith.addi %mul3A_2, %mul3A_450 : i32
      %dma_start3A_452 = arith.constant 0 : i32
      %dma_start3A_453 = tpu.memref_slice %arg5[%add3A_451, %dma_start3A_452] : memref<4096x150xf32, #tpu.memory_space<hbm>> -> memref<8x150xf32, #tpu.memory_space<hbm>>
      %dma_start3A_454 = arith.constant 0 : i32
      %dma_start3A_455 = tpu.memref_slice %arg5[%add3A_451, %dma_start3A_454] : memref<4096x150xf32, #tpu.memory_space<hbm>> -> memref<8x150xf32, #tpu.memory_space<hbm>>
      tpu.enqueue_dma source(%arg11 : memref<8x150xf32, #tpu.memory_space<vmem>>) target(%dma_start3A_455 : memref<8x150xf32, #tpu.memory_space<hbm>>) target_semaphore(%arg17 : memref<!tpu.dma_semaphore, #tpu.memory_space<semaphore_mem>>)
      %mul3A_456 = arith.constant 2 : i32
      %mul3A_457 = arith.muli %mul3A_456, %scan3A_49 : i32
      %add3A_458 = arith.constant 1 : i32
      %add3A_459 = arith.addi %mul3A_457, %add3A_458 : i32
      %ge3A_460 = arith.constant 2 : i32
      %ge3A_461 = arith.cmpi sge, %add3A_459, %ge3A_460 : i32
      %convert_element_type3A_462 = arith.extui %ge3A_461 : i1 to i32
      %cond3A_463 = arith.constant 0 : i32
      %cond3A_464 = arith.cmpi ne, %convert_element_type3A_462, %cond3A_463 : i32
      scf.if %cond3A_464 {
        %mul3A_873 = arith.constant 8 : i32
        %mul3A_874 = arith.muli %add3A_459, %mul3A_873 : i32
        %add3A_875 = arith.addi %mul3A_2, %mul3A_874 : i32
        %dma_wait3A_876 = arith.constant 0 : i32
        %dma_wait3A_877 = tpu.memref_slice %arg5[%add3A_875, %dma_wait3A_876] : memref<4096x150xf32, #tpu.memory_space<hbm>> -> memref<8x150xf32, #tpu.memory_space<hbm>>
        %dma_wait3A_878 = arith.constant 0 : i32
        %dma_wait3A_879 = tpu.memref_slice %arg5[%add3A_875, %dma_wait3A_878] : memref<4096x150xf32, #tpu.memory_space<hbm>> -> memref<8x150xf32, #tpu.memory_space<hbm>>
        tpu.wait_dma2 semaphore(%arg18 : memref<!tpu.dma_semaphore, #tpu.memory_space<semaphore_mem>>) src(%arg12 : memref<8x150xf32, #tpu.memory_space<vmem>>) dst(%dma_wait3A_879 : memref<8x150xf32, #tpu.memory_space<hbm>>)
      } else {
      }
      %mul3A_465 = arith.constant 8 : i32
      %mul3A_466 = arith.muli %add3A_459, %mul3A_465 : i32
      %add3A_467 = arith.addi %mul3A_2, %mul3A_466 : i32
      %dma_wait3A_468 = arith.constant 0 : i32
      %dma_wait3A_469 = tpu.memref_slice %arg2[%add3A_467, %dma_wait3A_468] : memref<4096x1225xf32, #tpu.memory_space<hbm>> -> memref<8x1225xf32, #tpu.memory_space<hbm>>
      %dma_wait3A_470 = arith.constant 0 : i32
      %dma_wait3A_471 = tpu.memref_slice %arg2[%add3A_467, %dma_wait3A_470] : memref<4096x1225xf32, #tpu.memory_space<hbm>> -> memref<8x1225xf32, #tpu.memory_space<hbm>>
      tpu.wait_dma2 semaphore(%arg14 : memref<!tpu.dma_semaphore, #tpu.memory_space<semaphore_mem>>) src(%dma_wait3A_471 : memref<8x1225xf32, #tpu.memory_space<hbm>>) dst(%arg7 : memref<8x1225xf32, #tpu.memory_space<vmem>>)
      %add3A_472 = arith.constant 1 : i32
      %add3A_473 = arith.addi %add3A_459, %add3A_472 : i32
      %lt3A_474 = arith.constant 16 : i32
      %lt3A_475 = arith.cmpi slt, %add3A_473, %lt3A_474 : i32
      %convert_element_type3A_476 = arith.extui %lt3A_475 : i1 to i32
      %cond3A_477 = arith.constant 0 : i32
      %cond3A_478 = arith.cmpi ne, %convert_element_type3A_476, %cond3A_477 : i32
      scf.if %cond3A_478 {
        %add3A_873 = arith.constant 1 : i32
        %add3A_874 = arith.addi %add3A_459, %add3A_873 : i32
        %mul3A_875 = arith.constant 8 : i32
        %mul3A_876 = arith.muli %add3A_874, %mul3A_875 : i32
        %add3A_877 = arith.addi %mul3A_2, %mul3A_876 : i32
        %dma_start3A_878 = arith.constant 0 : i32
        %dma_start3A_879 = tpu.memref_slice %arg2[%add3A_877, %dma_start3A_878] : memref<4096x1225xf32, #tpu.memory_space<hbm>> -> memref<8x1225xf32, #tpu.memory_space<hbm>>
        %dma_start3A_880 = arith.constant 0 : i32
        %dma_start3A_881 = tpu.memref_slice %arg2[%add3A_877, %dma_start3A_880] : memref<4096x1225xf32, #tpu.memory_space<hbm>> -> memref<8x1225xf32, #tpu.memory_space<hbm>>
        tpu.enqueue_dma source(%dma_start3A_881 : memref<8x1225xf32, #tpu.memory_space<hbm>>) target(%arg6 : memref<8x1225xf32, #tpu.memory_space<vmem>>) target_semaphore(%arg13 : memref<!tpu.dma_semaphore, #tpu.memory_space<semaphore_mem>>)
      } else {
      }
      %broadcast_in_dim3A_479 = arith.constant 0 : i32
      %broadcast_in_dim3A_480 = vector.broadcast %broadcast_in_dim3A_479 : i32 to vector<16xi32>
      %swap3A_481 = arith.constant 0 : i32
      %swap3A_482 = arith.index_cast %swap3A_481 : i32 to index
      %swap3A_483 = arith.constant 0 : index
      %swap3A_484 = tpu.vector_load %arg12[%swap3A_482, %swap3A_483] {strides = array<i32>} : memref<8x150xf32, #tpu.memory_space<vmem>>, vector<16xf32>,
      tpu.vector_store %arg12[%swap3A_482, %swap3A_483], %broadcast_in_dim3A_3 {strides = array<i32>} : memref<8x150xf32, #tpu.memory_space<vmem>>, vector<16xf32>,
      %swap3A_485 = arith.constant 0 : i32
      %swap3A_486 = arith.index_cast %swap3A_485 : i32 to index
      %swap3A_487 = arith.constant 16 : index
      %swap3A_488 = tpu.vector_load %arg12[%swap3A_486, %swap3A_487] {strides = array<i32>} : memref<8x150xf32, #tpu.memory_space<vmem>>, vector<16xf32>,
      tpu.vector_store %arg12[%swap3A_486, %swap3A_487], %broadcast_in_dim3A_3 {strides = array<i32>} : memref<8x150xf32, #tpu.memory_space<vmem>>, vector<16xf32>,
      %swap3A_489 = arith.constant 0 : i32
      %swap3A_490 = arith.index_cast %swap3A_489 : i32 to index
      %swap3A_491 = arith.constant 32 : index
      %swap3A_492 = tpu.vector_load %arg12[%swap3A_490, %swap3A_491] {strides = array<i32>} : memref<8x150xf32, #tpu.memory_space<vmem>>, vector<16xf32>,
      tpu.vector_store %arg12[%swap3A_490, %swap3A_491], %broadcast_in_dim3A_3 {strides = array<i32>} : memref<8x150xf32, #tpu.memory_space<vmem>>, vector<16xf32>,
      %swap3A_493 = arith.constant 0 : i32
      %swap3A_494 = arith.index_cast %swap3A_493 : i32 to index
      %swap3A_495 = arith.constant 48 : index
      %swap3A_496 = tpu.vector_load %arg12[%swap3A_494, %swap3A_495] {strides = array<i32>} : memref<8x150xf32, #tpu.memory_space<vmem>>, vector<16xf32>,
      tpu.vector_store %arg12[%swap3A_494, %swap3A_495], %broadcast_in_dim3A_3 {strides = array<i32>} : memref<8x150xf32, #tpu.memory_space<vmem>>, vector<16xf32>,
      %swap3A_497 = arith.constant 0 : i32
      %swap3A_498 = arith.index_cast %swap3A_497 : i32 to index
      %swap3A_499 = arith.constant 64 : index
      %swap3A_500 = tpu.vector_load %arg12[%swap3A_498, %swap3A_499] {strides = array<i32>} : memref<8x150xf32, #tpu.memory_space<vmem>>, vector<16xf32>,
      tpu.vector_store %arg12[%swap3A_498, %swap3A_499], %broadcast_in_dim3A_3 {strides = array<i32>} : memref<8x150xf32, #tpu.memory_space<vmem>>, vector<16xf32>,
      %swap3A_501 = arith.constant 0 : i32
      %swap3A_502 = arith.index_cast %swap3A_501 : i32 to index
      %swap3A_503 = arith.constant 80 : index
      %swap3A_504 = tpu.vector_load %arg12[%swap3A_502, %swap3A_503] {strides = array<i32>} : memref<8x150xf32, #tpu.memory_space<vmem>>, vector<16xf32>,
      tpu.vector_store %arg12[%swap3A_502, %swap3A_503], %broadcast_in_dim3A_3 {strides = array<i32>} : memref<8x150xf32, #tpu.memory_space<vmem>>, vector<16xf32>,
      %swap3A_505 = arith.constant 0 : i32
      %swap3A_506 = arith.index_cast %swap3A_505 : i32 to index
      %swap3A_507 = arith.constant 96 : index
      %swap3A_508 = tpu.vector_load %arg12[%swap3A_506, %swap3A_507] {strides = array<i32>} : memref<8x150xf32, #tpu.memory_space<vmem>>, vector<16xf32>,
      tpu.vector_store %arg12[%swap3A_506, %swap3A_507], %broadcast_in_dim3A_3 {strides = array<i32>} : memref<8x150xf32, #tpu.memory_space<vmem>>, vector<16xf32>,
      %swap3A_509 = arith.constant 0 : i32
      %swap3A_510 = arith.index_cast %swap3A_509 : i32 to index
      %swap3A_511 = arith.constant 112 : index
      %swap3A_512 = tpu.vector_load %arg12[%swap3A_510, %swap3A_511] {strides = array<i32>} : memref<8x150xf32, #tpu.memory_space<vmem>>, vector<16xf32>,
      tpu.vector_store %arg12[%swap3A_510, %swap3A_511], %broadcast_in_dim3A_3 {strides = array<i32>} : memref<8x150xf32, #tpu.memory_space<vmem>>, vector<16xf32>,
      %swap3A_513 = arith.constant 0 : i32
      %swap3A_514 = arith.index_cast %swap3A_513 : i32 to index
      %swap3A_515 = arith.constant 128 : index
      %swap3A_516 = tpu.vector_load %arg12[%swap3A_514, %swap3A_515] {strides = array<i32>} : memref<8x150xf32, #tpu.memory_space<vmem>>, vector<16xf32>,
      tpu.vector_store %arg12[%swap3A_514, %swap3A_515], %broadcast_in_dim3A_3 {strides = array<i32>} : memref<8x150xf32, #tpu.memory_space<vmem>>, vector<16xf32>,
      tpu.vector_store_idx %arg12[%broadcast_in_dim3A_480, %add3A_11], %broadcast_in_dim3A_3 masked %lt3A_14 : memref<8x150xf32, #tpu.memory_space<vmem>>[vector<16xi32>, vector<16xi32>], vector<16xf32>, vector<16xi1>
      %broadcast_in_dim3A_517 = arith.constant 1 : i32
      %broadcast_in_dim3A_518 = vector.broadcast %broadcast_in_dim3A_517 : i32 to vector<16xi32>
      %swap3A_519 = arith.constant 1 : i32
      %swap3A_520 = arith.index_cast %swap3A_519 : i32 to index
      %swap3A_521 = arith.constant 0 : index
      %swap3A_522 = tpu.vector_load %arg12[%swap3A_520, %swap3A_521] {strides = array<i32>} : memref<8x150xf32, #tpu.memory_space<vmem>>, vector<16xf32>,
      tpu.vector_store %arg12[%swap3A_520, %swap3A_521], %broadcast_in_dim3A_3 {strides = array<i32>} : memref<8x150xf32, #tpu.memory_space<vmem>>, vector<16xf32>,
      %swap3A_523 = arith.constant 1 : i32
      %swap3A_524 = arith.index_cast %swap3A_523 : i32 to index
      %swap3A_525 = arith.constant 16 : index
      %swap3A_526 = tpu.vector_load %arg12[%swap3A_524, %swap3A_525] {strides = array<i32>} : memref<8x150xf32, #tpu.memory_space<vmem>>, vector<16xf32>,
      tpu.vector_store %arg12[%swap3A_524, %swap3A_525], %broadcast_in_dim3A_3 {strides = array<i32>} : memref<8x150xf32, #tpu.memory_space<vmem>>, vector<16xf32>,
      %swap3A_527 = arith.constant 1 : i32
      %swap3A_528 = arith.index_cast %swap3A_527 : i32 to index
      %swap3A_529 = arith.constant 32 : index
      %swap3A_530 = tpu.vector_load %arg12[%swap3A_528, %swap3A_529] {strides = array<i32>} : memref<8x150xf32, #tpu.memory_space<vmem>>, vector<16xf32>,
      tpu.vector_store %arg12[%swap3A_528, %swap3A_529], %broadcast_in_dim3A_3 {strides = array<i32>} : memref<8x150xf32, #tpu.memory_space<vmem>>, vector<16xf32>,
      %swap3A_531 = arith.constant 1 : i32
      %swap3A_532 = arith.index_cast %swap3A_531 : i32 to index
      %swap3A_533 = arith.constant 48 : index
      %swap3A_534 = tpu.vector_load %arg12[%swap3A_532, %swap3A_533] {strides = array<i32>} : memref<8x150xf32, #tpu.memory_space<vmem>>, vector<16xf32>,
      tpu.vector_store %arg12[%swap3A_532, %swap3A_533], %broadcast_in_dim3A_3 {strides = array<i32>} : memref<8x150xf32, #tpu.memory_space<vmem>>, vector<16xf32>,
      %swap3A_535 = arith.constant 1 : i32
      %swap3A_536 = arith.index_cast %swap3A_535 : i32 to index
      %swap3A_537 = arith.constant 64 : index
      %swap3A_538 = tpu.vector_load %arg12[%swap3A_536, %swap3A_537] {strides = array<i32>} : memref<8x150xf32, #tpu.memory_space<vmem>>, vector<16xf32>,
      tpu.vector_store %arg12[%swap3A_536, %swap3A_537], %broadcast_in_dim3A_3 {strides = array<i32>} : memref<8x150xf32, #tpu.memory_space<vmem>>, vector<16xf32>,
      %swap3A_539 = arith.constant 1 : i32
      %swap3A_540 = arith.index_cast %swap3A_539 : i32 to index
      %swap3A_541 = arith.constant 80 : index
      %swap3A_542 = tpu.vector_load %arg12[%swap3A_540, %swap3A_541] {strides = array<i32>} : memref<8x150xf32, #tpu.memory_space<vmem>>, vector<16xf32>,
      tpu.vector_store %arg12[%swap3A_540, %swap3A_541], %broadcast_in_dim3A_3 {strides = array<i32>} : memref<8x150xf32, #tpu.memory_space<vmem>>, vector<16xf32>,
      %swap3A_543 = arith.constant 1 : i32
      %swap3A_544 = arith.index_cast %swap3A_543 : i32 to index
      %swap3A_545 = arith.constant 96 : index
      %swap3A_546 = tpu.vector_load %arg12[%swap3A_544, %swap3A_545] {strides = array<i32>} : memref<8x150xf32, #tpu.memory_space<vmem>>, vector<16xf32>,
      tpu.vector_store %arg12[%swap3A_544, %swap3A_545], %broadcast_in_dim3A_3 {strides = array<i32>} : memref<8x150xf32, #tpu.memory_space<vmem>>, vector<16xf32>,
      %swap3A_547 = arith.constant 1 : i32
      %swap3A_548 = arith.index_cast %swap3A_547 : i32 to index
      %swap3A_549 = arith.constant 112 : index
      %swap3A_550 = tpu.vector_load %arg12[%swap3A_548, %swap3A_549] {strides = array<i32>} : memref<8x150xf32, #tpu.memory_space<vmem>>, vector<16xf32>,
      tpu.vector_store %arg12[%swap3A_548, %swap3A_549], %broadcast_in_dim3A_3 {strides = array<i32>} : memref<8x150xf32, #tpu.memory_space<vmem>>, vector<16xf32>,
      %swap3A_551 = arith.constant 1 : i32
      %swap3A_552 = arith.index_cast %swap3A_551 : i32 to index
      %swap3A_553 = arith.constant 128 : index
      %swap3A_554 = tpu.vector_load %arg12[%swap3A_552, %swap3A_553] {strides = array<i32>} : memref<8x150xf32, #tpu.memory_space<vmem>>, vector<16xf32>,
      tpu.vector_store %arg12[%swap3A_552, %swap3A_553], %broadcast_in_dim3A_3 {strides = array<i32>} : memref<8x150xf32, #tpu.memory_space<vmem>>, vector<16xf32>,
      tpu.vector_store_idx %arg12[%broadcast_in_dim3A_518, %add3A_11], %broadcast_in_dim3A_3 masked %lt3A_14 : memref<8x150xf32, #tpu.memory_space<vmem>>[vector<16xi32>, vector<16xi32>], vector<16xf32>, vector<16xi1>
      %broadcast_in_dim3A_555 = arith.constant 2 : i32
      %broadcast_in_dim3A_556 = vector.broadcast %broadcast_in_dim3A_555 : i32 to vector<16xi32>
      %swap3A_557 = arith.constant 2 : i32
      %swap3A_558 = arith.index_cast %swap3A_557 : i32 to index
      %swap3A_559 = arith.constant 0 : index
      %swap3A_560 = tpu.vector_load %arg12[%swap3A_558, %swap3A_559] {strides = array<i32>} : memref<8x150xf32, #tpu.memory_space<vmem>>, vector<16xf32>,
      tpu.vector_store %arg12[%swap3A_558, %swap3A_559], %broadcast_in_dim3A_3 {strides = array<i32>} : memref<8x150xf32, #tpu.memory_space<vmem>>, vector<16xf32>,
      %swap3A_561 = arith.constant 2 : i32
      %swap3A_562 = arith.index_cast %swap3A_561 : i32 to index
      %swap3A_563 = arith.constant 16 : index
      %swap3A_564 = tpu.vector_load %arg12[%swap3A_562, %swap3A_563] {strides = array<i32>} : memref<8x150xf32, #tpu.memory_space<vmem>>, vector<16xf32>,
      tpu.vector_store %arg12[%swap3A_562, %swap3A_563], %broadcast_in_dim3A_3 {strides = array<i32>} : memref<8x150xf32, #tpu.memory_space<vmem>>, vector<16xf32>,
      %swap3A_565 = arith.constant 2 : i32
      %swap3A_566 = arith.index_cast %swap3A_565 : i32 to index
      %swap3A_567 = arith.constant 32 : index
      %swap3A_568 = tpu.vector_load %arg12[%swap3A_566, %swap3A_567] {strides = array<i32>} : memref<8x150xf32, #tpu.memory_space<vmem>>, vector<16xf32>,
      tpu.vector_store %arg12[%swap3A_566, %swap3A_567], %broadcast_in_dim3A_3 {strides = array<i32>} : memref<8x150xf32, #tpu.memory_space<vmem>>, vector<16xf32>,
      %swap3A_569 = arith.constant 2 : i32
      %swap3A_570 = arith.index_cast %swap3A_569 : i32 to index
      %swap3A_571 = arith.constant 48 : index
      %swap3A_572 = tpu.vector_load %arg12[%swap3A_570, %swap3A_571] {strides = array<i32>} : memref<8x150xf32, #tpu.memory_space<vmem>>, vector<16xf32>,
      tpu.vector_store %arg12[%swap3A_570, %swap3A_571], %broadcast_in_dim3A_3 {strides = array<i32>} : memref<8x150xf32, #tpu.memory_space<vmem>>, vector<16xf32>,
      %swap3A_573 = arith.constant 2 : i32
      %swap3A_574 = arith.index_cast %swap3A_573 : i32 to index
      %swap3A_575 = arith.constant 64 : index
      %swap3A_576 = tpu.vector_load %arg12[%swap3A_574, %swap3A_575] {strides = array<i32>} : memref<8x150xf32, #tpu.memory_space<vmem>>, vector<16xf32>,
      tpu.vector_store %arg12[%swap3A_574, %swap3A_575], %broadcast_in_dim3A_3 {strides = array<i32>} : memref<8x150xf32, #tpu.memory_space<vmem>>, vector<16xf32>,
      %swap3A_577 = arith.constant 2 : i32
      %swap3A_578 = arith.index_cast %swap3A_577 : i32 to index
      %swap3A_579 = arith.constant 80 : index
      %swap3A_580 = tpu.vector_load %arg12[%swap3A_578, %swap3A_579] {strides = array<i32>} : memref<8x150xf32, #tpu.memory_space<vmem>>, vector<16xf32>,
      tpu.vector_store %arg12[%swap3A_578, %swap3A_579], %broadcast_in_dim3A_3 {strides = array<i32>} : memref<8x150xf32, #tpu.memory_space<vmem>>, vector<16xf32>,
      %swap3A_581 = arith.constant 2 : i32
      %swap3A_582 = arith.index_cast %swap3A_581 : i32 to index
      %swap3A_583 = arith.constant 96 : index
      %swap3A_584 = tpu.vector_load %arg12[%swap3A_582, %swap3A_583] {strides = array<i32>} : memref<8x150xf32, #tpu.memory_space<vmem>>, vector<16xf32>,
      tpu.vector_store %arg12[%swap3A_582, %swap3A_583], %broadcast_in_dim3A_3 {strides = array<i32>} : memref<8x150xf32, #tpu.memory_space<vmem>>, vector<16xf32>,
      %swap3A_585 = arith.constant 2 : i32
      %swap3A_586 = arith.index_cast %swap3A_585 : i32 to index
      %swap3A_587 = arith.constant 112 : index
      %swap3A_588 = tpu.vector_load %arg12[%swap3A_586, %swap3A_587] {strides = array<i32>} : memref<8x150xf32, #tpu.memory_space<vmem>>, vector<16xf32>,
      tpu.vector_store %arg12[%swap3A_586, %swap3A_587], %broadcast_in_dim3A_3 {strides = array<i32>} : memref<8x150xf32, #tpu.memory_space<vmem>>, vector<16xf32>,
      %swap3A_589 = arith.constant 2 : i32
      %swap3A_590 = arith.index_cast %swap3A_589 : i32 to index
      %swap3A_591 = arith.constant 128 : index
      %swap3A_592 = tpu.vector_load %arg12[%swap3A_590, %swap3A_591] {strides = array<i32>} : memref<8x150xf32, #tpu.memory_space<vmem>>, vector<16xf32>,
      tpu.vector_store %arg12[%swap3A_590, %swap3A_591], %broadcast_in_dim3A_3 {strides = array<i32>} : memref<8x150xf32, #tpu.memory_space<vmem>>, vector<16xf32>,
      tpu.vector_store_idx %arg12[%broadcast_in_dim3A_556, %add3A_11], %broadcast_in_dim3A_3 masked %lt3A_14 : memref<8x150xf32, #tpu.memory_space<vmem>>[vector<16xi32>, vector<16xi32>], vector<16xf32>, vector<16xi1>
      %broadcast_in_dim3A_593 = arith.constant 3 : i32
      %broadcast_in_dim3A_594 = vector.broadcast %broadcast_in_dim3A_593 : i32 to vector<16xi32>
      %swap3A_595 = arith.constant 3 : i32
      %swap3A_596 = arith.index_cast %swap3A_595 : i32 to index
      %swap3A_597 = arith.constant 0 : index
      %swap3A_598 = tpu.vector_load %arg12[%swap3A_596, %swap3A_597] {strides = array<i32>} : memref<8x150xf32, #tpu.memory_space<vmem>>, vector<16xf32>,
      tpu.vector_store %arg12[%swap3A_596, %swap3A_597], %broadcast_in_dim3A_3 {strides = array<i32>} : memref<8x150xf32, #tpu.memory_space<vmem>>, vector<16xf32>,
      %swap3A_599 = arith.constant 3 : i32
      %swap3A_600 = arith.index_cast %swap3A_599 : i32 to index
      %swap3A_601 = arith.constant 16 : index
      %swap3A_602 = tpu.vector_load %arg12[%swap3A_600, %swap3A_601] {strides = array<i32>} : memref<8x150xf32, #tpu.memory_space<vmem>>, vector<16xf32>,
      tpu.vector_store %arg12[%swap3A_600, %swap3A_601], %broadcast_in_dim3A_3 {strides = array<i32>} : memref<8x150xf32, #tpu.memory_space<vmem>>, vector<16xf32>,
      %swap3A_603 = arith.constant 3 : i32
      %swap3A_604 = arith.index_cast %swap3A_603 : i32 to index
      %swap3A_605 = arith.constant 32 : index
      %swap3A_606 = tpu.vector_load %arg12[%swap3A_604, %swap3A_605] {strides = array<i32>} : memref<8x150xf32, #tpu.memory_space<vmem>>, vector<16xf32>,
      tpu.vector_store %arg12[%swap3A_604, %swap3A_605], %broadcast_in_dim3A_3 {strides = array<i32>} : memref<8x150xf32, #tpu.memory_space<vmem>>, vector<16xf32>,
      %swap3A_607 = arith.constant 3 : i32
      %swap3A_608 = arith.index_cast %swap3A_607 : i32 to index
      %swap3A_609 = arith.constant 48 : index
      %swap3A_610 = tpu.vector_load %arg12[%swap3A_608, %swap3A_609] {strides = array<i32>} : memref<8x150xf32, #tpu.memory_space<vmem>>, vector<16xf32>,
      tpu.vector_store %arg12[%swap3A_608, %swap3A_609], %broadcast_in_dim3A_3 {strides = array<i32>} : memref<8x150xf32, #tpu.memory_space<vmem>>, vector<16xf32>,
      %swap3A_611 = arith.constant 3 : i32
      %swap3A_612 = arith.index_cast %swap3A_611 : i32 to index
      %swap3A_613 = arith.constant 64 : index
      %swap3A_614 = tpu.vector_load %arg12[%swap3A_612, %swap3A_613] {strides = array<i32>} : memref<8x150xf32, #tpu.memory_space<vmem>>, vector<16xf32>,
      tpu.vector_store %arg12[%swap3A_612, %swap3A_613], %broadcast_in_dim3A_3 {strides = array<i32>} : memref<8x150xf32, #tpu.memory_space<vmem>>, vector<16xf32>,
      %swap3A_615 = arith.constant 3 : i32
      %swap3A_616 = arith.index_cast %swap3A_615 : i32 to index
      %swap3A_617 = arith.constant 80 : index
      %swap3A_618 = tpu.vector_load %arg12[%swap3A_616, %swap3A_617] {strides = array<i32>} : memref<8x150xf32, #tpu.memory_space<vmem>>, vector<16xf32>,
      tpu.vector_store %arg12[%swap3A_616, %swap3A_617], %broadcast_in_dim3A_3 {strides = array<i32>} : memref<8x150xf32, #tpu.memory_space<vmem>>, vector<16xf32>,
      %swap3A_619 = arith.constant 3 : i32
      %swap3A_620 = arith.index_cast %swap3A_619 : i32 to index
      %swap3A_621 = arith.constant 96 : index
      %swap3A_622 = tpu.vector_load %arg12[%swap3A_620, %swap3A_621] {strides = array<i32>} : memref<8x150xf32, #tpu.memory_space<vmem>>, vector<16xf32>,
      tpu.vector_store %arg12[%swap3A_620, %swap3A_621], %broadcast_in_dim3A_3 {strides = array<i32>} : memref<8x150xf32, #tpu.memory_space<vmem>>, vector<16xf32>,
      %swap3A_623 = arith.constant 3 : i32
      %swap3A_624 = arith.index_cast %swap3A_623 : i32 to index
      %swap3A_625 = arith.constant 112 : index
      %swap3A_626 = tpu.vector_load %arg12[%swap3A_624, %swap3A_625] {strides = array<i32>} : memref<8x150xf32, #tpu.memory_space<vmem>>, vector<16xf32>,
      tpu.vector_store %arg12[%swap3A_624, %swap3A_625], %broadcast_in_dim3A_3 {strides = array<i32>} : memref<8x150xf32, #tpu.memory_space<vmem>>, vector<16xf32>,
      %swap3A_627 = arith.constant 3 : i32
      %swap3A_628 = arith.index_cast %swap3A_627 : i32 to index
      %swap3A_629 = arith.constant 128 : index
      %swap3A_630 = tpu.vector_load %arg12[%swap3A_628, %swap3A_629] {strides = array<i32>} : memref<8x150xf32, #tpu.memory_space<vmem>>, vector<16xf32>,
      tpu.vector_store %arg12[%swap3A_628, %swap3A_629], %broadcast_in_dim3A_3 {strides = array<i32>} : memref<8x150xf32, #tpu.memory_space<vmem>>, vector<16xf32>,
      tpu.vector_store_idx %arg12[%broadcast_in_dim3A_594, %add3A_11], %broadcast_in_dim3A_3 masked %lt3A_14 : memref<8x150xf32, #tpu.memory_space<vmem>>[vector<16xi32>, vector<16xi32>], vector<16xf32>, vector<16xi1>
      %broadcast_in_dim3A_631 = arith.constant 4 : i32
      %broadcast_in_dim3A_632 = vector.broadcast %broadcast_in_dim3A_631 : i32 to vector<16xi32>
      %swap3A_633 = arith.constant 4 : i32
      %swap3A_634 = arith.index_cast %swap3A_633 : i32 to index
      %swap3A_635 = arith.constant 0 : index
      %swap3A_636 = tpu.vector_load %arg12[%swap3A_634, %swap3A_635] {strides = array<i32>} : memref<8x150xf32, #tpu.memory_space<vmem>>, vector<16xf32>,
      tpu.vector_store %arg12[%swap3A_634, %swap3A_635], %broadcast_in_dim3A_3 {strides = array<i32>} : memref<8x150xf32, #tpu.memory_space<vmem>>, vector<16xf32>,
      %swap3A_637 = arith.constant 4 : i32
      %swap3A_638 = arith.index_cast %swap3A_637 : i32 to index
      %swap3A_639 = arith.constant 16 : index
      %swap3A_640 = tpu.vector_load %arg12[%swap3A_638, %swap3A_639] {strides = array<i32>} : memref<8x150xf32, #tpu.memory_space<vmem>>, vector<16xf32>,
      tpu.vector_store %arg12[%swap3A_638, %swap3A_639], %broadcast_in_dim3A_3 {strides = array<i32>} : memref<8x150xf32, #tpu.memory_space<vmem>>, vector<16xf32>,
      %swap3A_641 = arith.constant 4 : i32
      %swap3A_642 = arith.index_cast %swap3A_641 : i32 to index
      %swap3A_643 = arith.constant 32 : index
      %swap3A_644 = tpu.vector_load %arg12[%swap3A_642, %swap3A_643] {strides = array<i32>} : memref<8x150xf32, #tpu.memory_space<vmem>>, vector<16xf32>,
      tpu.vector_store %arg12[%swap3A_642, %swap3A_643], %broadcast_in_dim3A_3 {strides = array<i32>} : memref<8x150xf32, #tpu.memory_space<vmem>>, vector<16xf32>,
      %swap3A_645 = arith.constant 4 : i32
      %swap3A_646 = arith.index_cast %swap3A_645 : i32 to index
      %swap3A_647 = arith.constant 48 : index
      %swap3A_648 = tpu.vector_load %arg12[%swap3A_646, %swap3A_647] {strides = array<i32>} : memref<8x150xf32, #tpu.memory_space<vmem>>, vector<16xf32>,
      tpu.vector_store %arg12[%swap3A_646, %swap3A_647], %broadcast_in_dim3A_3 {strides = array<i32>} : memref<8x150xf32, #tpu.memory_space<vmem>>, vector<16xf32>,
      %swap3A_649 = arith.constant 4 : i32
      %swap3A_650 = arith.index_cast %swap3A_649 : i32 to index
      %swap3A_651 = arith.constant 64 : index
      %swap3A_652 = tpu.vector_load %arg12[%swap3A_650, %swap3A_651] {strides = array<i32>} : memref<8x150xf32, #tpu.memory_space<vmem>>, vector<16xf32>,
      tpu.vector_store %arg12[%swap3A_650, %swap3A_651], %broadcast_in_dim3A_3 {strides = array<i32>} : memref<8x150xf32, #tpu.memory_space<vmem>>, vector<16xf32>,
      %swap3A_653 = arith.constant 4 : i32
      %swap3A_654 = arith.index_cast %swap3A_653 : i32 to index
      %swap3A_655 = arith.constant 80 : index
      %swap3A_656 = tpu.vector_load %arg12[%swap3A_654, %swap3A_655] {strides = array<i32>} : memref<8x150xf32, #tpu.memory_space<vmem>>, vector<16xf32>,
      tpu.vector_store %arg12[%swap3A_654, %swap3A_655], %broadcast_in_dim3A_3 {strides = array<i32>} : memref<8x150xf32, #tpu.memory_space<vmem>>, vector<16xf32>,
      %swap3A_657 = arith.constant 4 : i32
      %swap3A_658 = arith.index_cast %swap3A_657 : i32 to index
      %swap3A_659 = arith.constant 96 : index
      %swap3A_660 = tpu.vector_load %arg12[%swap3A_658, %swap3A_659] {strides = array<i32>} : memref<8x150xf32, #tpu.memory_space<vmem>>, vector<16xf32>,
      tpu.vector_store %arg12[%swap3A_658, %swap3A_659], %broadcast_in_dim3A_3 {strides = array<i32>} : memref<8x150xf32, #tpu.memory_space<vmem>>, vector<16xf32>,
      %swap3A_661 = arith.constant 4 : i32
      %swap3A_662 = arith.index_cast %swap3A_661 : i32 to index
      %swap3A_663 = arith.constant 112 : index
      %swap3A_664 = tpu.vector_load %arg12[%swap3A_662, %swap3A_663] {strides = array<i32>} : memref<8x150xf32, #tpu.memory_space<vmem>>, vector<16xf32>,
      tpu.vector_store %arg12[%swap3A_662, %swap3A_663], %broadcast_in_dim3A_3 {strides = array<i32>} : memref<8x150xf32, #tpu.memory_space<vmem>>, vector<16xf32>,
      %swap3A_665 = arith.constant 4 : i32
      %swap3A_666 = arith.index_cast %swap3A_665 : i32 to index
      %swap3A_667 = arith.constant 128 : index
      %swap3A_668 = tpu.vector_load %arg12[%swap3A_666, %swap3A_667] {strides = array<i32>} : memref<8x150xf32, #tpu.memory_space<vmem>>, vector<16xf32>,
      tpu.vector_store %arg12[%swap3A_666, %swap3A_667], %broadcast_in_dim3A_3 {strides = array<i32>} : memref<8x150xf32, #tpu.memory_space<vmem>>, vector<16xf32>,
      tpu.vector_store_idx %arg12[%broadcast_in_dim3A_632, %add3A_11], %broadcast_in_dim3A_3 masked %lt3A_14 : memref<8x150xf32, #tpu.memory_space<vmem>>[vector<16xi32>, vector<16xi32>], vector<16xf32>, vector<16xi1>
      %broadcast_in_dim3A_669 = arith.constant 5 : i32
      %broadcast_in_dim3A_670 = vector.broadcast %broadcast_in_dim3A_669 : i32 to vector<16xi32>
      %swap3A_671 = arith.constant 5 : i32
      %swap3A_672 = arith.index_cast %swap3A_671 : i32 to index
      %swap3A_673 = arith.constant 0 : index
      %swap3A_674 = tpu.vector_load %arg12[%swap3A_672, %swap3A_673] {strides = array<i32>} : memref<8x150xf32, #tpu.memory_space<vmem>>, vector<16xf32>,
      tpu.vector_store %arg12[%swap3A_672, %swap3A_673], %broadcast_in_dim3A_3 {strides = array<i32>} : memref<8x150xf32, #tpu.memory_space<vmem>>, vector<16xf32>,
      %swap3A_675 = arith.constant 5 : i32
      %swap3A_676 = arith.index_cast %swap3A_675 : i32 to index
      %swap3A_677 = arith.constant 16 : index
      %swap3A_678 = tpu.vector_load %arg12[%swap3A_676, %swap3A_677] {strides = array<i32>} : memref<8x150xf32, #tpu.memory_space<vmem>>, vector<16xf32>,
      tpu.vector_store %arg12[%swap3A_676, %swap3A_677], %broadcast_in_dim3A_3 {strides = array<i32>} : memref<8x150xf32, #tpu.memory_space<vmem>>, vector<16xf32>,
      %swap3A_679 = arith.constant 5 : i32
      %swap3A_680 = arith.index_cast %swap3A_679 : i32 to index
      %swap3A_681 = arith.constant 32 : index
      %swap3A_682 = tpu.vector_load %arg12[%swap3A_680, %swap3A_681] {strides = array<i32>} : memref<8x150xf32, #tpu.memory_space<vmem>>, vector<16xf32>,
      tpu.vector_store %arg12[%swap3A_680, %swap3A_681], %broadcast_in_dim3A_3 {strides = array<i32>} : memref<8x150xf32, #tpu.memory_space<vmem>>, vector<16xf32>,
      %swap3A_683 = arith.constant 5 : i32
      %swap3A_684 = arith.index_cast %swap3A_683 : i32 to index
      %swap3A_685 = arith.constant 48 : index
      %swap3A_686 = tpu.vector_load %arg12[%swap3A_684, %swap3A_685] {strides = array<i32>} : memref<8x150xf32, #tpu.memory_space<vmem>>, vector<16xf32>,
      tpu.vector_store %arg12[%swap3A_684, %swap3A_685], %broadcast_in_dim3A_3 {strides = array<i32>} : memref<8x150xf32, #tpu.memory_space<vmem>>, vector<16xf32>,
      %swap3A_687 = arith.constant 5 : i32
      %swap3A_688 = arith.index_cast %swap3A_687 : i32 to index
      %swap3A_689 = arith.constant 64 : index
      %swap3A_690 = tpu.vector_load %arg12[%swap3A_688, %swap3A_689] {strides = array<i32>} : memref<8x150xf32, #tpu.memory_space<vmem>>, vector<16xf32>,
      tpu.vector_store %arg12[%swap3A_688, %swap3A_689], %broadcast_in_dim3A_3 {strides = array<i32>} : memref<8x150xf32, #tpu.memory_space<vmem>>, vector<16xf32>,
      %swap3A_691 = arith.constant 5 : i32
      %swap3A_692 = arith.index_cast %swap3A_691 : i32 to index
      %swap3A_693 = arith.constant 80 : index
      %swap3A_694 = tpu.vector_load %arg12[%swap3A_692, %swap3A_693] {strides = array<i32>} : memref<8x150xf32, #tpu.memory_space<vmem>>, vector<16xf32>,
      tpu.vector_store %arg12[%swap3A_692, %swap3A_693], %broadcast_in_dim3A_3 {strides = array<i32>} : memref<8x150xf32, #tpu.memory_space<vmem>>, vector<16xf32>,
      %swap3A_695 = arith.constant 5 : i32
      %swap3A_696 = arith.index_cast %swap3A_695 : i32 to index
      %swap3A_697 = arith.constant 96 : index
      %swap3A_698 = tpu.vector_load %arg12[%swap3A_696, %swap3A_697] {strides = array<i32>} : memref<8x150xf32, #tpu.memory_space<vmem>>, vector<16xf32>,
      tpu.vector_store %arg12[%swap3A_696, %swap3A_697], %broadcast_in_dim3A_3 {strides = array<i32>} : memref<8x150xf32, #tpu.memory_space<vmem>>, vector<16xf32>,
      %swap3A_699 = arith.constant 5 : i32
      %swap3A_700 = arith.index_cast %swap3A_699 : i32 to index
      %swap3A_701 = arith.constant 112 : index
      %swap3A_702 = tpu.vector_load %arg12[%swap3A_700, %swap3A_701] {strides = array<i32>} : memref<8x150xf32, #tpu.memory_space<vmem>>, vector<16xf32>,
      tpu.vector_store %arg12[%swap3A_700, %swap3A_701], %broadcast_in_dim3A_3 {strides = array<i32>} : memref<8x150xf32, #tpu.memory_space<vmem>>, vector<16xf32>,
      %swap3A_703 = arith.constant 5 : i32
      %swap3A_704 = arith.index_cast %swap3A_703 : i32 to index
      %swap3A_705 = arith.constant 128 : index
      %swap3A_706 = tpu.vector_load %arg12[%swap3A_704, %swap3A_705] {strides = array<i32>} : memref<8x150xf32, #tpu.memory_space<vmem>>, vector<16xf32>,
      tpu.vector_store %arg12[%swap3A_704, %swap3A_705], %broadcast_in_dim3A_3 {strides = array<i32>} : memref<8x150xf32, #tpu.memory_space<vmem>>, vector<16xf32>,
      tpu.vector_store_idx %arg12[%broadcast_in_dim3A_670, %add3A_11], %broadcast_in_dim3A_3 masked %lt3A_14 : memref<8x150xf32, #tpu.memory_space<vmem>>[vector<16xi32>, vector<16xi32>], vector<16xf32>, vector<16xi1>
      %broadcast_in_dim3A_707 = arith.constant 6 : i32
      %broadcast_in_dim3A_708 = vector.broadcast %broadcast_in_dim3A_707 : i32 to vector<16xi32>
      %swap3A_709 = arith.constant 6 : i32
      %swap3A_710 = arith.index_cast %swap3A_709 : i32 to index
      %swap3A_711 = arith.constant 0 : index
      %swap3A_712 = tpu.vector_load %arg12[%swap3A_710, %swap3A_711] {strides = array<i32>} : memref<8x150xf32, #tpu.memory_space<vmem>>, vector<16xf32>,
      tpu.vector_store %arg12[%swap3A_710, %swap3A_711], %broadcast_in_dim3A_3 {strides = array<i32>} : memref<8x150xf32, #tpu.memory_space<vmem>>, vector<16xf32>,
      %swap3A_713 = arith.constant 6 : i32
      %swap3A_714 = arith.index_cast %swap3A_713 : i32 to index
      %swap3A_715 = arith.constant 16 : index
      %swap3A_716 = tpu.vector_load %arg12[%swap3A_714, %swap3A_715] {strides = array<i32>} : memref<8x150xf32, #tpu.memory_space<vmem>>, vector<16xf32>,
      tpu.vector_store %arg12[%swap3A_714, %swap3A_715], %broadcast_in_dim3A_3 {strides = array<i32>} : memref<8x150xf32, #tpu.memory_space<vmem>>, vector<16xf32>,
      %swap3A_717 = arith.constant 6 : i32
      %swap3A_718 = arith.index_cast %swap3A_717 : i32 to index
      %swap3A_719 = arith.constant 32 : index
      %swap3A_720 = tpu.vector_load %arg12[%swap3A_718, %swap3A_719] {strides = array<i32>} : memref<8x150xf32, #tpu.memory_space<vmem>>, vector<16xf32>,
      tpu.vector_store %arg12[%swap3A_718, %swap3A_719], %broadcast_in_dim3A_3 {strides = array<i32>} : memref<8x150xf32, #tpu.memory_space<vmem>>, vector<16xf32>,
      %swap3A_721 = arith.constant 6 : i32
      %swap3A_722 = arith.index_cast %swap3A_721 : i32 to index
      %swap3A_723 = arith.constant 48 : index
      %swap3A_724 = tpu.vector_load %arg12[%swap3A_722, %swap3A_723] {strides = array<i32>} : memref<8x150xf32, #tpu.memory_space<vmem>>, vector<16xf32>,
      tpu.vector_store %arg12[%swap3A_722, %swap3A_723], %broadcast_in_dim3A_3 {strides = array<i32>} : memref<8x150xf32, #tpu.memory_space<vmem>>, vector<16xf32>,
      %swap3A_725 = arith.constant 6 : i32
      %swap3A_726 = arith.index_cast %swap3A_725 : i32 to index
      %swap3A_727 = arith.constant 64 : index
      %swap3A_728 = tpu.vector_load %arg12[%swap3A_726, %swap3A_727] {strides = array<i32>} : memref<8x150xf32, #tpu.memory_space<vmem>>, vector<16xf32>,
      tpu.vector_store %arg12[%swap3A_726, %swap3A_727], %broadcast_in_dim3A_3 {strides = array<i32>} : memref<8x150xf32, #tpu.memory_space<vmem>>, vector<16xf32>,
      %swap3A_729 = arith.constant 6 : i32
      %swap3A_730 = arith.index_cast %swap3A_729 : i32 to index
      %swap3A_731 = arith.constant 80 : index
      %swap3A_732 = tpu.vector_load %arg12[%swap3A_730, %swap3A_731] {strides = array<i32>} : memref<8x150xf32, #tpu.memory_space<vmem>>, vector<16xf32>,
      tpu.vector_store %arg12[%swap3A_730, %swap3A_731], %broadcast_in_dim3A_3 {strides = array<i32>} : memref<8x150xf32, #tpu.memory_space<vmem>>, vector<16xf32>,
      %swap3A_733 = arith.constant 6 : i32
      %swap3A_734 = arith.index_cast %swap3A_733 : i32 to index
      %swap3A_735 = arith.constant 96 : index
      %swap3A_736 = tpu.vector_load %arg12[%swap3A_734, %swap3A_735] {strides = array<i32>} : memref<8x150xf32, #tpu.memory_space<vmem>>, vector<16xf32>,
      tpu.vector_store %arg12[%swap3A_734, %swap3A_735], %broadcast_in_dim3A_3 {strides = array<i32>} : memref<8x150xf32, #tpu.memory_space<vmem>>, vector<16xf32>,
      %swap3A_737 = arith.constant 6 : i32
      %swap3A_738 = arith.index_cast %swap3A_737 : i32 to index
      %swap3A_739 = arith.constant 112 : index
      %swap3A_740 = tpu.vector_load %arg12[%swap3A_738, %swap3A_739] {strides = array<i32>} : memref<8x150xf32, #tpu.memory_space<vmem>>, vector<16xf32>,
      tpu.vector_store %arg12[%swap3A_738, %swap3A_739], %broadcast_in_dim3A_3 {strides = array<i32>} : memref<8x150xf32, #tpu.memory_space<vmem>>, vector<16xf32>,
      %swap3A_741 = arith.constant 6 : i32
      %swap3A_742 = arith.index_cast %swap3A_741 : i32 to index
      %swap3A_743 = arith.constant 128 : index
      %swap3A_744 = tpu.vector_load %arg12[%swap3A_742, %swap3A_743] {strides = array<i32>} : memref<8x150xf32, #tpu.memory_space<vmem>>, vector<16xf32>,
      tpu.vector_store %arg12[%swap3A_742, %swap3A_743], %broadcast_in_dim3A_3 {strides = array<i32>} : memref<8x150xf32, #tpu.memory_space<vmem>>, vector<16xf32>,
      tpu.vector_store_idx %arg12[%broadcast_in_dim3A_708, %add3A_11], %broadcast_in_dim3A_3 masked %lt3A_14 : memref<8x150xf32, #tpu.memory_space<vmem>>[vector<16xi32>, vector<16xi32>], vector<16xf32>, vector<16xi1>
      %broadcast_in_dim3A_745 = arith.constant 7 : i32
      %broadcast_in_dim3A_746 = vector.broadcast %broadcast_in_dim3A_745 : i32 to vector<16xi32>
      %swap3A_747 = arith.constant 7 : i32
      %swap3A_748 = arith.index_cast %swap3A_747 : i32 to index
      %swap3A_749 = arith.constant 0 : index
      %swap3A_750 = tpu.vector_load %arg12[%swap3A_748, %swap3A_749] {strides = array<i32>} : memref<8x150xf32, #tpu.memory_space<vmem>>, vector<16xf32>,
      tpu.vector_store %arg12[%swap3A_748, %swap3A_749], %broadcast_in_dim3A_3 {strides = array<i32>} : memref<8x150xf32, #tpu.memory_space<vmem>>, vector<16xf32>,
      %swap3A_751 = arith.constant 7 : i32
      %swap3A_752 = arith.index_cast %swap3A_751 : i32 to index
      %swap3A_753 = arith.constant 16 : index
      %swap3A_754 = tpu.vector_load %arg12[%swap3A_752, %swap3A_753] {strides = array<i32>} : memref<8x150xf32, #tpu.memory_space<vmem>>, vector<16xf32>,
      tpu.vector_store %arg12[%swap3A_752, %swap3A_753], %broadcast_in_dim3A_3 {strides = array<i32>} : memref<8x150xf32, #tpu.memory_space<vmem>>, vector<16xf32>,
      %swap3A_755 = arith.constant 7 : i32
      %swap3A_756 = arith.index_cast %swap3A_755 : i32 to index
      %swap3A_757 = arith.constant 32 : index
      %swap3A_758 = tpu.vector_load %arg12[%swap3A_756, %swap3A_757] {strides = array<i32>} : memref<8x150xf32, #tpu.memory_space<vmem>>, vector<16xf32>,
      tpu.vector_store %arg12[%swap3A_756, %swap3A_757], %broadcast_in_dim3A_3 {strides = array<i32>} : memref<8x150xf32, #tpu.memory_space<vmem>>, vector<16xf32>,
      %swap3A_759 = arith.constant 7 : i32
      %swap3A_760 = arith.index_cast %swap3A_759 : i32 to index
      %swap3A_761 = arith.constant 48 : index
      %swap3A_762 = tpu.vector_load %arg12[%swap3A_760, %swap3A_761] {strides = array<i32>} : memref<8x150xf32, #tpu.memory_space<vmem>>, vector<16xf32>,
      tpu.vector_store %arg12[%swap3A_760, %swap3A_761], %broadcast_in_dim3A_3 {strides = array<i32>} : memref<8x150xf32, #tpu.memory_space<vmem>>, vector<16xf32>,
      %swap3A_763 = arith.constant 7 : i32
      %swap3A_764 = arith.index_cast %swap3A_763 : i32 to index
      %swap3A_765 = arith.constant 64 : index
      %swap3A_766 = tpu.vector_load %arg12[%swap3A_764, %swap3A_765] {strides = array<i32>} : memref<8x150xf32, #tpu.memory_space<vmem>>, vector<16xf32>,
      tpu.vector_store %arg12[%swap3A_764, %swap3A_765], %broadcast_in_dim3A_3 {strides = array<i32>} : memref<8x150xf32, #tpu.memory_space<vmem>>, vector<16xf32>,
      %swap3A_767 = arith.constant 7 : i32
      %swap3A_768 = arith.index_cast %swap3A_767 : i32 to index
      %swap3A_769 = arith.constant 80 : index
      %swap3A_770 = tpu.vector_load %arg12[%swap3A_768, %swap3A_769] {strides = array<i32>} : memref<8x150xf32, #tpu.memory_space<vmem>>, vector<16xf32>,
      tpu.vector_store %arg12[%swap3A_768, %swap3A_769], %broadcast_in_dim3A_3 {strides = array<i32>} : memref<8x150xf32, #tpu.memory_space<vmem>>, vector<16xf32>,
      %swap3A_771 = arith.constant 7 : i32
      %swap3A_772 = arith.index_cast %swap3A_771 : i32 to index
      %swap3A_773 = arith.constant 96 : index
      %swap3A_774 = tpu.vector_load %arg12[%swap3A_772, %swap3A_773] {strides = array<i32>} : memref<8x150xf32, #tpu.memory_space<vmem>>, vector<16xf32>,
      tpu.vector_store %arg12[%swap3A_772, %swap3A_773], %broadcast_in_dim3A_3 {strides = array<i32>} : memref<8x150xf32, #tpu.memory_space<vmem>>, vector<16xf32>,
      %swap3A_775 = arith.constant 7 : i32
      %swap3A_776 = arith.index_cast %swap3A_775 : i32 to index
      %swap3A_777 = arith.constant 112 : index
      %swap3A_778 = tpu.vector_load %arg12[%swap3A_776, %swap3A_777] {strides = array<i32>} : memref<8x150xf32, #tpu.memory_space<vmem>>, vector<16xf32>,
      tpu.vector_store %arg12[%swap3A_776, %swap3A_777], %broadcast_in_dim3A_3 {strides = array<i32>} : memref<8x150xf32, #tpu.memory_space<vmem>>, vector<16xf32>,
      %swap3A_779 = arith.constant 7 : i32
      %swap3A_780 = arith.index_cast %swap3A_779 : i32 to index
      %swap3A_781 = arith.constant 128 : index
      %swap3A_782 = tpu.vector_load %arg12[%swap3A_780, %swap3A_781] {strides = array<i32>} : memref<8x150xf32, #tpu.memory_space<vmem>>, vector<16xf32>,
      tpu.vector_store %arg12[%swap3A_780, %swap3A_781], %broadcast_in_dim3A_3 {strides = array<i32>} : memref<8x150xf32, #tpu.memory_space<vmem>>, vector<16xf32>,
      tpu.vector_store_idx %arg12[%broadcast_in_dim3A_746, %add3A_11], %broadcast_in_dim3A_3 masked %lt3A_14 : memref<8x150xf32, #tpu.memory_space<vmem>>[vector<16xi32>, vector<16xi32>], vector<16xf32>, vector<16xi1>
      %mul3A_783 = arith.constant 8 : i32
      %mul3A_784 = arith.muli %add3A_459, %mul3A_783 : i32
      %add3A_785 = arith.addi %mul3A_2, %mul3A_784 : i32
      %dma_wait3A_786 = arith.constant 0 : i32
      %dma_wait3A_787 = tpu.memref_slice %arg3[%add3A_785, %dma_wait3A_786] : memref<4096x7350xf32, #tpu.memory_space<hbm>> -> memref<8x3584xf32, #tpu.memory_space<hbm>>
      %dma_wait3A_788 = arith.constant 0 : i32
      %dma_wait3A_789 = tpu.memref_slice %arg3[%add3A_785, %dma_wait3A_788] : memref<4096x7350xf32, #tpu.memory_space<hbm>> -> memref<8x3584xf32, #tpu.memory_space<hbm>>
      tpu.wait_dma2 semaphore(%arg15 : memref<!tpu.dma_semaphore, #tpu.memory_space<semaphore_mem>>) src(%dma_wait3A_789 : memref<8x3584xf32, #tpu.memory_space<hbm>>) dst(%arg8 : memref<8x3584xf32, #tpu.memory_space<vmem>>)
      %parallel_loop3A_790 = arith.constant 0 : i32
      %parallel_loop3A_791 = arith.constant 224 : i32
      %parallel_loop3A_792 = arith.constant 1 : i32
      scf.for %parallel_loop3A_873 = %parallel_loop3A_790 to %parallel_loop3A_791 step %parallel_loop3A_792  : i32 {
        %parallel_loop3A_874 = arith.constant 16 : i32
        %parallel_loop3A_875 = arith.muli %parallel_loop3A_873, %parallel_loop3A_874 : i32
        %parallel_loop3A_876 = arith.index_cast %parallel_loop3A_875 : i32 to index
        %parallel_loop3A_877 = tpu.vector_load %arg10[%parallel_loop3A_876] {strides = array<i32>} : memref<7360xi32, #tpu.memory_space<vmem>>, vector<16xi32>,
        %parallel_loop3A_878 = arith.constant 8 : i32
        %parallel_loop3A_879 = vector.broadcast %parallel_loop3A_878 : i32 to vector<16xi32>
        %parallel_loop3A_880 = arith.shrui %parallel_loop3A_877, %parallel_loop3A_879 : vector<16xi32>
        %parallel_loop3A_881 = arith.constant 255 : i32
        %parallel_loop3A_882 = vector.broadcast %parallel_loop3A_881 : i32 to vector<16xi32>
        %parallel_loop3A_883 = arith.andi %parallel_loop3A_877, %parallel_loop3A_882 : vector<16xi32>
        %parallel_loop3A_884 = arith.constant 0 : i32
        %parallel_loop3A_885 = vector.broadcast %parallel_loop3A_884 : i32 to vector<16xi32>
        %parallel_loop3A_886 = tpu.vector_load_idx %arg7[%parallel_loop3A_885, %parallel_loop3A_880] : memref<8x1225xf32, #tpu.memory_space<vmem>>[vector<16xi32>, vector<16xi32>], vector<16xf32>,
        %parallel_loop3A_887 = arith.constant 16 : i32
        %parallel_loop3A_888 = arith.muli %parallel_loop3A_873, %parallel_loop3A_887 : i32
        %parallel_loop3A_889 = arith.constant 0 : i32
        %parallel_loop3A_890 = arith.subi %parallel_loop3A_888, %parallel_loop3A_889 : i32
        %parallel_loop3A_891 = arith.constant 0 : i32
        %parallel_loop3A_892 = arith.index_cast %parallel_loop3A_891 : i32 to index
        %parallel_loop3A_893 = arith.index_cast %parallel_loop3A_890 : i32 to index
        %parallel_loop3A_894 = tpu.vector_load %arg8[%parallel_loop3A_892, %parallel_loop3A_893] {strides = array<i32>} : memref<8x3584xf32, #tpu.memory_space<vmem>>, vector<16xf32>,
        %parallel_loop3A_895 = arith.mulf %parallel_loop3A_886, %parallel_loop3A_894 : vector<16xf32>
        tpu.vector_store_idx %arg12[%parallel_loop3A_885, %parallel_loop3A_883], %parallel_loop3A_895 {add = true} : memref<8x150xf32, #tpu.memory_space<vmem>>[vector<16xi32>, vector<16xi32>], vector<16xf32>,
        %parallel_loop3A_896 = arith.constant 1 : i32
        %parallel_loop3A_897 = vector.broadcast %parallel_loop3A_896 : i32 to vector<16xi32>
        %parallel_loop3A_898 = tpu.vector_load_idx %arg7[%parallel_loop3A_897, %parallel_loop3A_880] : memref<8x1225xf32, #tpu.memory_space<vmem>>[vector<16xi32>, vector<16xi32>], vector<16xf32>,
        %parallel_loop3A_899 = arith.constant 16 : i32
        %parallel_loop3A_900 = arith.muli %parallel_loop3A_873, %parallel_loop3A_899 : i32
        %parallel_loop3A_901 = arith.constant 0 : i32
        %parallel_loop3A_902 = arith.subi %parallel_loop3A_900, %parallel_loop3A_901 : i32
        %parallel_loop3A_903 = arith.constant 1 : i32
        %parallel_loop3A_904 = arith.index_cast %parallel_loop3A_903 : i32 to index
        %parallel_loop3A_905 = arith.index_cast %parallel_loop3A_902 : i32 to index
        %parallel_loop3A_906 = tpu.vector_load %arg8[%parallel_loop3A_904, %parallel_loop3A_905] {strides = array<i32>} : memref<8x3584xf32, #tpu.memory_space<vmem>>, vector<16xf32>,
        %parallel_loop3A_907 = arith.mulf %parallel_loop3A_898, %parallel_loop3A_906 : vector<16xf32>
        tpu.vector_store_idx %arg12[%parallel_loop3A_897, %parallel_loop3A_883], %parallel_loop3A_907 {add = true} : memref<8x150xf32, #tpu.memory_space<vmem>>[vector<16xi32>, vector<16xi32>], vector<16xf32>,
        %parallel_loop3A_908 = arith.constant 2 : i32
        %parallel_loop3A_909 = vector.broadcast %parallel_loop3A_908 : i32 to vector<16xi32>
        %parallel_loop3A_910 = tpu.vector_load_idx %arg7[%parallel_loop3A_909, %parallel_loop3A_880] : memref<8x1225xf32, #tpu.memory_space<vmem>>[vector<16xi32>, vector<16xi32>], vector<16xf32>,
        %parallel_loop3A_911 = arith.constant 16 : i32
        %parallel_loop3A_912 = arith.muli %parallel_loop3A_873, %parallel_loop3A_911 : i32
        %parallel_loop3A_913 = arith.constant 0 : i32
        %parallel_loop3A_914 = arith.subi %parallel_loop3A_912, %parallel_loop3A_913 : i32
        %parallel_loop3A_915 = arith.constant 2 : i32
        %parallel_loop3A_916 = arith.index_cast %parallel_loop3A_915 : i32 to index
        %parallel_loop3A_917 = arith.index_cast %parallel_loop3A_914 : i32 to index
        %parallel_loop3A_918 = tpu.vector_load %arg8[%parallel_loop3A_916, %parallel_loop3A_917] {strides = array<i32>} : memref<8x3584xf32, #tpu.memory_space<vmem>>, vector<16xf32>,
        %parallel_loop3A_919 = arith.mulf %parallel_loop3A_910, %parallel_loop3A_918 : vector<16xf32>
        tpu.vector_store_idx %arg12[%parallel_loop3A_909, %parallel_loop3A_883], %parallel_loop3A_919 {add = true} : memref<8x150xf32, #tpu.memory_space<vmem>>[vector<16xi32>, vector<16xi32>], vector<16xf32>,
        %parallel_loop3A_920 = arith.constant 3 : i32
        %parallel_loop3A_921 = vector.broadcast %parallel_loop3A_920 : i32 to vector<16xi32>
        %parallel_loop3A_922 = tpu.vector_load_idx %arg7[%parallel_loop3A_921, %parallel_loop3A_880] : memref<8x1225xf32, #tpu.memory_space<vmem>>[vector<16xi32>, vector<16xi32>], vector<16xf32>,
        %parallel_loop3A_923 = arith.constant 16 : i32
        %parallel_loop3A_924 = arith.muli %parallel_loop3A_873, %parallel_loop3A_923 : i32
        %parallel_loop3A_925 = arith.constant 0 : i32
        %parallel_loop3A_926 = arith.subi %parallel_loop3A_924, %parallel_loop3A_925 : i32
        %parallel_loop3A_927 = arith.constant 3 : i32
        %parallel_loop3A_928 = arith.index_cast %parallel_loop3A_927 : i32 to index
        %parallel_loop3A_929 = arith.index_cast %parallel_loop3A_926 : i32 to index
        %parallel_loop3A_930 = tpu.vector_load %arg8[%parallel_loop3A_928, %parallel_loop3A_929] {strides = array<i32>} : memref<8x3584xf32, #tpu.memory_space<vmem>>, vector<16xf32>,
        %parallel_loop3A_931 = arith.mulf %parallel_loop3A_922, %parallel_loop3A_930 : vector<16xf32>
        tpu.vector_store_idx %arg12[%parallel_loop3A_921, %parallel_loop3A_883], %parallel_loop3A_931 {add = true} : memref<8x150xf32, #tpu.memory_space<vmem>>[vector<16xi32>, vector<16xi32>], vector<16xf32>,
        %parallel_loop3A_932 = arith.constant 4 : i32
        %parallel_loop3A_933 = vector.broadcast %parallel_loop3A_932 : i32 to vector<16xi32>
        %parallel_loop3A_934 = tpu.vector_load_idx %arg7[%parallel_loop3A_933, %parallel_loop3A_880] : memref<8x1225xf32, #tpu.memory_space<vmem>>[vector<16xi32>, vector<16xi32>], vector<16xf32>,
        %parallel_loop3A_935 = arith.constant 16 : i32
        %parallel_loop3A_936 = arith.muli %parallel_loop3A_873, %parallel_loop3A_935 : i32
        %parallel_loop3A_937 = arith.constant 0 : i32
        %parallel_loop3A_938 = arith.subi %parallel_loop3A_936, %parallel_loop3A_937 : i32
        %parallel_loop3A_939 = arith.constant 4 : i32
        %parallel_loop3A_940 = arith.index_cast %parallel_loop3A_939 : i32 to index
        %parallel_loop3A_941 = arith.index_cast %parallel_loop3A_938 : i32 to index
        %parallel_loop3A_942 = tpu.vector_load %arg8[%parallel_loop3A_940, %parallel_loop3A_941] {strides = array<i32>} : memref<8x3584xf32, #tpu.memory_space<vmem>>, vector<16xf32>,
        %parallel_loop3A_943 = arith.mulf %parallel_loop3A_934, %parallel_loop3A_942 : vector<16xf32>
        tpu.vector_store_idx %arg12[%parallel_loop3A_933, %parallel_loop3A_883], %parallel_loop3A_943 {add = true} : memref<8x150xf32, #tpu.memory_space<vmem>>[vector<16xi32>, vector<16xi32>], vector<16xf32>,
        %parallel_loop3A_944 = arith.constant 5 : i32
        %parallel_loop3A_945 = vector.broadcast %parallel_loop3A_944 : i32 to vector<16xi32>
        %parallel_loop3A_946 = tpu.vector_load_idx %arg7[%parallel_loop3A_945, %parallel_loop3A_880] : memref<8x1225xf32, #tpu.memory_space<vmem>>[vector<16xi32>, vector<16xi32>], vector<16xf32>,
        %parallel_loop3A_947 = arith.constant 16 : i32
        %parallel_loop3A_948 = arith.muli %parallel_loop3A_873, %parallel_loop3A_947 : i32
        %parallel_loop3A_949 = arith.constant 0 : i32
        %parallel_loop3A_950 = arith.subi %parallel_loop3A_948, %parallel_loop3A_949 : i32
        %parallel_loop3A_951 = arith.constant 5 : i32
        %parallel_loop3A_952 = arith.index_cast %parallel_loop3A_951 : i32 to index
        %parallel_loop3A_953 = arith.index_cast %parallel_loop3A_950 : i32 to index
        %parallel_loop3A_954 = tpu.vector_load %arg8[%parallel_loop3A_952, %parallel_loop3A_953] {strides = array<i32>} : memref<8x3584xf32, #tpu.memory_space<vmem>>, vector<16xf32>,
        %parallel_loop3A_955 = arith.mulf %parallel_loop3A_946, %parallel_loop3A_954 : vector<16xf32>
        tpu.vector_store_idx %arg12[%parallel_loop3A_945, %parallel_loop3A_883], %parallel_loop3A_955 {add = true} : memref<8x150xf32, #tpu.memory_space<vmem>>[vector<16xi32>, vector<16xi32>], vector<16xf32>,
        %parallel_loop3A_956 = arith.constant 6 : i32
        %parallel_loop3A_957 = vector.broadcast %parallel_loop3A_956 : i32 to vector<16xi32>
        %parallel_loop3A_958 = tpu.vector_load_idx %arg7[%parallel_loop3A_957, %parallel_loop3A_880] : memref<8x1225xf32, #tpu.memory_space<vmem>>[vector<16xi32>, vector<16xi32>], vector<16xf32>,
        %parallel_loop3A_959 = arith.constant 16 : i32
        %parallel_loop3A_960 = arith.muli %parallel_loop3A_873, %parallel_loop3A_959 : i32
        %parallel_loop3A_961 = arith.constant 0 : i32
        %parallel_loop3A_962 = arith.subi %parallel_loop3A_960, %parallel_loop3A_961 : i32
        %parallel_loop3A_963 = arith.constant 6 : i32
        %parallel_loop3A_964 = arith.index_cast %parallel_loop3A_963 : i32 to index
        %parallel_loop3A_965 = arith.index_cast %parallel_loop3A_962 : i32 to index
        %parallel_loop3A_966 = tpu.vector_load %arg8[%parallel_loop3A_964, %parallel_loop3A_965] {strides = array<i32>} : memref<8x3584xf32, #tpu.memory_space<vmem>>, vector<16xf32>,
        %parallel_loop3A_967 = arith.mulf %parallel_loop3A_958, %parallel_loop3A_966 : vector<16xf32>
        tpu.vector_store_idx %arg12[%parallel_loop3A_957, %parallel_loop3A_883], %parallel_loop3A_967 {add = true} : memref<8x150xf32, #tpu.memory_space<vmem>>[vector<16xi32>, vector<16xi32>], vector<16xf32>,
        %parallel_loop3A_968 = arith.constant 7 : i32
        %parallel_loop3A_969 = vector.broadcast %parallel_loop3A_968 : i32 to vector<16xi32>
        %parallel_loop3A_970 = tpu.vector_load_idx %arg7[%parallel_loop3A_969, %parallel_loop3A_880] : memref<8x1225xf32, #tpu.memory_space<vmem>>[vector<16xi32>, vector<16xi32>], vector<16xf32>,
        %parallel_loop3A_971 = arith.constant 16 : i32
        %parallel_loop3A_972 = arith.muli %parallel_loop3A_873, %parallel_loop3A_971 : i32
        %parallel_loop3A_973 = arith.constant 0 : i32
        %parallel_loop3A_974 = arith.subi %parallel_loop3A_972, %parallel_loop3A_973 : i32
        %parallel_loop3A_975 = arith.constant 7 : i32
        %parallel_loop3A_976 = arith.index_cast %parallel_loop3A_975 : i32 to index
        %parallel_loop3A_977 = arith.index_cast %parallel_loop3A_974 : i32 to index
        %parallel_loop3A_978 = tpu.vector_load %arg8[%parallel_loop3A_976, %parallel_loop3A_977] {strides = array<i32>} : memref<8x3584xf32, #tpu.memory_space<vmem>>, vector<16xf32>,
        %parallel_loop3A_979 = arith.mulf %parallel_loop3A_970, %parallel_loop3A_978 : vector<16xf32>
        tpu.vector_store_idx %arg12[%parallel_loop3A_969, %parallel_loop3A_883], %parallel_loop3A_979 {add = true} : memref<8x150xf32, #tpu.memory_space<vmem>>[vector<16xi32>, vector<16xi32>], vector<16xf32>,
      } {sc.loop_unroll_factor = 1 : i64, sc.parallel_access}
      %add3A_793 = arith.constant 1 : i32
      %add3A_794 = arith.addi %add3A_459, %add3A_793 : i32
      %lt3A_795 = arith.constant 16 : i32
      %lt3A_796 = arith.cmpi slt, %add3A_794, %lt3A_795 : i32
      %convert_element_type3A_797 = arith.extui %lt3A_796 : i1 to i32
      %cond3A_798 = arith.constant 0 : i32
      %cond3A_799 = arith.cmpi ne, %convert_element_type3A_797, %cond3A_798 : i32
      scf.if %cond3A_799 {
        %add3A_873 = arith.constant 1 : i32
        %add3A_874 = arith.addi %add3A_459, %add3A_873 : i32
        %mul3A_875 = arith.constant 8 : i32
        %mul3A_876 = arith.muli %add3A_874, %mul3A_875 : i32
        %add3A_877 = arith.addi %mul3A_2, %mul3A_876 : i32
        %dma_start3A_878 = arith.constant 0 : i32
        %dma_start3A_879 = tpu.memref_slice %arg3[%add3A_877, %dma_start3A_878] : memref<4096x7350xf32, #tpu.memory_space<hbm>> -> memref<8x3584xf32, #tpu.memory_space<hbm>>
        %dma_start3A_880 = arith.constant 0 : i32
        %dma_start3A_881 = tpu.memref_slice %arg3[%add3A_877, %dma_start3A_880] : memref<4096x7350xf32, #tpu.memory_space<hbm>> -> memref<8x3584xf32, #tpu.memory_space<hbm>>
        tpu.enqueue_dma source(%dma_start3A_881 : memref<8x3584xf32, #tpu.memory_space<hbm>>) target(%arg8 : memref<8x3584xf32, #tpu.memory_space<vmem>>) target_semaphore(%arg15 : memref<!tpu.dma_semaphore, #tpu.memory_space<semaphore_mem>>)
      } else {
      }
      %mul3A_800 = arith.constant 8 : i32
      %mul3A_801 = arith.muli %add3A_459, %mul3A_800 : i32
      %add3A_802 = arith.addi %mul3A_2, %mul3A_801 : i32
      %dma_wait3A_803 = arith.constant 3584 : i32
      %dma_wait3A_804 = tpu.memref_slice %arg3[%add3A_802, %dma_wait3A_803] : memref<4096x7350xf32, #tpu.memory_space<hbm>> -> memref<8x3766xf32, #tpu.memory_space<hbm>>
      %dma_wait3A_805 = arith.constant 3584 : i32
      %dma_wait3A_806 = tpu.memref_slice %arg3[%add3A_802, %dma_wait3A_805] : memref<4096x7350xf32, #tpu.memory_space<hbm>> -> memref<8x3766xf32, #tpu.memory_space<hbm>>
      tpu.wait_dma2 semaphore(%arg16 : memref<!tpu.dma_semaphore, #tpu.memory_space<semaphore_mem>>) src(%dma_wait3A_806 : memref<8x3766xf32, #tpu.memory_space<hbm>>) dst(%arg9 : memref<8x3766xf32, #tpu.memory_space<vmem>>)
      %parallel_loop3A_807 = arith.constant 224 : i32
      %parallel_loop3A_808 = arith.constant 459 : i32
      %parallel_loop3A_809 = arith.constant 1 : i32
      scf.for %parallel_loop3A_873 = %parallel_loop3A_807 to %parallel_loop3A_808 step %parallel_loop3A_809  : i32 {
        %parallel_loop3A_874 = arith.constant 16 : i32
        %parallel_loop3A_875 = arith.muli %parallel_loop3A_873, %parallel_loop3A_874 : i32
        %parallel_loop3A_876 = arith.index_cast %parallel_loop3A_875 : i32 to index
        %parallel_loop3A_877 = tpu.vector_load %arg10[%parallel_loop3A_876] {strides = array<i32>} : memref<7360xi32, #tpu.memory_space<vmem>>, vector<16xi32>,
        %parallel_loop3A_878 = arith.constant 8 : i32
        %parallel_loop3A_879 = vector.broadcast %parallel_loop3A_878 : i32 to vector<16xi32>
        %parallel_loop3A_880 = arith.shrui %parallel_loop3A_877, %parallel_loop3A_879 : vector<16xi32>
        %parallel_loop3A_881 = arith.constant 255 : i32
        %parallel_loop3A_882 = vector.broadcast %parallel_loop3A_881 : i32 to vector<16xi32>
        %parallel_loop3A_883 = arith.andi %parallel_loop3A_877, %parallel_loop3A_882 : vector<16xi32>
        %parallel_loop3A_884 = arith.constant 0 : i32
        %parallel_loop3A_885 = vector.broadcast %parallel_loop3A_884 : i32 to vector<16xi32>
        %parallel_loop3A_886 = tpu.vector_load_idx %arg7[%parallel_loop3A_885, %parallel_loop3A_880] : memref<8x1225xf32, #tpu.memory_space<vmem>>[vector<16xi32>, vector<16xi32>], vector<16xf32>,
        %parallel_loop3A_887 = arith.constant 16 : i32
        %parallel_loop3A_888 = arith.muli %parallel_loop3A_873, %parallel_loop3A_887 : i32
        %parallel_loop3A_889 = arith.constant 3584 : i32
        %parallel_loop3A_890 = arith.subi %parallel_loop3A_888, %parallel_loop3A_889 : i32
        %parallel_loop3A_891 = arith.constant 0 : i32
        %parallel_loop3A_892 = arith.index_cast %parallel_loop3A_891 : i32 to index
        %parallel_loop3A_893 = arith.index_cast %parallel_loop3A_890 : i32 to index
        %parallel_loop3A_894 = tpu.vector_load %arg9[%parallel_loop3A_892, %parallel_loop3A_893] {strides = array<i32>} : memref<8x3766xf32, #tpu.memory_space<vmem>>, vector<16xf32>,
        %parallel_loop3A_895 = arith.mulf %parallel_loop3A_886, %parallel_loop3A_894 : vector<16xf32>
        tpu.vector_store_idx %arg12[%parallel_loop3A_885, %parallel_loop3A_883], %parallel_loop3A_895 {add = true} : memref<8x150xf32, #tpu.memory_space<vmem>>[vector<16xi32>, vector<16xi32>], vector<16xf32>,
        %parallel_loop3A_896 = arith.constant 1 : i32
        %parallel_loop3A_897 = vector.broadcast %parallel_loop3A_896 : i32 to vector<16xi32>
        %parallel_loop3A_898 = tpu.vector_load_idx %arg7[%parallel_loop3A_897, %parallel_loop3A_880] : memref<8x1225xf32, #tpu.memory_space<vmem>>[vector<16xi32>, vector<16xi32>], vector<16xf32>,
        %parallel_loop3A_899 = arith.constant 16 : i32
        %parallel_loop3A_900 = arith.muli %parallel_loop3A_873, %parallel_loop3A_899 : i32
        %parallel_loop3A_901 = arith.constant 3584 : i32
        %parallel_loop3A_902 = arith.subi %parallel_loop3A_900, %parallel_loop3A_901 : i32
        %parallel_loop3A_903 = arith.constant 1 : i32
        %parallel_loop3A_904 = arith.index_cast %parallel_loop3A_903 : i32 to index
        %parallel_loop3A_905 = arith.index_cast %parallel_loop3A_902 : i32 to index
        %parallel_loop3A_906 = tpu.vector_load %arg9[%parallel_loop3A_904, %parallel_loop3A_905] {strides = array<i32>} : memref<8x3766xf32, #tpu.memory_space<vmem>>, vector<16xf32>,
        %parallel_loop3A_907 = arith.mulf %parallel_loop3A_898, %parallel_loop3A_906 : vector<16xf32>
        tpu.vector_store_idx %arg12[%parallel_loop3A_897, %parallel_loop3A_883], %parallel_loop3A_907 {add = true} : memref<8x150xf32, #tpu.memory_space<vmem>>[vector<16xi32>, vector<16xi32>], vector<16xf32>,
        %parallel_loop3A_908 = arith.constant 2 : i32
        %parallel_loop3A_909 = vector.broadcast %parallel_loop3A_908 : i32 to vector<16xi32>
        %parallel_loop3A_910 = tpu.vector_load_idx %arg7[%parallel_loop3A_909, %parallel_loop3A_880] : memref<8x1225xf32, #tpu.memory_space<vmem>>[vector<16xi32>, vector<16xi32>], vector<16xf32>,
        %parallel_loop3A_911 = arith.constant 16 : i32
        %parallel_loop3A_912 = arith.muli %parallel_loop3A_873, %parallel_loop3A_911 : i32
        %parallel_loop3A_913 = arith.constant 3584 : i32
        %parallel_loop3A_914 = arith.subi %parallel_loop3A_912, %parallel_loop3A_913 : i32
        %parallel_loop3A_915 = arith.constant 2 : i32
        %parallel_loop3A_916 = arith.index_cast %parallel_loop3A_915 : i32 to index
        %parallel_loop3A_917 = arith.index_cast %parallel_loop3A_914 : i32 to index
        %parallel_loop3A_918 = tpu.vector_load %arg9[%parallel_loop3A_916, %parallel_loop3A_917] {strides = array<i32>} : memref<8x3766xf32, #tpu.memory_space<vmem>>, vector<16xf32>,
        %parallel_loop3A_919 = arith.mulf %parallel_loop3A_910, %parallel_loop3A_918 : vector<16xf32>
        tpu.vector_store_idx %arg12[%parallel_loop3A_909, %parallel_loop3A_883], %parallel_loop3A_919 {add = true} : memref<8x150xf32, #tpu.memory_space<vmem>>[vector<16xi32>, vector<16xi32>], vector<16xf32>,
        %parallel_loop3A_920 = arith.constant 3 : i32
        %parallel_loop3A_921 = vector.broadcast %parallel_loop3A_920 : i32 to vector<16xi32>
        %parallel_loop3A_922 = tpu.vector_load_idx %arg7[%parallel_loop3A_921, %parallel_loop3A_880] : memref<8x1225xf32, #tpu.memory_space<vmem>>[vector<16xi32>, vector<16xi32>], vector<16xf32>,
        %parallel_loop3A_923 = arith.constant 16 : i32
        %parallel_loop3A_924 = arith.muli %parallel_loop3A_873, %parallel_loop3A_923 : i32
        %parallel_loop3A_925 = arith.constant 3584 : i32
        %parallel_loop3A_926 = arith.subi %parallel_loop3A_924, %parallel_loop3A_925 : i32
        %parallel_loop3A_927 = arith.constant 3 : i32
        %parallel_loop3A_928 = arith.index_cast %parallel_loop3A_927 : i32 to index
        %parallel_loop3A_929 = arith.index_cast %parallel_loop3A_926 : i32 to index
        %parallel_loop3A_930 = tpu.vector_load %arg9[%parallel_loop3A_928, %parallel_loop3A_929] {strides = array<i32>} : memref<8x3766xf32, #tpu.memory_space<vmem>>, vector<16xf32>,
        %parallel_loop3A_931 = arith.mulf %parallel_loop3A_922, %parallel_loop3A_930 : vector<16xf32>
        tpu.vector_store_idx %arg12[%parallel_loop3A_921, %parallel_loop3A_883], %parallel_loop3A_931 {add = true} : memref<8x150xf32, #tpu.memory_space<vmem>>[vector<16xi32>, vector<16xi32>], vector<16xf32>,
        %parallel_loop3A_932 = arith.constant 4 : i32
        %parallel_loop3A_933 = vector.broadcast %parallel_loop3A_932 : i32 to vector<16xi32>
        %parallel_loop3A_934 = tpu.vector_load_idx %arg7[%parallel_loop3A_933, %parallel_loop3A_880] : memref<8x1225xf32, #tpu.memory_space<vmem>>[vector<16xi32>, vector<16xi32>], vector<16xf32>,
        %parallel_loop3A_935 = arith.constant 16 : i32
        %parallel_loop3A_936 = arith.muli %parallel_loop3A_873, %parallel_loop3A_935 : i32
        %parallel_loop3A_937 = arith.constant 3584 : i32
        %parallel_loop3A_938 = arith.subi %parallel_loop3A_936, %parallel_loop3A_937 : i32
        %parallel_loop3A_939 = arith.constant 4 : i32
        %parallel_loop3A_940 = arith.index_cast %parallel_loop3A_939 : i32 to index
        %parallel_loop3A_941 = arith.index_cast %parallel_loop3A_938 : i32 to index
        %parallel_loop3A_942 = tpu.vector_load %arg9[%parallel_loop3A_940, %parallel_loop3A_941] {strides = array<i32>} : memref<8x3766xf32, #tpu.memory_space<vmem>>, vector<16xf32>,
        %parallel_loop3A_943 = arith.mulf %parallel_loop3A_934, %parallel_loop3A_942 : vector<16xf32>
        tpu.vector_store_idx %arg12[%parallel_loop3A_933, %parallel_loop3A_883], %parallel_loop3A_943 {add = true} : memref<8x150xf32, #tpu.memory_space<vmem>>[vector<16xi32>, vector<16xi32>], vector<16xf32>,
        %parallel_loop3A_944 = arith.constant 5 : i32
        %parallel_loop3A_945 = vector.broadcast %parallel_loop3A_944 : i32 to vector<16xi32>
        %parallel_loop3A_946 = tpu.vector_load_idx %arg7[%parallel_loop3A_945, %parallel_loop3A_880] : memref<8x1225xf32, #tpu.memory_space<vmem>>[vector<16xi32>, vector<16xi32>], vector<16xf32>,
        %parallel_loop3A_947 = arith.constant 16 : i32
        %parallel_loop3A_948 = arith.muli %parallel_loop3A_873, %parallel_loop3A_947 : i32
        %parallel_loop3A_949 = arith.constant 3584 : i32
        %parallel_loop3A_950 = arith.subi %parallel_loop3A_948, %parallel_loop3A_949 : i32
        %parallel_loop3A_951 = arith.constant 5 : i32
        %parallel_loop3A_952 = arith.index_cast %parallel_loop3A_951 : i32 to index
        %parallel_loop3A_953 = arith.index_cast %parallel_loop3A_950 : i32 to index
        %parallel_loop3A_954 = tpu.vector_load %arg9[%parallel_loop3A_952, %parallel_loop3A_953] {strides = array<i32>} : memref<8x3766xf32, #tpu.memory_space<vmem>>, vector<16xf32>,
        %parallel_loop3A_955 = arith.mulf %parallel_loop3A_946, %parallel_loop3A_954 : vector<16xf32>
        tpu.vector_store_idx %arg12[%parallel_loop3A_945, %parallel_loop3A_883], %parallel_loop3A_955 {add = true} : memref<8x150xf32, #tpu.memory_space<vmem>>[vector<16xi32>, vector<16xi32>], vector<16xf32>,
        %parallel_loop3A_956 = arith.constant 6 : i32
        %parallel_loop3A_957 = vector.broadcast %parallel_loop3A_956 : i32 to vector<16xi32>
        %parallel_loop3A_958 = tpu.vector_load_idx %arg7[%parallel_loop3A_957, %parallel_loop3A_880] : memref<8x1225xf32, #tpu.memory_space<vmem>>[vector<16xi32>, vector<16xi32>], vector<16xf32>,
        %parallel_loop3A_959 = arith.constant 16 : i32
        %parallel_loop3A_960 = arith.muli %parallel_loop3A_873, %parallel_loop3A_959 : i32
        %parallel_loop3A_961 = arith.constant 3584 : i32
        %parallel_loop3A_962 = arith.subi %parallel_loop3A_960, %parallel_loop3A_961 : i32
        %parallel_loop3A_963 = arith.constant 6 : i32
        %parallel_loop3A_964 = arith.index_cast %parallel_loop3A_963 : i32 to index
        %parallel_loop3A_965 = arith.index_cast %parallel_loop3A_962 : i32 to index
        %parallel_loop3A_966 = tpu.vector_load %arg9[%parallel_loop3A_964, %parallel_loop3A_965] {strides = array<i32>} : memref<8x3766xf32, #tpu.memory_space<vmem>>, vector<16xf32>,
        %parallel_loop3A_967 = arith.mulf %parallel_loop3A_958, %parallel_loop3A_966 : vector<16xf32>
        tpu.vector_store_idx %arg12[%parallel_loop3A_957, %parallel_loop3A_883], %parallel_loop3A_967 {add = true} : memref<8x150xf32, #tpu.memory_space<vmem>>[vector<16xi32>, vector<16xi32>], vector<16xf32>,
        %parallel_loop3A_968 = arith.constant 7 : i32
        %parallel_loop3A_969 = vector.broadcast %parallel_loop3A_968 : i32 to vector<16xi32>
        %parallel_loop3A_970 = tpu.vector_load_idx %arg7[%parallel_loop3A_969, %parallel_loop3A_880] : memref<8x1225xf32, #tpu.memory_space<vmem>>[vector<16xi32>, vector<16xi32>], vector<16xf32>,
        %parallel_loop3A_971 = arith.constant 16 : i32
        %parallel_loop3A_972 = arith.muli %parallel_loop3A_873, %parallel_loop3A_971 : i32
        %parallel_loop3A_973 = arith.constant 3584 : i32
        %parallel_loop3A_974 = arith.subi %parallel_loop3A_972, %parallel_loop3A_973 : i32
        %parallel_loop3A_975 = arith.constant 7 : i32
        %parallel_loop3A_976 = arith.index_cast %parallel_loop3A_975 : i32 to index
        %parallel_loop3A_977 = arith.index_cast %parallel_loop3A_974 : i32 to index
        %parallel_loop3A_978 = tpu.vector_load %arg9[%parallel_loop3A_976, %parallel_loop3A_977] {strides = array<i32>} : memref<8x3766xf32, #tpu.memory_space<vmem>>, vector<16xf32>,
        %parallel_loop3A_979 = arith.mulf %parallel_loop3A_970, %parallel_loop3A_978 : vector<16xf32>
        tpu.vector_store_idx %arg12[%parallel_loop3A_969, %parallel_loop3A_883], %parallel_loop3A_979 {add = true} : memref<8x150xf32, #tpu.memory_space<vmem>>[vector<16xi32>, vector<16xi32>], vector<16xf32>,
      } {sc.loop_unroll_factor = 1 : i64, sc.parallel_access}
      %get3A_810 = arith.constant 7344 : index
      %get3A_811 = tpu.vector_load %arg10[%get3A_810] {strides = array<i32>} : memref<7360xi32, #tpu.memory_space<vmem>>, vector<16xi32>,
      %shift_right_logical3A_812 = arith.constant 8 : i32
      %shift_right_logical3A_813 = vector.broadcast %shift_right_logical3A_812 : i32 to vector<16xi32>
      %shift_right_logical3A_814 = arith.shrui %get3A_811, %shift_right_logical3A_813 : vector<16xi32>
      %and3A_815 = arith.constant 255 : i32
      %and3A_816 = vector.broadcast %and3A_815 : i32 to vector<16xi32>
      %and3A_817 = arith.andi %get3A_811, %and3A_816 : vector<16xi32>
      %broadcast_in_dim3A_818 = arith.constant 0 : i32
      %broadcast_in_dim3A_819 = vector.broadcast %broadcast_in_dim3A_818 : i32 to vector<16xi32>
      %gather3A_820 = tpu.vector_load_idx %arg7[%broadcast_in_dim3A_819, %shift_right_logical3A_814] masked %lt3A_8 : memref<8x1225xf32, #tpu.memory_space<vmem>>[vector<16xi32>, vector<16xi32>], vector<16xf32>, vector<16xi1>
      %gather3A_821 = tpu.vector_load_idx %arg9[%broadcast_in_dim3A_819, %add3A_6] masked %lt3A_8 : memref<8x3766xf32, #tpu.memory_space<vmem>>[vector<16xi32>, vector<16xi32>], vector<16xf32>, vector<16xi1>
      %mul3A_822 = arith.mulf %gather3A_820, %gather3A_821 : vector<16xf32>
      tpu.vector_store_idx %arg12[%broadcast_in_dim3A_819, %and3A_817], %mul3A_822 masked %lt3A_8 {add = true} : memref<8x150xf32, #tpu.memory_space<vmem>>[vector<16xi32>, vector<16xi32>], vector<16xf32>, vector<16xi1>
      %broadcast_in_dim3A_823 = arith.constant 1 : i32
      %broadcast_in_dim3A_824 = vector.broadcast %broadcast_in_dim3A_823 : i32 to vector<16xi32>
      %gather3A_825 = tpu.vector_load_idx %arg7[%broadcast_in_dim3A_824, %shift_right_logical3A_814] masked %lt3A_8 : memref<8x1225xf32, #tpu.memory_space<vmem>>[vector<16xi32>, vector<16xi32>], vector<16xf32>, vector<16xi1>
      %gather3A_826 = tpu.vector_load_idx %arg9[%broadcast_in_dim3A_824, %add3A_6] masked %lt3A_8 : memref<8x3766xf32, #tpu.memory_space<vmem>>[vector<16xi32>, vector<16xi32>], vector<16xf32>, vector<16xi1>
      %mul3A_827 = arith.mulf %gather3A_825, %gather3A_826 : vector<16xf32>
      tpu.vector_store_idx %arg12[%broadcast_in_dim3A_824, %and3A_817], %mul3A_827 masked %lt3A_8 {add = true} : memref<8x150xf32, #tpu.memory_space<vmem>>[vector<16xi32>, vector<16xi32>], vector<16xf32>, vector<16xi1>
      %broadcast_in_dim3A_828 = arith.constant 2 : i32
      %broadcast_in_dim3A_829 = vector.broadcast %broadcast_in_dim3A_828 : i32 to vector<16xi32>
      %gather3A_830 = tpu.vector_load_idx %arg7[%broadcast_in_dim3A_829, %shift_right_logical3A_814] masked %lt3A_8 : memref<8x1225xf32, #tpu.memory_space<vmem>>[vector<16xi32>, vector<16xi32>], vector<16xf32>, vector<16xi1>
      %gather3A_831 = tpu.vector_load_idx %arg9[%broadcast_in_dim3A_829, %add3A_6] masked %lt3A_8 : memref<8x3766xf32, #tpu.memory_space<vmem>>[vector<16xi32>, vector<16xi32>], vector<16xf32>, vector<16xi1>
      %mul3A_832 = arith.mulf %gather3A_830, %gather3A_831 : vector<16xf32>
      tpu.vector_store_idx %arg12[%broadcast_in_dim3A_829, %and3A_817], %mul3A_832 masked %lt3A_8 {add = true} : memref<8x150xf32, #tpu.memory_space<vmem>>[vector<16xi32>, vector<16xi32>], vector<16xf32>, vector<16xi1>
      %broadcast_in_dim3A_833 = arith.constant 3 : i32
      %broadcast_in_dim3A_834 = vector.broadcast %broadcast_in_dim3A_833 : i32 to vector<16xi32>
      %gather3A_835 = tpu.vector_load_idx %arg7[%broadcast_in_dim3A_834, %shift_right_logical3A_814] masked %lt3A_8 : memref<8x1225xf32, #tpu.memory_space<vmem>>[vector<16xi32>, vector<16xi32>], vector<16xf32>, vector<16xi1>
      %gather3A_836 = tpu.vector_load_idx %arg9[%broadcast_in_dim3A_834, %add3A_6] masked %lt3A_8 : memref<8x3766xf32, #tpu.memory_space<vmem>>[vector<16xi32>, vector<16xi32>], vector<16xf32>, vector<16xi1>
      %mul3A_837 = arith.mulf %gather3A_835, %gather3A_836 : vector<16xf32>
      tpu.vector_store_idx %arg12[%broadcast_in_dim3A_834, %and3A_817], %mul3A_837 masked %lt3A_8 {add = true} : memref<8x150xf32, #tpu.memory_space<vmem>>[vector<16xi32>, vector<16xi32>], vector<16xf32>, vector<16xi1>
      %broadcast_in_dim3A_838 = arith.constant 4 : i32
      %broadcast_in_dim3A_839 = vector.broadcast %broadcast_in_dim3A_838 : i32 to vector<16xi32>
      %gather3A_840 = tpu.vector_load_idx %arg7[%broadcast_in_dim3A_839, %shift_right_logical3A_814] masked %lt3A_8 : memref<8x1225xf32, #tpu.memory_space<vmem>>[vector<16xi32>, vector<16xi32>], vector<16xf32>, vector<16xi1>
      %gather3A_841 = tpu.vector_load_idx %arg9[%broadcast_in_dim3A_839, %add3A_6] masked %lt3A_8 : memref<8x3766xf32, #tpu.memory_space<vmem>>[vector<16xi32>, vector<16xi32>], vector<16xf32>, vector<16xi1>
      %mul3A_842 = arith.mulf %gather3A_840, %gather3A_841 : vector<16xf32>
      tpu.vector_store_idx %arg12[%broadcast_in_dim3A_839, %and3A_817], %mul3A_842 masked %lt3A_8 {add = true} : memref<8x150xf32, #tpu.memory_space<vmem>>[vector<16xi32>, vector<16xi32>], vector<16xf32>, vector<16xi1>
      %broadcast_in_dim3A_843 = arith.constant 5 : i32
      %broadcast_in_dim3A_844 = vector.broadcast %broadcast_in_dim3A_843 : i32 to vector<16xi32>
      %gather3A_845 = tpu.vector_load_idx %arg7[%broadcast_in_dim3A_844, %shift_right_logical3A_814] masked %lt3A_8 : memref<8x1225xf32, #tpu.memory_space<vmem>>[vector<16xi32>, vector<16xi32>], vector<16xf32>, vector<16xi1>
      %gather3A_846 = tpu.vector_load_idx %arg9[%broadcast_in_dim3A_844, %add3A_6] masked %lt3A_8 : memref<8x3766xf32, #tpu.memory_space<vmem>>[vector<16xi32>, vector<16xi32>], vector<16xf32>, vector<16xi1>
      %mul3A_847 = arith.mulf %gather3A_845, %gather3A_846 : vector<16xf32>
      tpu.vector_store_idx %arg12[%broadcast_in_dim3A_844, %and3A_817], %mul3A_847 masked %lt3A_8 {add = true} : memref<8x150xf32, #tpu.memory_space<vmem>>[vector<16xi32>, vector<16xi32>], vector<16xf32>, vector<16xi1>
      %broadcast_in_dim3A_848 = arith.constant 6 : i32
      %broadcast_in_dim3A_849 = vector.broadcast %broadcast_in_dim3A_848 : i32 to vector<16xi32>
      %gather3A_850 = tpu.vector_load_idx %arg7[%broadcast_in_dim3A_849, %shift_right_logical3A_814] masked %lt3A_8 : memref<8x1225xf32, #tpu.memory_space<vmem>>[vector<16xi32>, vector<16xi32>], vector<16xf32>, vector<16xi1>
      %gather3A_851 = tpu.vector_load_idx %arg9[%broadcast_in_dim3A_849, %add3A_6] masked %lt3A_8 : memref<8x3766xf32, #tpu.memory_space<vmem>>[vector<16xi32>, vector<16xi32>], vector<16xf32>, vector<16xi1>
      %mul3A_852 = arith.mulf %gather3A_850, %gather3A_851 : vector<16xf32>
      tpu.vector_store_idx %arg12[%broadcast_in_dim3A_849, %and3A_817], %mul3A_852 masked %lt3A_8 {add = true} : memref<8x150xf32, #tpu.memory_space<vmem>>[vector<16xi32>, vector<16xi32>], vector<16xf32>, vector<16xi1>
      %broadcast_in_dim3A_853 = arith.constant 7 : i32
      %broadcast_in_dim3A_854 = vector.broadcast %broadcast_in_dim3A_853 : i32 to vector<16xi32>
      %gather3A_855 = tpu.vector_load_idx %arg7[%broadcast_in_dim3A_854, %shift_right_logical3A_814] masked %lt3A_8 : memref<8x1225xf32, #tpu.memory_space<vmem>>[vector<16xi32>, vector<16xi32>], vector<16xf32>, vector<16xi1>
      %gather3A_856 = tpu.vector_load_idx %arg9[%broadcast_in_dim3A_854, %add3A_6] masked %lt3A_8 : memref<8x3766xf32, #tpu.memory_space<vmem>>[vector<16xi32>, vector<16xi32>], vector<16xf32>, vector<16xi1>
      %mul3A_857 = arith.mulf %gather3A_855, %gather3A_856 : vector<16xf32>
      tpu.vector_store_idx %arg12[%broadcast_in_dim3A_854, %and3A_817], %mul3A_857 masked %lt3A_8 {add = true} : memref<8x150xf32, #tpu.memory_space<vmem>>[vector<16xi32>, vector<16xi32>], vector<16xf32>, vector<16xi1>
      %add3A_858 = arith.constant 1 : i32
      %add3A_859 = arith.addi %add3A_459, %add3A_858 : i32
      %lt3A_860 = arith.constant 16 : i32
      %lt3A_861 = arith.cmpi slt, %add3A_859, %lt3A_860 : i32
      %convert_element_type3A_862 = arith.extui %lt3A_861 : i1 to i32
      %cond3A_863 = arith.constant 0 : i32
      %cond3A_864 = arith.cmpi ne, %convert_element_type3A_862, %cond3A_863 : i32
      scf.if %cond3A_864 {
        %add3A_873 = arith.constant 1 : i32
        %add3A_874 = arith.addi %add3A_459, %add3A_873 : i32
        %mul3A_875 = arith.constant 8 : i32
        %mul3A_876 = arith.muli %add3A_874, %mul3A_875 : i32
        %add3A_877 = arith.addi %mul3A_2, %mul3A_876 : i32
        %dma_start3A_878 = arith.constant 3584 : i32
        %dma_start3A_879 = tpu.memref_slice %arg3[%add3A_877, %dma_start3A_878] : memref<4096x7350xf32, #tpu.memory_space<hbm>> -> memref<8x3766xf32, #tpu.memory_space<hbm>>
        %dma_start3A_880 = arith.constant 3584 : i32
        %dma_start3A_881 = tpu.memref_slice %arg3[%add3A_877, %dma_start3A_880] : memref<4096x7350xf32, #tpu.memory_space<hbm>> -> memref<8x3766xf32, #tpu.memory_space<hbm>>
        tpu.enqueue_dma source(%dma_start3A_881 : memref<8x3766xf32, #tpu.memory_space<hbm>>) target(%arg9 : memref<8x3766xf32, #tpu.memory_space<vmem>>) target_semaphore(%arg16 : memref<!tpu.dma_semaphore, #tpu.memory_space<semaphore_mem>>)
      } else {
      }
      %mul3A_865 = arith.constant 8 : i32
      %mul3A_866 = arith.muli %add3A_459, %mul3A_865 : i32
      %add3A_867 = arith.addi %mul3A_2, %mul3A_866 : i32
      %dma_start3A_868 = arith.constant 0 : i32
      %dma_start3A_869 = tpu.memref_slice %arg5[%add3A_867, %dma_start3A_868] : memref<4096x150xf32, #tpu.memory_space<hbm>> -> memref<8x150xf32, #tpu.memory_space<hbm>>
      %dma_start3A_870 = arith.constant 0 : i32
      %dma_start3A_871 = tpu.memref_slice %arg5[%add3A_867, %dma_start3A_870] : memref<4096x150xf32, #tpu.memory_space<hbm>> -> memref<8x150xf32, #tpu.memory_space<hbm>>
      tpu.enqueue_dma source(%arg12 : memref<8x150xf32, #tpu.memory_space<vmem>>) target(%dma_start3A_871 : memref<8x150xf32, #tpu.memory_space<hbm>>) target_semaphore(%arg18 : memref<!tpu.dma_semaphore, #tpu.memory_space<semaphore_mem>>)
      %scan3A_872 = arith.constant 0 : i32
      scf.yield %scan3A_872 : i32
    }
    %scan3A_37 = arith.constant 8 : i32
    %add3A_38 = arith.constant 112 : i32
    %add3A_39 = arith.addi %mul3A_2, %add3A_38 : i32
    %dma_wait3A = arith.constant 0 : i32
    %dma_wait3A_40 = tpu.memref_slice %arg5[%add3A_39, %dma_wait3A] : memref<4096x150xf32, #tpu.memory_space<hbm>> -> memref<8x150xf32, #tpu.memory_space<hbm>>
    %dma_wait3A_41 = arith.constant 0 : i32
    %dma_wait3A_42 = tpu.memref_slice %arg5[%add3A_39, %dma_wait3A_41] : memref<4096x150xf32, #tpu.memory_space<hbm>> -> memref<8x150xf32, #tpu.memory_space<hbm>>
    tpu.wait_dma2 semaphore(%arg17 : memref<!tpu.dma_semaphore, #tpu.memory_space<semaphore_mem>>) src(%arg11 : memref<8x150xf32, #tpu.memory_space<vmem>>) dst(%dma_wait3A_42 : memref<8x150xf32, #tpu.memory_space<hbm>>)
    %add3A_43 = arith.constant 120 : i32
    %add3A_44 = arith.addi %mul3A_2, %add3A_43 : i32
    %dma_wait3A_45 = arith.constant 0 : i32
    %dma_wait3A_46 = tpu.memref_slice %arg5[%add3A_44, %dma_wait3A_45] : memref<4096x150xf32, #tpu.memory_space<hbm>> -> memref<8x150xf32, #tpu.memory_space<hbm>>
    %dma_wait3A_47 = arith.constant 0 : i32
    %dma_wait3A_48 = tpu.memref_slice %arg5[%add3A_44, %dma_wait3A_47] : memref<4096x150xf32, #tpu.memory_space<hbm>> -> memref<8x150xf32, #tpu.memory_space<hbm>>
    tpu.wait_dma2 semaphore(%arg18 : memref<!tpu.dma_semaphore, #tpu.memory_space<semaphore_mem>>) src(%arg12 : memref<8x150xf32, #tpu.memory_space<vmem>>) dst(%dma_wait3A_48 : memref<8x150xf32, #tpu.memory_space<hbm>>)
    return
  }
}

</mosaic_0001>

<sc_bundles>
// kernel: kernel.3.cloned.1.call-start
scs
__scs_entry_jumppad:
0x0: {  	(pc) =	sbr.rel $0x88, $3  }
0x1: {  	(tag) =	ssettag $0x0;
	lr =	simm.s32 $0x1  }
0x2: {  	[smem:$0x3F9D] =	sst lr;
	_ =	strace $0xD0000000  }
0x3: {  	_ = 	snop  }
0x4: {  	_ = 	snop  }
0x5: {  	_ = 	snop  }
0x6: {  	_ = 	snop  }
0x7: {  	_ = 	snop  }
__scs_overlays_trampoline_lowered:
0x8: {  	[smem:$0x3FAC] =	sst s0  }
0x9: {  	[smem:$0x3FAD] =	sst s1  }
0xa: {  	[smem:$0x3FAE] =	sst s2  }
0xb: {  	[smem:$0x3FAF] =	sst s3  }
0xc: {  	[smem:$0x3FB0] =	sst s4  }
0xd: {  	[smem:$0x3FB1] =	sst s5  }
0xe: {  	[smem:$0x3FB2] =	sst s6  }
0xf: {  	[smem:$0x3FB3] =	sst s7  }
0x10: {  	[smem:$0x3FB4] =	sst s8  }
0x11: {  	[smem:$0x3FB5] =	sst s9;
	s0 =	simm.s32 @!p0 $0x0  }
0x12: {  	s1 =	sld [smem:$0x3F9B];
	s0 =	simm.s32 @p0 $0x1  }
0x13: {  	[smem:$0x3FB6] =	sst s0;
	s0 =	simm.s32 @!p1 $0x0  }
0x14: {  	s2 =	sld [smem:$0x3F9A];
	s0 =	simm.s32 @p1 $0x1  }
0x15: {  	[smem:$0x3FB7] =	sst s0;
	s0 =	simm.s32 @!p2 $0x0  }
0x16: {  	s3 =	sld [smem:$0x3FDB];
	s0 =	simm.s32 @p2 $0x1  }
0x17: {  	s4 =	simm.s32 $0x1BF5;
	[smem:$0x3FB9] =	sst s0  }
0x18: {  	s0 =	sld [smem:$0x3F9C];
	_ =	swait.ge [sflag:s4], $0x0  }
0x19: {  	s7 =	sld [smem:$0x3F9D]  }
0x1a: {  	s8 =	sadd.s32 $0xFFFFE003, lr  }
0x1b: {  	s9 =	sadd.s32 $0xFFFFFEF7, lr;
	s5 =	simm.s32 $0xFFFFFFFF;
	p2 =	slt.u32 s8, $0xFFFFF086  }
0x1c: {  	p1 =	slt.u32 s9, $0xF7A;
	s5 =	simm.s32 @!p2 $0x0  }
0x1d: {  	s5 =	simm.s32 @p1 $0x1;
	p0 =	seq.s32 s7, s2  }
0x1e: {  	s7 =	smul.u32 @!p0 $0xF7A, s2;
	p2 =	seq.s32 @!p0 s5, $0x0  }
0x1f: {  	s9 =	smul.u32 $0xF7A, s1;
	s8 =	simm.s32 @!p0 $0x1BF5;
	p2 =	por !p2, p0  }
0x20: {  	[sflag:s8] =	ssyncset.s32 @!p0 $0xFFFFF086;
	s6 =	sadd.s32 @!p0 s3, s7;
	s7 =	simm.s32 @!p0 $0x108  }
0x21: {  	s3 =	sadd.s32 s3, s9;
	s6 =	sadd.s32 @!p0 $0x88, s6;
	s7 =	simm.s32 @p2 $0x1082  }
0x22: {  	[simem:s7], [sflag:s8] =	dma.local @!p0 [hbm:s6], $0xF7A  }
0x23: {  	s9 =	sor.u32 $0xD0000000, s2;
	s6 =	simm.s32 $0x108;
	_ =	swait.ge @!p0 [sflag:s8], $0x0  }
0x24: {  	s3 =	sadd.s32 $0x88, s3;
	s6 =	simm.s32 @!p1 $0x1082;
	[sflag:s4] =	ssyncset.s32 $0xFFFFF086  }
0x25: {  	[simem:s6], [sflag:s4] =	dma.local [hbm:s3], $0xF7A  }
0x26: {  	[smem:$0x3F9D] =	sst s1;
	(tag) =	ssettag s2;
	_ =	strace s9  }
0x27: {  	s1 =	sld [smem:$0x3FAD]  }
0x28: {  	s2 =	sld [smem:$0x3FAE]  }
0x29: {  	s4 =	sld [smem:$0x3FB0]  }
0x2a: {  	p0 =	seq.s32 s5, $0x0;
	s5 =	sld [smem:$0x3FB1]  }
0x2b: {  	s6 =	sld [smem:$0x3FB2]  }
0x2c: {  	s7 =	sld [smem:$0x3FB3]  }
0x2d: {  	s3 =	simm.s32 $0x108;
	s8 =	sld [smem:$0x3FB4]  }
0x2e: {  	s3 =	simm.s32 @!p0 $0x1082;
	s9 =	sld [smem:$0x3FB5]  }
0x2f: {  	lr =	sadd.s32 s0, s3;
	s0 =	sld [smem:$0x3FAC]  }
0x30: {  	s3 =	sld [smem:$0x3FAF]  }
0x31: {  	[smem:$0x3FB8] =	sst s10  }
0x32: {  	s10 =	sld [smem:$0x3FB6];
	_ =	sdelay $0x3  }
0x33: {  	p0 =	seq.s32 s10, $0x1;
	s10 =	sld [smem:$0x3FB8];
	_ =	sdelay $0x3  }
0x34: {  	[smem:$0x3FB8] =	sst s10  }
0x35: {  	s10 =	sld [smem:$0x3FB7];
	_ =	sdelay $0x3  }
0x36: {  	p1 =	seq.s32 s10, $0x1;
	s10 =	sld [smem:$0x3FB8];
	_ =	sdelay $0x3  }
0x37: {  	[smem:$0x3FB8] =	sst s10  }
0x38: {  	s10 =	sld [smem:$0x3FB9]  }
0x39: {  	_ = 	snop;
	(pc) =	sbr.ind lr, $3  }
0x3a: {  	_ = 	snop  }
0x3b: {  	_ = 	snop  }
0x3c: {  	p2 =	seq.s32 s10, $0x1;
	s10 =	sld [smem:$0x3FB8]  }
0x3d: {  	_ =	shalt  }
0x3e: {  	_ =	shalt  }
0x3f: {  	_ =	shalt  }
0x40: {  	_ =	shalt  }
0x41: {  	_ =	shalt  }
0x42: {  	_ =	shalt  }
0x43: {  	_ =	shalt  }
0x44: {  	_ =	shalt  }
0x45: {  	_ =	shalt  }
0x46: {  	_ =	shalt  }
0x47: {  	_ =	shalt  }
0x48: {  	_ =	shalt  }
0x49: {  	_ =	shalt  }
0x4a: {  	_ =	shalt  }
0x4b: {  	_ =	shalt  }
0x4c: {  	_ =	shalt  }
0x4d: {  	_ =	shalt  }
0x4e: {  	_ =	shalt  }
0x4f: {  	_ =	shalt  }
0x50: {  	_ =	shalt  }
0x51: {  	_ =	shalt  }
0x52: {  	_ =	shalt  }
0x53: {  	_ =	shalt  }
0x54: {  	_ =	shalt  }
0x55: {  	_ =	shalt  }
0x56: {  	_ =	shalt  }
0x57: {  	_ =	shalt  }
0x58: {  	_ =	shalt  }
0x59: {  	_ =	shalt  }
0x5a: {  	_ =	shalt  }
0x5b: {  	_ =	shalt  }
0x5c: {  	_ =	shalt  }
0x5d: {  	_ =	shalt  }
0x5e: {  	_ =	shalt  }
0x5f: {  	_ =	shalt  }
0x60: {  	_ =	shalt  }
0x61: {  	_ =	shalt  }
0x62: {  	_ =	shalt  }
0x63: {  	_ =	shalt  }
0x64: {  	_ =	shalt  }
0x65: {  	_ =	shalt  }
0x66: {  	_ =	shalt  }
0x67: {  	_ =	shalt  }
0x68: {  	_ =	shalt  }
0x69: {  	_ =	shalt  }
0x6a: {  	_ =	shalt  }
0x6b: {  	_ =	shalt  }
0x6c: {  	_ =	shalt  }
0x6d: {  	_ =	shalt  }
0x6e: {  	_ =	shalt  }
0x6f: {  	_ =	shalt  }
0x70: {  	_ =	shalt  }
0x71: {  	_ =	shalt  }
0x72: {  	_ =	shalt  }
0x73: {  	_ =	shalt  }
0x74: {  	_ =	shalt  }
0x75: {  	_ =	shalt  }
0x76: {  	_ =	shalt  }
0x77: {  	_ =	shalt  }
0x78: {  	_ =	shalt  }
0x79: {  	_ =	shalt  }
0x7a: {  	_ =	shalt  }
0x7b: {  	_ =	shalt  }
0x7c: {  	_ =	shalt  }
0x7d: {  	_ =	shalt  }
0x7e: {  	_ =	shalt  }
0x7f: {  	_ =	shalt  }
0x80: {  	_ =	shalt  }
0x81: {  	_ =	shalt  }
0x82: {  	_ =	shalt  }
0x83: {  	_ =	shalt  }
0x84: {  	_ =	shalt  }
0x85: {  	_ =	shalt  }
0x86: {  	_ =	shalt  }
0x87: {  	_ =	shalt  }
.Lfunc_end0:
.L_simem_size_0:
called_computation_lowered:
.L_overlay_start_0:
0x88: {  	s2 =	sld [smem:$0x3FD9]  }
0x89: {  	s3 =	sld [smem:$0x3FFE];
	_ =	sdelay $0x1  }
0x8a: {  	s1 =	srdreg.scid  }
0x8b: {  	s0 =	sand.u32 $0x1, s1  }
0x8c: {  	s17 =	sshll.u32 s0, $0xA;
	s2 =	sadd.s32 s3, s2  }
0x8d: {  	s2 =	sadd.s32 s2, s17  }
0x8e: {  	[smem:$0x3FC4] =	sst s2  }
0x8f: {  	_ = 	snop  }
0x90: {  	s2 =	sld [smem:$0x3FD0];
	(tm) =	ssettm $0x1  }
0x91: {  	s18 =	sld [smem:$0x3FFB];
	_ =	sdelay $0x3  }
0x92: {  	_ =	strace s18  }
0x93: {  	s3 =	sld [smem:$0x3FFC];
	_ =	sdelay $0x3  }
0x94: {  	_ =	strace s3  }
0x95: {  	s3 =	sld [smem:$0x3FFD];
	_ =	sdelay $0x3  }
0x96: {  	_ =	strace s3  }
0x97: {  	_ =	strace $0x8FFFFFFF  }
0x98: {  	s19 =	sld [smem:$0x3FDB];
	_ =	sdelay $0x1  }
0x99: {  	s4 =	simm.s32 $_scs_section_size  }
0x9a: {  	s5 =	simm.s32 $_size__tile_overlayer_lowered;
	s6 =	simm.s32 $_tile_overlayer_lowered  }
0x9b: {  	s22 =	simm.s32 $0x1BFF;
	s21 =	sshll.u32 s6, $0x1;
	s3 =	sadd.s32 s4, s19  }
0x9c: {  	s7 =	simm.s32 $0x0;
	s20 =	sshll.u32 s5, $0x1;
	s5 =	sadd.s32 s21, s3  }
0x9d: {  	[timem:s7], [sflag:s22] =	dma.local [hbm:s5], s20  }
0x9e: {  	_ =	swait.ge [sflag:s22], s20  }
0x9f: {  	s4 =	ssub.s32 $0x0, s20;
	[sflag:s22] =	ssyncset.done $0x0  }
0xa0: {  	[sflag:s22] =	ssyncadd.s32 s4;
	_ =	sdelay $0x1  }
0xa1: {  	s23 =	simm.s32 $0x1B8B  }
0xa2: {  	_ =	swait.ge [sflag:s23], $0x1  }
0xa3: {  	[sflag:s23] =	ssyncset.done $0x0  }
0xa4: {  	s25 =	simm.s32 $0x1B8E;
	s24 =	sld [smem:$0x3FFE];
	[sflag:s23] =	ssyncadd.s32 $0xFFFFFFFF  }
0xa5: {  	s26 =	simm.s32 $execute0_lowered;
	[smem:$0x3FD2] =	sst s25  }
0xa6: {  	s5 =	sshll.u32 s26, $0x1;
	_ =	strace $0x80000046;
	[dreg:$0x1] =	wrdreg $0xFFFFFFFF  }
0xa7: {  	s28 =	simm.s32 $_size_execute0_lowered;
	s3 =	sadd.s32 s3, s5;
	[dreg:$0x0] =	wrdreg $0x0  }
0xa8: {  	s5 =	sshll.u32 s28, $0x1;
	[dreg:$0x2] =	wrdreg s3  }
0xa9: {  	[dreg:$0x3] =	wrdreg s5  }
0xaa: {  	[dreg:$0x4] =	wrdreg $0xC0  }
0xab: {  	_ =	task [dreg:s7], $0x5FFFF  }
0xac: {  	[dreg:$0x1] =	wrdreg $0xFFFFFFFF  }
0xad: {  	[dreg:$0x0] =	wrdreg $0x60  }
0xae: {  	[dreg:$0x2] =	wrdreg s24  }
0xaf: {  	[dreg:$0x3] =	wrdreg s2  }
0xb0: {  	[dreg:$0x4] =	wrdreg $0x9  }
0xb1: {  	_ =	task.clear_ibuf [dreg:s7], $0x5FFFF;
	_ =	strace $0x90000046  }
0xb2: {  	s29 =	simm.s32 $0x9;
	_ =	strace $0x80000048  }
0xb3: {  	_ =	swait.ge [sflag:s29], $0x1  }
0xb4: {  	[sflag:s29] =	ssyncadd.s32 $0xFFFFFFFF  }
0xb5: {  	_ =	strace $0x90000048  }
0xb6: {  	_ =	sfence  }
0xb7: {  	s30 =	sld [smem:$0x0];
	_ =	sdelay $0x2  }
0xb8: {  	s31 =	sshll.u32 s1, $0xD;
	s1 =	sshrl.u32 s1, $0x2  }
0xb9: {  	s3 =	sand.u32 $0x4000, s31;
	s1 =	sadd.s32 s1, s30  }
0xba: {  	s0 =	sor.u32 s3, s0;
	s1 =	sshll.u32 s1, $0x11  }
0xbb: {  	s0 =	sor.u32 s1, s0  }
0xbc: {  	s0 =	sadd.s32 $0x8F2B, s0  }
0xbd: {  	[sflag:s0] =	ssyncadd.remote.s32 $0x1  }
0xbe: {  	_ =	sfence.sel $0xFFFF  }
0xbf: {  	[dreg:$0x0] =	wrdreg $0xFFFFFFFF;
	(pc) =	sbr.abs _section_cstart, $3  }
0xc0: {  	[dreg:$0x1] =	wrdreg $0xFFFFFFFF  }
0xc1: {  	_ =	task.clear_ibuf [dreg:s7], $0x2FFFF;
	_ =	strace $0x9FFFFFFF  }
0xc2: {  	(tm) =	ssettm $0x7FFFFFFF  }
0xc3: {  	_ =	shalt  }
tec
execute0_lowered:
.L_overlay_start_1:
0x0: {  	(tag) =	ssettag $0x1  }
0x1: {  	s0 =	srdreg.scid  }
0x2: {  	s1 =	rddreg [dreg:$0x0];
	s2 =	stileid.u32;
	s3 =	simm.s32 $0x0  }
0x3: {  	s14 =	simm.s32 $0x5000;
	s15 =	simm.s32 $0xC000;
	s18 =	simm.s32 $0x1  }
0x4: {  	s19 =	simm.s32 $0x2800;
	s20 =	simm.s32 $0x15500;
	s21 =	simm.s32 $0x3  }
0x5: {  	s22 =	simm.s32 $0x4;
	s23 =	simm.s32 $0x2;
	s0 =	sand.u32 $0x1, s0  }
0x6: {  	s24 =	simm.s32 $0x15D00;
	s2 =	sshll.u32 s2, $0x8;
	s4 =	sshll.u32 s0, $0x7  }
0x7: {  	s28 =	simm.s32 $0x0;
	s0 =	ssub.s32 $0x2, s0;
	s2 =	sor.u32 s4, s2  }
0x8: {  	v16 =	vlaneseq.u32;
	[smem:$0x7FF] =	sst s3;
	s25 =	sshrl.u32 s0, $0x1;
	s4 =	sshrl.u32 s2, $0x3  }
0x9: {  	v0 =	vimm.f32 $0.0e+00;
	s5 =	sadd.s32 $0x800, s1;
	v1 =	vor.u32 $0x410, v16;
	s0 =	ssub.s32 s0, s25;
	s8 =	smul.u32 $0x1D00, s4  }
0xa: {  	s6 =	sadd.s32 $0xA0800, s1;
	v2 =	vor.u32 $0x490, v16;
	v3 =	vor.u32 $0x510, v16;
	v4 =	vor.u32 $0x590, v16;
	s26 =	smul.u32 $0x500, s4;
	s0 =	smax.u32 s0, $0x1  }
0xb: {  	v5 =	vor.u32 $0x610, v16;
	v6 =	vor.u32 $0x690, v16;
	v7 =	vor.u32 $0x710, v16;
	_ =	strace $0x80000047;
	[dreg:$0x6] =	wrdreg s0;
	s9 =	sadd.s32 s6, s8  }
0xc: {  	s7 =	sadd.s32 $0x440800, s1;
	v8 =	vor.u32 $0x790, v16;
	v9 =	vor.u32 $0x7430, v16;
	v10 =	vor.u32 $0x74B0, v16;
	s31 =	sadd.s32 s5, s26;
	[dreg:$0x3] =	wrdreg s9  }
0xd: {  	v11 =	vor.u32 $0x7530, v16;
	v12 =	vor.u32 $0x75B0, v16;
	v13 =	vor.u32 $0x7630, v16;
	s30 =	sshll.u32 s2, $0x5;
	s29 =	sadd.s32 $0xE00, s9;
	[dreg:$0x5] =	wrdreg s31  }
0xe: {  	v14 =	vor.u32 $0x76B0, v16;
	v15 =	vor.u32 $0x7730, v16;
	v16 =	vor.u32 $0x77B0, v16;
	s11 =	sadd.s32 s7, s30;
	s13 =	sor.u32 $0x1, s4;
	[dreg:$0x4] =	wrdreg s29  }
.LBB2_1:
0xf: {  	s0 =	rddreg [dreg:$0x3]  }
0x10: {  	[tilespmem:s14], [sflag:$0x3] =	stream.linear.gather [hbm4b:s0+s3], $0x7000, $0x38;
	[tilespmem:$0x16500] =	vst v63  }
0x11: {  	s25 =	rddreg [dreg:$0x4]  }
0x12: {  	[tilespmem:s15], [sflag:$0x4] =	stream.linear.gather [hbm4b:s25+s3], $0x7800, $0x38;
	[tilespmem:$0x16500] =	vst v63  }
0x13: {  	s26 =	rddreg [dreg:$0x5]  }
0x14: {  	[tilespmem:s3], [sflag:$0x1] =	stream.linear.gather [hbm4b:s26+s3], $0x2800, $0x38;
	[tilespmem:$0x16500] =	vst v63  }
0x15: {  	s30 =	rddreg [dreg:$0x1];
	s1 =	simm.s32 $0x13800;
	s31 =	simm.s32 $0x7  }
0x16: {  	[tilespmem:s1], [sflag:$0x7] =	stream.linear.gather [hbm4b:s30+s3], $0x1D00, $0x38;
	[tilespmem:$0x16500] =	vst v63  }
0x17: {  	_ =	swait.ge [sflag:s31], $0x1D00  }
0x18: {  	[sflag:s31] =	ssyncset.done $0x0  }
0x19: {  	s29 =	simm.s32 $0x0;
	[sflag:s31] =	ssyncadd.s32 $0xFFFFE300  }
.LBB2_2:
0x1a: {  	p0 =	seq.s32 s29, $0x0  }
0x1b: {  	s0 =	simm.s32 @!p0 $0x5  }
0x1c: {  	_ =	swait.ge @!p0 [sflag:s0], $0x800  }
0x1d: {  	s31 =	sshll.u32 s29, $0x1;
	[sflag:s0] =	ssyncset.done @!p0 $0x0  }
0x1e: {  	s30 =	sor.u32 s13, s31;
	[sflag:s0] =	ssyncadd.s32 @!p0 $0xFFFFF800  }
0x1f: {  	s2 =	smul.u32 $0x500, s30;
	_ =	swait.ge [sflag:s18], $0x2800  }
0x20: {  	[sflag:s18] =	ssyncset.done $0x0  }
0x21: {  	s1 =	simm.s32 $0x0;
	s0 =	sadd.s32 s5, s2;
	[sflag:s18] =	ssyncadd.s32 $0xFFFFD800  }
0x22: {  	[tilespmem:s19], [sflag:$0x2] =	stream.linear.gather [hbm4b:s0+s1], $0x2800, $0x38;
	[tilespmem:$0x16500] =	vst v63  }
0x23: {  	[tilespmem:$0x15500] =	vst v0  }
0x24: {  	[tilespmem:$0x15510] =	vst v0  }
0x25: {  	[tilespmem:$0x15520] =	vst v0  }
0x26: {  	[tilespmem:$0x15530] =	vst v0  }
0x27: {  	[tilespmem:$0x15540] =	vst v0  }
0x28: {  	[tilespmem:$0x15550] =	vst v0  }
0x29: {  	[tilespmem:$0x15560] =	vst v0  }
0x2a: {  	[tilespmem:$0x15570] =	vst v0  }
0x2b: {  	[tilespmem:$0x15900] =	vst v0  }
0x2c: {  	[tilespmem:v1+s20+$0x0] =	vst.idx.msk $0x3f, v0  }
0x2d: {  	[tilespmem:$0x15580] =	vst v0  }
0x2e: {  	[tilespmem:$0x15590] =	vst v0  }
0x2f: {  	[tilespmem:$0x155A0] =	vst v0  }
0x30: {  	[tilespmem:$0x155B0] =	vst v0  }
0x31: {  	[tilespmem:$0x155C0] =	vst v0  }
0x32: {  	[tilespmem:$0x155D0] =	vst v0  }
0x33: {  	[tilespmem:$0x155E0] =	vst v0  }
0x34: {  	[tilespmem:$0x155F0] =	vst v0  }
0x35: {  	[tilespmem:$0x15980] =	vst v0  }
0x36: {  	[tilespmem:v2+s20+$0x0] =	vst.idx.msk $0x3f, v0  }
0x37: {  	[tilespmem:$0x15600] =	vst v0  }
0x38: {  	[tilespmem:$0x15610] =	vst v0  }
0x39: {  	[tilespmem:$0x15620] =	vst v0  }
0x3a: {  	[tilespmem:$0x15630] =	vst v0  }
0x3b: {  	[tilespmem:$0x15640] =	vst v0  }
0x3c: {  	[tilespmem:$0x15650] =	vst v0  }
0x3d: {  	[tilespmem:$0x15660] =	vst v0  }
0x3e: {  	[tilespmem:$0x15670] =	vst v0  }
0x3f: {  	[tilespmem:$0x15A00] =	vst v0  }
0x40: {  	[tilespmem:v3+s20+$0x0] =	vst.idx.msk $0x3f, v0  }
0x41: {  	[tilespmem:$0x15680] =	vst v0  }
0x42: {  	[tilespmem:$0x15690] =	vst v0  }
0x43: {  	[tilespmem:$0x156A0] =	vst v0  }
0x44: {  	[tilespmem:$0x156B0] =	vst v0  }
0x45: {  	[tilespmem:$0x156C0] =	vst v0  }
0x46: {  	[tilespmem:$0x156D0] =	vst v0  }
0x47: {  	[tilespmem:$0x156E0] =	vst v0  }
0x48: {  	[tilespmem:$0x156F0] =	vst v0  }
0x49: {  	[tilespmem:$0x15A80] =	vst v0  }
0x4a: {  	[tilespmem:v4+s20+$0x0] =	vst.idx.msk $0x3f, v0  }
0x4b: {  	[tilespmem:$0x15700] =	vst v0  }
0x4c: {  	[tilespmem:$0x15710] =	vst v0  }
0x4d: {  	[tilespmem:$0x15720] =	vst v0  }
0x4e: {  	[tilespmem:$0x15730] =	vst v0  }
0x4f: {  	[tilespmem:$0x15740] =	vst v0  }
0x50: {  	[tilespmem:$0x15750] =	vst v0  }
0x51: {  	[tilespmem:$0x15760] =	vst v0  }
0x52: {  	[tilespmem:$0x15770] =	vst v0  }
0x53: {  	[tilespmem:$0x15B00] =	vst v0  }
0x54: {  	[tilespmem:v5+s20+$0x0] =	vst.idx.msk $0x3f, v0  }
0x55: {  	[tilespmem:$0x15780] =	vst v0  }
0x56: {  	[tilespmem:$0x15790] =	vst v0  }
0x57: {  	[tilespmem:$0x157A0] =	vst v0  }
0x58: {  	[tilespmem:$0x157B0] =	vst v0  }
0x59: {  	[tilespmem:$0x157C0] =	vst v0  }
0x5a: {  	[tilespmem:$0x157D0] =	vst v0  }
0x5b: {  	[tilespmem:$0x157E0] =	vst v0  }
0x5c: {  	[tilespmem:$0x157F0] =	vst v0  }
0x5d: {  	[tilespmem:$0x15B80] =	vst v0  }
0x5e: {  	[tilespmem:v6+s20+$0x0] =	vst.idx.msk $0x3f, v0  }
0x5f: {  	[tilespmem:$0x15800] =	vst v0  }
0x60: {  	[tilespmem:$0x15810] =	vst v0  }
0x61: {  	[tilespmem:$0x15820] =	vst v0  }
0x62: {  	[tilespmem:$0x15830] =	vst v0  }
0x63: {  	[tilespmem:$0x15840] =	vst v0  }
0x64: {  	[tilespmem:$0x15850] =	vst v0  }
0x65: {  	[tilespmem:$0x15860] =	vst v0  }
0x66: {  	[tilespmem:$0x15870] =	vst v0  }
0x67: {  	[tilespmem:$0x15C00] =	vst v0  }
0x68: {  	[tilespmem:v7+s20+$0x0] =	vst.idx.msk $0x3f, v0  }
0x69: {  	[tilespmem:$0x15880] =	vst v0  }
0x6a: {  	[tilespmem:$0x15890] =	vst v0  }
0x6b: {  	[tilespmem:$0x158A0] =	vst v0  }
0x6c: {  	[tilespmem:$0x158B0] =	vst v0  }
0x6d: {  	[tilespmem:$0x158C0] =	vst v0  }
0x6e: {  	[tilespmem:$0x158D0] =	vst v0  }
0x6f: {  	[tilespmem:$0x158E0] =	vst v0  }
0x70: {  	[tilespmem:$0x158F0] =	vst v0  }
0x71: {  	[tilespmem:$0x15C80] =	vst v0  }
0x72: {  	[tilespmem:v8+s20+$0x0] =	vst.idx.msk $0x3f, v0  }
0x73: {  	_ =	swait.ge [sflag:s21], $0x7000  }
0x74: {  	[sflag:s21] =	ssyncset.done $0x0  }
0x75: {  	s8 =	simm.s32 $0x13800;
	[sflag:s21] =	ssyncadd.s32 $0xFFFF9000  }
0x76: {  	v17 =	vld [tilespmem:s8+$0x0];
	_ =	sdelay $0x4  }
0x77: {  	v18 =	vshrl.u32 v17, $0x8;
	v19 =	vshrl.u32 v17, $0x5  }
0x78: {  	v18 =	vand.u32 $0x7F, v18;
	v19 =	vand.u32 $0x7FFFC00, v19  }
0x79: {  	v22 =	vor.u32 v18, v19;
	_ =	sdelay $0x1  }
0x7a: {  	s9 =	sand.u32 $0x70, s1;
	s2 =	sand.u32 $0x7C00, s1  }
0x7b: {  	s8 =	sor.u32 s9, s2  }
0x7c: {  	v19 =	vld [tilespmem:s8+$0x5000]  }
0x7d: {  	v20 =	vshll.u32 v17, $0x3;
	v18 =	vld.idx.msk [tilespmem:v22+s3+$0x0], $0xffff  }
0x7e: {  	v17 =	vand.u32 $0x7F, v17;
	v20 =	vand.u32 $0x400, v20  }
0x7f: {  	v17 =	vor.u32 v17, v20  }
0x80: {  	v20 =	vor.u32 $0x80, v22;
	_ =	sdelay $0x1  }
0x81: {  	v18 =	vmul.f32 v19, v18;
	_ =	sdelay $0x1  }
0x82: {  	[tilespmem:v17+s20+$0x0] =	vst.idx.add.f32.msk $0xffff, v18  }
0x83: {  	v18 =	vld.idx.msk [tilespmem:v20+s3+$0x0], $0xffff  }
0x84: {  	v19 =	vld [tilespmem:s8+$0x5080];
	_ =	sdelay $0x1  }
0x85: {  	s10 =	simm.s32 $0x13810;
	v21 =	vor.u32 $0x80, v17  }
0x86: {  	v20 =	vld [tilespmem:s10+$0x0]  }
0x87: {  	v23 =	vor.u32 $0x100, v22  }
0x88: {  	v18 =	vmul.f32 v19, v18;
	_ =	sdelay $0x1  }
0x89: {  	[tilespmem:v21+s20+$0x0] =	vst.idx.add.f32.msk $0xffff, v18  }
0x8a: {  	v19 =	vshrl.u32 v20, $0x8;
	v18 =	vshrl.u32 v20, $0x5;
	v21 =	vld [tilespmem:s8+$0x5100]  }
0x8b: {  	v19 =	vand.u32 $0x7F, v19;
	v18 =	vand.u32 $0x7FFFC00, v18;
	v23 =	vld.idx.msk [tilespmem:v23+s3+$0x0], $0xffff  }
0x8c: {  	v19 =	vor.u32 v19, v18  }
0x8d: {  	s12 =	simm.s32 $0x10;
	s0 =	simm.s32 $0x80;
	v18 =	vor.u32 $0x100, v17  }
0x8e: {  	s2 =	sand.u32 $0x70, s12;
	s9 =	sand.u32 $0x7C00, s0;
	v24 =	vor.u32 $0x180, v22  }
0x8f: {  	s2 =	sor.u32 s2, s9  }
0x90: {  	v21 =	vmul.f32 v21, v23;
	v23 =	vld [tilespmem:s2+$0x5000]  }
0x91: {  	v26 =	vshll.u32 v20, $0x3;
	v25 =	vld.idx.msk [tilespmem:v19+s3+$0x0], $0xffff  }
0x92: {  	v26 =	vand.u32 $0x400, v26;
	v20 =	vand.u32 $0x7F, v20;
	[tilespmem:v18+s20+$0x0] =	vst.idx.add.f32.msk $0xffff, v21  }
0x93: {  	v18 =	vor.u32 v20, v26;
	v20 =	vld.idx.msk [tilespmem:v24+s3+$0x0], $0xffff  }
0x94: {  	v21 =	vor.u32 $0x80, v19;
	v24 =	vld [tilespmem:s8+$0x5180];
	_ =	sdelay $0x1  }
0x95: {  	s16 =	simm.s32 $0x13820;
	v23 =	vmul.f32 v23, v25;
	v25 =	vor.u32 $0x180, v17  }
0x96: {  	v27 =	vor.u32 $0x200, v22;
	v26 =	vld [tilespmem:s16+$0x0]  }
0x97: {  	[tilespmem:v18+s20+$0x0] =	vst.idx.add.f32.msk $0xffff, v23  }
0x98: {  	v20 =	vmul.f32 v24, v20;
	v21 =	vld.idx.msk [tilespmem:v21+s3+$0x0], $0xffff  }
0x99: {  	v23 =	vld [tilespmem:s2+$0x5080]  }
0x9a: {  	[tilespmem:v25+s20+$0x0] =	vst.idx.add.f32.msk $0xffff, v20  }
0x9b: {  	v20 =	vor.u32 $0x80, v18;
	v24 =	vld.idx.msk [tilespmem:v27+s3+$0x0], $0xffff  }
0x9c: {  	v25 =	vld [tilespmem:s8+$0x5200]  }
0x9d: {  	v27 =	vor.u32 $0x100, v19  }
0x9e: {  	v21 =	vmul.f32 v23, v21;
	v23 =	vor.u32 $0x200, v17;
	_ =	sdelay $0x1  }
0x9f: {  	[tilespmem:v20+s20+$0x0] =	vst.idx.add.f32.msk $0xffff, v21;
	v21 =	vor.u32 $0x280, v22  }
0xa0: {  	v28 =	vshrl.u32 v26, $0x8;
	v20 =	vshrl.u32 v26, $0x5;
	v29 =	vld [tilespmem:s2+$0x5100];
	v24 =	vmul.f32 v25, v24  }
0xa1: {  	v25 =	vand.u32 $0x7F, v28;
	v20 =	vand.u32 $0x7FFFC00, v20;
	v27 =	vld.idx.msk [tilespmem:v27+s3+$0x0], $0xffff  }
0xa2: {  	v20 =	vor.u32 v25, v20;
	[tilespmem:v23+s20+$0x0] =	vst.idx.add.f32.msk $0xffff, v24  }
0xa3: {  	s17 =	simm.s32 $0x20;
	s10 =	simm.s32 $0x100;
	v25 =	vor.u32 $0x100, v18;
	v24 =	vld [tilespmem:s8+$0x5280]  }
0xa4: {  	s12 =	simm.s32 $0x13830;
	s9 =	sand.u32 $0x70, s17;
	v30 =	vor.u32 $0x180, v19;
	s16 =	sand.u32 $0x7C00, s10;
	v28 =	vld.idx.msk [tilespmem:v21+s3+$0x0], $0xffff  }
0xa5: {  	s16 =	sor.u32 s9, s16;
	v23 =	vld [tilespmem:s12+$0x0]  }
0xa6: {  	v21 =	vmul.f32 v29, v27;
	v27 =	vor.u32 $0x280, v17;
	v29 =	vld [tilespmem:s16+$0x5000]  }
0xa7: {  	v33 =	vor.u32 $0x300, v22;
	v32 =	vshll.u32 v26, $0x3;
	v31 =	vld.idx.msk [tilespmem:v20+s3+$0x0], $0xffff  }
0xa8: {  	v32 =	vand.u32 $0x400, v32;
	v26 =	vand.u32 $0x7F, v26;
	[tilespmem:v25+s20+$0x0] =	vst.idx.add.f32.msk $0xffff, v21  }
0xa9: {  	v21 =	vor.u32 v26, v32;
	v25 =	vld.idx.msk [tilespmem:v30+s3+$0x0], $0xffff;
	v24 =	vmul.f32 v24, v28  }
0xaa: {  	v26 =	vor.u32 $0x80, v20;
	v28 =	vld [tilespmem:s2+$0x5180]  }
0xab: {  	[tilespmem:v27+s20+$0x0] =	vst.idx.add.f32.msk $0xffff, v24  }
0xac: {  	v24 =	vmul.f32 v29, v31;
	v27 =	vor.u32 $0x180, v18;
	v29 =	vld.idx.msk [tilespmem:v33+s3+$0x0], $0xffff  }
0xad: {  	v30 =	vor.u32 $0x200, v19;
	v31 =	vld [tilespmem:s8+$0x5300]  }
0xae: {  	[tilespmem:v21+s20+$0x0] =	vst.idx.add.f32.msk $0xffff, v24  }
0xaf: {  	v62 =	vor.u32 $0x300, v17;
	v26 =	vld.idx.msk [tilespmem:v26+s3+$0x0], $0xffff;
	v24 =	vmul.f32 v28, v25  }
0xb0: {  	v22 =	vor.u32 $0x380, v22;
	v63 =	vld [tilespmem:s16+$0x5080]  }
0xb1: {  	[tilespmem:v27+s20+$0x0] =	vst.idx.add.f32.msk $0xffff, v24  }
0xb2: {  	s25 =	sand.u32 $0x7, s1;
	v28 =	vor.u32 $0x80, v21;
	v24 =	vld.idx.msk [tilespmem:v30+s3+$0x0], $0xffff;
	v27 =	vmul.f32 v31, v29  }
0xb3: {  	s26 =	sshll.u32 s25, $0x4;
	v25 =	vld [tilespmem:s2+$0x5200]  }
0xb4: {  	s17 =	simm.s32 $0x40;
	s9 =	sadd.s32 $0x0, s26;
	[tilespmem:v62+s20+$0x0] =	vst.idx.add.f32.msk $0xffff, v27;
	v27 =	vor.u32 $0x100, v20  }
0xb5: {  	s25 =	sor.u32 $0x380, s9;
	s9 =	simm.s32 $0x100;
	s8 =	simm.s32 $0x30;
	v29 =	vmul.f32 v63, v26;
	v26 =	vor.u32 $0x200, v18;
	v22 =	vld.idx.msk [tilespmem:v22+s3+$0x0], $0xffff  }
.LBB2_3:
0xb6: {  	p1 =	sne.s32 s17, $0xDF0;
	v30 =	vld [tilespmem:s25+$0x5000]  }
0xb7: {  	v31 =	vshrl.u32 v23, $0x8;
	[tilespmem:v28+s20+$0x0] =	vst.idx.add.f32.msk $0xffff, v29;
	v28 =	vor.u32 $0x280, v19  }
0xb8: {  	v29 =	vshrl.u32 v23, $0x5;
	v32 =	vld [tilespmem:s16+$0x5100];
	v24 =	vmul.f32 v25, v24;
	v25 =	vor.u32 $0x380, v17;
	v17 =	vmovc v18;
	v18 =	vmovc v21  }
0xb9: {  	v21 =	vand.u32 $0x7F, v31;
	v29 =	vand.u32 $0x7FFFC00, v29;
	v27 =	vld.idx.msk [tilespmem:v27+s3+$0x0], $0xffff  }
0xba: {  	v29 =	vor.u32 v21, v29;
	[tilespmem:v26+s20+$0x0] =	vst.idx.add.f32.msk $0xffff, v24  }
0xbb: {  	v24 =	vld [tilespmem:s2+$0x5280];
	v21 =	vmul.f32 v30, v22  }
0xbc: {  	v22 =	vor.u32 $0x100, v18;
	v26 =	vld.idx.msk [tilespmem:v28+s3+$0x0], $0xffff  }
0xbd: {  	s12 =	sadd.s32 $0x10, s12;
	s10 =	sadd.s32 $0x80, s10;
	v28 =	vor.u32 $0x180, v20;
	[tilespmem:v25+s20+$0x0] =	vst.idx.add.f32.msk $0xffff, v21  }
0xbe: {  	s25 =	sand.u32 $0x70, s8;
	s8 =	smov.u32 s17;
	s26 =	sand.u32 $0x7C00, s10;
	v25 =	vld [tilespmem:s12+$0x0]  }
0xbf: {  	s25 =	sor.u32 s25, s26;
	v21 =	vmul.f32 v32, v27;
	v27 =	vor.u32 $0x280, v17;
	v30 =	vld.idx.msk [tilespmem:v29+s3+$0x0], $0xffff  }
0xc0: {  	v33 =	vor.u32 $0x300, v19;
	v32 =	vshll.u32 v23, $0x3;
	v31 =	vld [tilespmem:s25+$0x5000]  }
0xc1: {  	v34 =	vand.u32 $0x7F, v23;
	v32 =	vand.u32 $0x400, v32;
	[tilespmem:v22+s20+$0x0] =	vst.idx.add.f32.msk $0xffff, v21  }
0xc2: {  	v21 =	vor.u32 v34, v32;
	v24 =	vmul.f32 v24, v26;
	v22 =	vld.idx.msk [tilespmem:v28+s3+$0x0], $0xffff  }
0xc3: {  	v26 =	vor.u32 $0x80, v29;
	v28 =	vld [tilespmem:s16+$0x5180];
	v23 =	vmov v25  }
0xc4: {  	[tilespmem:v27+s20+$0x0] =	vst.idx.add.f32.msk $0xffff, v24  }
0xc5: {  	v25 =	vor.u32 $0x180, v18;
	v24 =	vmul.f32 v31, v30;
	v27 =	vld.idx.msk [tilespmem:v33+s3+$0x0], $0xffff  }
0xc6: {  	v30 =	vor.u32 $0x200, v20;
	v31 =	vld [tilespmem:s2+$0x5300];
	s2 =	smov.u32 s16;
	s16 =	smov.u32 s25  }
0xc7: {  	[tilespmem:v21+s20+$0x0] =	vst.idx.add.f32.msk $0xffff, v24  }
0xc8: {  	v32 =	vor.u32 $0x300, v17;
	v26 =	vld.idx.msk [tilespmem:v26+s3+$0x0], $0xffff;
	v22 =	vmul.f32 v28, v22  }
0xc9: {  	v34 =	vor.u32 $0x380, v19;
	v19 =	vmov v20;
	v20 =	vmov v29;
	v33 =	vld [tilespmem:s16+$0x5080]  }
.Ltmp0:
0xca: {  	s1 =	sadd.s32 $0x1, s1;
	[tilespmem:v25+s20+$0x0] =	vst.idx.add.f32.msk $0xffff, v22;
	(pc) =	sbr.rel @p1 .LBB2_3-.Ltmp0, $4  }
0xcb: {  	s25 =	sand.u32 $0x7, s1;
	v28 =	vor.u32 $0x80, v21;
	v24 =	vld.idx.msk [tilespmem:v30+s3+$0x0], $0xffff;
	v22 =	vmul.f32 v31, v27  }
0xcc: {  	s25 =	sshll.u32 s25, $0x4;
	v25 =	vld [tilespmem:s2+$0x5200]  }
0xcd: {  	s25 =	sadd.s32 s25, s0;
	s0 =	smov.u32 s9;
	s9 =	smov.u32 s10;
	v27 =	vor.u32 $0x100, v20;
	[tilespmem:v32+s20+$0x0] =	vst.idx.add.f32.msk $0xffff, v22  }
0xce: {  	s17 =	sadd.s32 $0x10, s17;
	s25 =	sor.u32 $0x380, s25;
	v29 =	vmul.f32 v33, v26;
	v26 =	vor.u32 $0x200, v18;
	v22 =	vld.idx.msk [tilespmem:v34+s3+$0x0], $0xffff  }
0xcf: {  	v30 =	vshrl.u32 v23, $0x8;
	v31 =	vshrl.u32 v23, $0x5  }
0xd0: {  	v30 =	vand.u32 $0x7F, v30;
	v31 =	vand.u32 $0x7FFFC00, v31  }
0xd1: {  	v30 =	vor.u32 v30, v31  }
0xd2: {  	s10 =	sadd.s32 $0x80, s10  }
0xd3: {  	s8 =	sand.u32 $0x70, s8;
	s12 =	sand.u32 $0x7C00, s10  }
0xd4: {  	s8 =	sor.u32 s8, s12  }
0xd5: {  	v32 =	vld [tilespmem:s8+$0x5000]  }
0xd6: {  	v33 =	vshll.u32 v23, $0x3;
	v31 =	vld.idx.msk [tilespmem:v30+s3+$0x0], $0xffff  }
0xd7: {  	v23 =	vand.u32 $0x7F, v23;
	v33 =	vand.u32 $0x400, v33  }
0xd8: {  	v23 =	vor.u32 v23, v33  }
0xd9: {  	v50 =	vor.u32 $0x80, v30;
	_ =	sdelay $0x1  }
0xda: {  	v31 =	vmul.f32 v32, v31;
	_ =	sdelay $0x1  }
0xdb: {  	[tilespmem:v23+s20+$0x0] =	vst.idx.add.f32.msk $0xffff, v31  }
0xdc: {  	v31 =	vld.idx.msk [tilespmem:v50+s3+$0x0], $0xffff  }
0xdd: {  	v51 =	vld [tilespmem:s8+$0x5080];
	_ =	sdelay $0x1  }
0xde: {  	v52 =	vor.u32 $0x80, v23  }
0xdf: {  	[tilespmem:v28+s20+$0x0] =	vst.idx.add.f32.msk $0xffff, v29  }
0xe0: {  	v28 =	vld [tilespmem:s16+$0x5100];
	v29 =	vor.u32 $0x100, v30  }
0xe1: {  	v27 =	vld.idx.msk [tilespmem:v27+s3+$0x0], $0xffff;
	v31 =	vmul.f32 v51, v31;
	_ =	sdelay $0x1  }
0xe2: {  	v53 =	vor.u32 $0x100, v21;
	[tilespmem:v52+s20+$0x0] =	vst.idx.add.f32.msk $0xffff, v31  }
0xe3: {  	v33 =	vld [tilespmem:s8+$0x5100]  }
0xe4: {  	v31 =	vor.u32 $0x180, v20;
	v29 =	vld.idx.msk [tilespmem:v29+s3+$0x0], $0xffff  }
0xe5: {  	v27 =	vmul.f32 v28, v27  }
0xe6: {  	v28 =	vor.u32 $0x100, v23  }
0xe7: {  	[tilespmem:v53+s20+$0x0] =	vst.idx.add.f32.msk $0xffff, v27;
	v27 =	vor.u32 $0x180, v30  }
0xe8: {  	v32 =	vld [tilespmem:s16+$0x5180]  }
0xe9: {  	v31 =	vld.idx.msk [tilespmem:v31+s3+$0x0], $0xffff;
	v29 =	vmul.f32 v33, v29;
	_ =	sdelay $0x1  }
0xea: {  	v54 =	vor.u32 $0x180, v21;
	[tilespmem:v28+s20+$0x0] =	vst.idx.add.f32.msk $0xffff, v29  }
0xeb: {  	v24 =	vmul.f32 v25, v24;
	v25 =	vor.u32 $0x200, v20;
	v27 =	vld.idx.msk [tilespmem:v27+s3+$0x0], $0xffff  }
0xec: {  	v28 =	vld [tilespmem:s8+$0x5180]  }
0xed: {  	[tilespmem:v26+s20+$0x0] =	vst.idx.add.f32.msk $0xffff, v24;
	v29 =	vor.u32 $0x280, v19;
	v24 =	vmul.f32 v32, v31  }
0xee: {  	v26 =	vld [tilespmem:s2+$0x5280];
	v31 =	vor.u32 $0x180, v23  }
0xef: {  	[tilespmem:v54+s20+$0x0] =	vst.idx.add.f32.msk $0xffff, v24;
	v24 =	vor.u32 $0x200, v30  }
0xf0: {  	v25 =	vld.idx.msk [tilespmem:v25+s3+$0x0], $0xffff  }
0xf1: {  	v55 =	vld [tilespmem:s16+$0x5200];
	v27 =	vmul.f32 v28, v27  }
0xf2: {  	v28 =	vld.idx.msk [tilespmem:v29+s3+$0x0], $0xffff  }
0xf3: {  	v29 =	vor.u32 $0x200, v21;
	[tilespmem:v31+s20+$0x0] =	vst.idx.add.f32.msk $0xffff, v27  }
0xf4: {  	v24 =	vld.idx.msk [tilespmem:v24+s3+$0x0], $0xffff  }
0xf5: {  	v27 =	vor.u32 $0x280, v20;
	v31 =	vld [tilespmem:s8+$0x5200]  }
0xf6: {  	v56 =	vor.u32 $0x280, v18;
	v25 =	vmul.f32 v55, v25  }
0xf7: {  	v57 =	vor.u32 $0x200, v23  }
0xf8: {  	[tilespmem:v29+s20+$0x0] =	vst.idx.add.f32.msk $0xffff, v25  }
0xf9: {  	v25 =	vmul.f32 v26, v28;
	v28 =	vor.u32 $0x280, v30;
	v26 =	vld [tilespmem:s16+$0x5280]  }
0xfa: {  	v29 =	vor.u32 $0x300, v19;
	v27 =	vld.idx.msk [tilespmem:v27+s3+$0x0], $0xffff;
	v24 =	vmul.f32 v31, v24  }
0xfb: {  	[tilespmem:v56+s20+$0x0] =	vst.idx.add.f32.msk $0xffff, v25  }
0xfc: {  	v25 =	vor.u32 $0x280, v21;
	[tilespmem:v57+s20+$0x0] =	vst.idx.add.f32.msk $0xffff, v24  }
0xfd: {  	v24 =	vld [tilespmem:s8+$0x5280]  }
0xfe: {  	v31 =	vor.u32 $0x300, v20;
	v28 =	vld.idx.msk [tilespmem:v28+s3+$0x0], $0xffff  }
0xff: {  	v29 =	vld.idx.msk [tilespmem:v29+s3+$0x0], $0xffff;
	v26 =	vmul.f32 v26, v27  }
0x100: {  	v58 =	vor.u32 $0x280, v23;
	v27 =	vld [tilespmem:s2+$0x5300]  }
0x101: {  	[tilespmem:v25+s20+$0x0] =	vst.idx.add.f32.msk $0xffff, v26;
	v25 =	vor.u32 $0x300, v30  }
0x102: {  	v26 =	vld [tilespmem:s25+$0x5000]  }
0x103: {  	v59 =	vor.u32 $0x300, v18;
	v31 =	vld.idx.msk [tilespmem:v31+s3+$0x0], $0xffff;
	v24 =	vmul.f32 v24, v28  }
0x104: {  	v19 =	vor.u32 $0x380, v19;
	v28 =	vld [tilespmem:s16+$0x5300]  }
0x105: {  	s1 =	sadd.s32 $0x1, s1;
	[tilespmem:v58+s20+$0x0] =	vst.idx.add.f32.msk $0xffff, v24  }
0x106: {  	s16 =	sand.u32 $0x7, s1;
	v24 =	vmul.f32 v27, v29;
	v27 =	vor.u32 $0x300, v21;
	v25 =	vld.idx.msk [tilespmem:v25+s3+$0x0], $0xffff  }
0x107: {  	v20 =	vor.u32 $0x380, v20;
	s2 =	sshll.u32 s16, $0x4;
	v29 =	vld [tilespmem:s8+$0x5300]  }
0x108: {  	s1 =	sadd.s32 $0x1, s1;
	s0 =	sadd.s32 s2, s0;
	[tilespmem:v59+s20+$0x0] =	vst.idx.add.f32.msk $0xffff, v24  }
0x109: {  	s17 =	sand.u32 $0x7, s1;
	s0 =	sor.u32 $0x380, s0;
	v19 =	vld.idx.msk [tilespmem:v19+s3+$0x0], $0xffff;
	v24 =	vmul.f32 v28, v31;
	v28 =	vor.u32 $0x300, v23  }
0x10a: {  	v30 =	vor.u32 $0x380, v30;
	s25 =	sshll.u32 s17, $0x4;
	v31 =	vld [tilespmem:s0+$0x5000]  }
0x10b: {  	s1 =	sadd.s32 $0x1, s1;
	s0 =	sadd.s32 s25, s9;
	[tilespmem:v27+s20+$0x0] =	vst.idx.add.f32.msk $0xffff, v24  }
0x10c: {  	s1 =	sand.u32 $0x7, s1;
	s0 =	sor.u32 $0x380, s0;
	v20 =	vld.idx.msk [tilespmem:v20+s3+$0x0], $0xffff;
	v24 =	vmul.f32 v29, v25  }
0x10d: {  	s26 =	sshll.u32 s1, $0x4;
	v25 =	vld [tilespmem:s0+$0x5000]  }
0x10e: {  	s0 =	sadd.s32 s26, s10;
	[tilespmem:v28+s20+$0x0] =	vst.idx.add.f32.msk $0xffff, v24  }
0x10f: {  	v17 =	vor.u32 $0x380, v17;
	s0 =	sor.u32 $0x380, s0;
	v24 =	vld.idx.msk [tilespmem:v30+s3+$0x0], $0xffff  }
0x110: {  	v18 =	vor.u32 $0x380, v18;
	v27 =	vld [tilespmem:s0+$0x5000]  }
0x111: {  	v21 =	vor.u32 $0x380, v21  }
0x112: {  	v22 =	vmul.f32 v26, v22;
	v23 =	vor.u32 $0x380, v23  }
0x113: {  	v19 =	vmul.f32 v31, v19  }
0x114: {  	[tilespmem:v17+s20+$0x0] =	vst.idx.add.f32.msk $0xffff, v22;
	v17 =	vmul.f32 v25, v20  }
0x115: {  	s1 =	smul.u32 $0x1D00, s30;
	[tilespmem:v18+s20+$0x0] =	vst.idx.add.f32.msk $0xffff, v19;
	v18 =	vmul.f32 v27, v24  }
0x116: {  	[tilespmem:v21+s20+$0x0] =	vst.idx.add.f32.msk $0xffff, v17  }
0x117: {  	s0 =	sadd.s32 s6, s1;
	[tilespmem:v23+s20+$0x0] =	vst.idx.add.f32.msk $0xffff, v18  }
0x118: {  	[tilespmem:s14], [sflag:$0x3] =	stream.linear.gather [hbm4b:s0+s3], $0x7000, $0x38;
	[tilespmem:$0x16500] =	vst v63  }
0x119: {  	_ =	swait.ge [sflag:s22], $0x7800  }
0x11a: {  	[sflag:s22] =	ssyncset.done $0x0  }
0x11b: {  	s2 =	simm.s32 $0x14600;
	[sflag:s22] =	ssyncadd.s32 $0xFFFF8800  }
0x11c: {  	v17 =	vld [tilespmem:s2+$0x0];
	_ =	sdelay $0x4  }
0x11d: {  	v18 =	vshrl.u32 v17, $0x8;
	v19 =	vshrl.u32 v17, $0x5  }
0x11e: {  	v18 =	vand.u32 $0x7F, v18;
	v19 =	vand.u32 $0x7FFFC00, v19  }
0x11f: {  	v23 =	vor.u32 v18, v19  }
0x120: {  	s8 =	simm.s32 $0xE00;
	s9 =	simm.s32 $0x7000  }
0x121: {  	s1 =	sand.u32 $0xFC00, s9;
	s0 =	sand.u32 $0x70, s8  }
0x122: {  	s1 =	sor.u32 s0, s1  }
0x123: {  	v19 =	vld [tilespmem:s1+$0x5000]  }
0x124: {  	v20 =	vshll.u32 v17, $0x3;
	v18 =	vld.idx.msk [tilespmem:v23+s3+$0x0], $0xffff  }
0x125: {  	v17 =	vand.u32 $0x7F, v17;
	v20 =	vand.u32 $0x400, v20  }
0x126: {  	v17 =	vor.u32 v17, v20  }
0x127: {  	v20 =	vor.u32 $0x80, v23;
	_ =	sdelay $0x1  }
0x128: {  	v18 =	vmul.f32 v19, v18;
	_ =	sdelay $0x1  }
0x129: {  	[tilespmem:v17+s20+$0x0] =	vst.idx.add.f32.msk $0xffff, v18  }
0x12a: {  	v18 =	vld.idx.msk [tilespmem:v20+s3+$0x0], $0xffff  }
0x12b: {  	v19 =	vld [tilespmem:s1+$0x5080];
	_ =	sdelay $0x1  }
0x12c: {  	s10 =	simm.s32 $0x14610;
	v21 =	vor.u32 $0x80, v17  }
0x12d: {  	v20 =	vld [tilespmem:s10+$0x0]  }
0x12e: {  	v22 =	vor.u32 $0x100, v23  }
0x12f: {  	v18 =	vmul.f32 v19, v18;
	_ =	sdelay $0x1  }
0x130: {  	[tilespmem:v21+s20+$0x0] =	vst.idx.add.f32.msk $0xffff, v18  }
0x131: {  	v19 =	vshrl.u32 v20, $0x8;
	v18 =	vshrl.u32 v20, $0x5;
	v21 =	vld [tilespmem:s1+$0x5100]  }
0x132: {  	v19 =	vand.u32 $0x7F, v19;
	v18 =	vand.u32 $0x7FFFC00, v18;
	v22 =	vld.idx.msk [tilespmem:v22+s3+$0x0], $0xffff  }
0x133: {  	v19 =	vor.u32 v19, v18  }
0x134: {  	s12 =	simm.s32 $0xE10;
	s16 =	simm.s32 $0x7080;
	v18 =	vor.u32 $0x100, v17  }
0x135: {  	s0 =	sand.u32 $0x70, s12;
	s2 =	sand.u32 $0xFC00, s16;
	v24 =	vor.u32 $0x180, v23  }
0x136: {  	s0 =	sor.u32 s0, s2  }
0x137: {  	v21 =	vmul.f32 v21, v22;
	v22 =	vld [tilespmem:s0+$0x5000]  }
0x138: {  	v26 =	vshll.u32 v20, $0x3;
	v25 =	vld.idx.msk [tilespmem:v19+s3+$0x0], $0xffff  }
0x139: {  	v26 =	vand.u32 $0x400, v26;
	v20 =	vand.u32 $0x7F, v20;
	[tilespmem:v18+s20+$0x0] =	vst.idx.add.f32.msk $0xffff, v21  }
0x13a: {  	v18 =	vor.u32 v20, v26;
	v20 =	vld.idx.msk [tilespmem:v24+s3+$0x0], $0xffff  }
0x13b: {  	v21 =	vor.u32 $0x80, v19;
	v24 =	vld [tilespmem:s1+$0x5180];
	_ =	sdelay $0x1  }
0x13c: {  	s17 =	simm.s32 $0x14620;
	v22 =	vmul.f32 v22, v25;
	v25 =	vor.u32 $0x180, v17  }
0x13d: {  	v27 =	vor.u32 $0x200, v23;
	v26 =	vld [tilespmem:s17+$0x0]  }
0x13e: {  	[tilespmem:v18+s20+$0x0] =	vst.idx.add.f32.msk $0xffff, v22  }
0x13f: {  	v20 =	vmul.f32 v24, v20;
	v21 =	vld.idx.msk [tilespmem:v21+s3+$0x0], $0xffff  }
0x140: {  	v22 =	vld [tilespmem:s0+$0x5080]  }
0x141: {  	[tilespmem:v25+s20+$0x0] =	vst.idx.add.f32.msk $0xffff, v20  }
0x142: {  	v20 =	vor.u32 $0x80, v18;
	v24 =	vld.idx.msk [tilespmem:v27+s3+$0x0], $0xffff  }
0x143: {  	v25 =	vld [tilespmem:s1+$0x5200]  }
0x144: {  	v27 =	vor.u32 $0x100, v19  }
0x145: {  	v21 =	vmul.f32 v22, v21;
	v22 =	vor.u32 $0x200, v17;
	_ =	sdelay $0x1  }
0x146: {  	[tilespmem:v20+s20+$0x0] =	vst.idx.add.f32.msk $0xffff, v21;
	v21 =	vor.u32 $0x280, v23  }
0x147: {  	v28 =	vshrl.u32 v26, $0x8;
	v20 =	vshrl.u32 v26, $0x5;
	v29 =	vld [tilespmem:s0+$0x5100];
	v24 =	vmul.f32 v25, v24  }
0x148: {  	v25 =	vand.u32 $0x7F, v28;
	v20 =	vand.u32 $0x7FFFC00, v20;
	v27 =	vld.idx.msk [tilespmem:v27+s3+$0x0], $0xffff  }
0x149: {  	v20 =	vor.u32 v25, v20;
	[tilespmem:v22+s20+$0x0] =	vst.idx.add.f32.msk $0xffff, v24  }
0x14a: {  	s25 =	simm.s32 $0xE20;
	s9 =	simm.s32 $0x7100;
	v25 =	vor.u32 $0x100, v18;
	v24 =	vld [tilespmem:s1+$0x5280]  }
0x14b: {  	s26 =	sand.u32 $0xFC00, s9;
	s2 =	sand.u32 $0x70, s25;
	s10 =	simm.s32 $0x14630;
	v30 =	vor.u32 $0x180, v19;
	v28 =	vld.idx.msk [tilespmem:v21+s3+$0x0], $0xffff  }
0x14c: {  	s2 =	sor.u32 s2, s26;
	v22 =	vld [tilespmem:s10+$0x0]  }
0x14d: {  	v21 =	vmul.f32 v29, v27;
	v27 =	vor.u32 $0x280, v17;
	v29 =	vld [tilespmem:s2+$0x5000]  }
0x14e: {  	v61 =	vor.u32 $0x300, v23;
	v60 =	vshll.u32 v26, $0x3;
	v31 =	vld.idx.msk [tilespmem:v20+s3+$0x0], $0xffff  }
0x14f: {  	v32 =	vand.u32 $0x400, v60;
	v26 =	vand.u32 $0x7F, v26;
	[tilespmem:v25+s20+$0x0] =	vst.idx.add.f32.msk $0xffff, v21  }
0x150: {  	v21 =	vor.u32 v26, v32;
	v25 =	vld.idx.msk [tilespmem:v30+s3+$0x0], $0xffff;
	v24 =	vmul.f32 v24, v28  }
0x151: {  	v26 =	vor.u32 $0x80, v20;
	v28 =	vld [tilespmem:s0+$0x5180]  }
0x152: {  	[tilespmem:v27+s20+$0x0] =	vst.idx.add.f32.msk $0xffff, v24  }
0x153: {  	v24 =	vmul.f32 v29, v31;
	v27 =	vor.u32 $0x180, v18;
	v29 =	vld.idx.msk [tilespmem:v61+s3+$0x0], $0xffff  }
0x154: {  	v30 =	vor.u32 $0x200, v19;
	v31 =	vld [tilespmem:s1+$0x5300]  }
0x155: {  	[tilespmem:v21+s20+$0x0] =	vst.idx.add.f32.msk $0xffff, v24  }
0x156: {  	v62 =	vld.idx.msk [tilespmem:v26+s3+$0x0], $0xffff;
	v24 =	vmul.f32 v28, v25;
	v25 =	vor.u32 $0x300, v17  }
0x157: {  	v23 =	vor.u32 $0x380, v23;
	v63 =	vld [tilespmem:s2+$0x5080]  }
0x158: {  	[tilespmem:v27+s20+$0x0] =	vst.idx.add.f32.msk $0xffff, v24  }
0x159: {  	v28 =	vor.u32 $0x80, v21;
	v24 =	vld.idx.msk [tilespmem:v30+s3+$0x0], $0xffff;
	v27 =	vmul.f32 v31, v29  }
0x15a: {  	v26 =	vld [tilespmem:s0+$0x5200]  }
0x15b: {  	[tilespmem:v25+s20+$0x0] =	vst.idx.add.f32.msk $0xffff, v27;
	v27 =	vor.u32 $0x100, v20  }
0x15c: {  	s8 =	simm.s32 $0xE30;
	s12 =	simm.s32 $0xE40;
	v29 =	vmul.f32 v63, v62;
	v25 =	vor.u32 $0x200, v18;
	v23 =	vld.idx.msk [tilespmem:v23+s3+$0x0], $0xffff  }
.LBB2_5:
0x15d: {  	p1 =	sne.s32 s12, $0x1CA0;
	v30 =	vld [tilespmem:s1+$0x5380];
	s1 =	smov.u32 s0;
	s0 =	smov.u32 s2  }
0x15e: {  	v31 =	vshrl.u32 v22, $0x8;
	[tilespmem:v28+s20+$0x0] =	vst.idx.add.f32.msk $0xffff, v29;
	v28 =	vor.u32 $0x280, v19  }
0x15f: {  	v29 =	vshrl.u32 v22, $0x5;
	v32 =	vld [tilespmem:s0+$0x5100];
	v24 =	vmul.f32 v26, v24;
	v26 =	vor.u32 $0x380, v17;
	v17 =	vmovc v18;
	v18 =	vmovc v21  }
0x160: {  	v21 =	vand.u32 $0x7F, v31;
	v29 =	vand.u32 $0x7FFFC00, v29;
	v27 =	vld.idx.msk [tilespmem:v27+s3+$0x0], $0xffff  }
0x161: {  	v29 =	vor.u32 v21, v29;
	[tilespmem:v25+s20+$0x0] =	vst.idx.add.f32.msk $0xffff, v24  }
0x162: {  	v24 =	vld [tilespmem:s1+$0x5280];
	v21 =	vmul.f32 v30, v23  }
0x163: {  	v23 =	vor.u32 $0x100, v18;
	v25 =	vld.idx.msk [tilespmem:v28+s3+$0x0], $0xffff  }
0x164: {  	s10 =	sadd.s32 $0x10, s10;
	s9 =	sadd.s32 $0x80, s9;
	v28 =	vor.u32 $0x180, v20;
	[tilespmem:v26+s20+$0x0] =	vst.idx.add.f32.msk $0xffff, v21  }
0x165: {  	s2 =	sand.u32 $0x70, s8;
	s8 =	smov.u32 s12;
	s16 =	sand.u32 $0xFC00, s9;
	v26 =	vld [tilespmem:s10+$0x0]  }
0x166: {  	s2 =	sor.u32 s2, s16;
	v21 =	vmul.f32 v32, v27;
	v27 =	vor.u32 $0x280, v17;
	v30 =	vld.idx.msk [tilespmem:v29+s3+$0x0], $0xffff  }
0x167: {  	v33 =	vor.u32 $0x300, v19;
	v32 =	vshll.u32 v22, $0x3;
	v31 =	vld [tilespmem:s2+$0x5000]  }
0x168: {  	v34 =	vand.u32 $0x7F, v22;
	v32 =	vand.u32 $0x400, v32;
	[tilespmem:v23+s20+$0x0] =	vst.idx.add.f32.msk $0xffff, v21  }
0x169: {  	v21 =	vor.u32 v34, v32;
	v24 =	vmul.f32 v24, v25;
	v23 =	vld.idx.msk [tilespmem:v28+s3+$0x0], $0xffff  }
0x16a: {  	v25 =	vor.u32 $0x80, v29;
	v28 =	vld [tilespmem:s0+$0x5180];
	v22 =	vmov v26  }
0x16b: {  	[tilespmem:v27+s20+$0x0] =	vst.idx.add.f32.msk $0xffff, v24  }
0x16c: {  	v26 =	vor.u32 $0x180, v18;
	v24 =	vmul.f32 v31, v30;
	v27 =	vld.idx.msk [tilespmem:v33+s3+$0x0], $0xffff  }
0x16d: {  	v30 =	vor.u32 $0x200, v20;
	v31 =	vld [tilespmem:s1+$0x5300]  }
0x16e: {  	[tilespmem:v21+s20+$0x0] =	vst.idx.add.f32.msk $0xffff, v24  }
0x16f: {  	v32 =	vor.u32 $0x300, v17;
	v25 =	vld.idx.msk [tilespmem:v25+s3+$0x0], $0xffff;
	v23 =	vmul.f32 v28, v23  }
0x170: {  	v34 =	vor.u32 $0x380, v19;
	v19 =	vmov v20;
	v20 =	vmov v29;
	v33 =	vld [tilespmem:s2+$0x5080]  }
.Ltmp1:
0x171: {  	[tilespmem:v26+s20+$0x0] =	vst.idx.add.f32.msk $0xffff, v23;
	(pc) =	sbr.rel @p1 .LBB2_5-.Ltmp1, $4  }
0x172: {  	v28 =	vor.u32 $0x80, v21;
	v24 =	vld.idx.msk [tilespmem:v30+s3+$0x0], $0xffff;
	v23 =	vmul.f32 v31, v27  }
0x173: {  	v26 =	vld [tilespmem:s0+$0x5200]  }
0x174: {  	v27 =	vor.u32 $0x100, v20;
	[tilespmem:v32+s20+$0x0] =	vst.idx.add.f32.msk $0xffff, v23  }
0x175: {  	s12 =	sadd.s32 $0x10, s12;
	v29 =	vmul.f32 v33, v25;
	v25 =	vor.u32 $0x200, v18;
	v23 =	vld.idx.msk [tilespmem:v34+s3+$0x0], $0xffff  }
0x176: {  	v30 =	vshrl.u32 v22, $0x8;
	v31 =	vshrl.u32 v22, $0x5  }
0x177: {  	v30 =	vand.u32 $0x7F, v30;
	v31 =	vand.u32 $0x7FFFC00, v31  }
0x178: {  	v30 =	vor.u32 v30, v31  }
0x179: {  	s9 =	sadd.s32 $0x80, s9  }
0x17a: {  	s8 =	sand.u32 $0x70, s8;
	s9 =	sand.u32 $0xFC00, s9  }
0x17b: {  	s8 =	sor.u32 s8, s9  }
0x17c: {  	v32 =	vld [tilespmem:s8+$0x5000]  }
0x17d: {  	v33 =	vshll.u32 v22, $0x3;
	v31 =	vld.idx.msk [tilespmem:v30+s3+$0x0], $0xffff  }
0x17e: {  	v22 =	vand.u32 $0x7F, v22;
	v33 =	vand.u32 $0x400, v33  }
0x17f: {  	v22 =	vor.u32 v22, v33  }
0x180: {  	v50 =	vor.u32 $0x80, v30;
	_ =	sdelay $0x1  }
0x181: {  	v31 =	vmul.f32 v32, v31;
	_ =	sdelay $0x1  }
0x182: {  	[tilespmem:v22+s20+$0x0] =	vst.idx.add.f32.msk $0xffff, v31  }
0x183: {  	v31 =	vld.idx.msk [tilespmem:v50+s3+$0x0], $0xffff  }
0x184: {  	v51 =	vld [tilespmem:s8+$0x5080];
	_ =	sdelay $0x1  }
0x185: {  	v52 =	vor.u32 $0x80, v22  }
0x186: {  	[tilespmem:v28+s20+$0x0] =	vst.idx.add.f32.msk $0xffff, v29  }
0x187: {  	v28 =	vld [tilespmem:s2+$0x5100];
	v29 =	vor.u32 $0x100, v30  }
0x188: {  	v27 =	vld.idx.msk [tilespmem:v27+s3+$0x0], $0xffff;
	v31 =	vmul.f32 v51, v31;
	_ =	sdelay $0x1  }
0x189: {  	v53 =	vor.u32 $0x100, v21;
	[tilespmem:v52+s20+$0x0] =	vst.idx.add.f32.msk $0xffff, v31  }
0x18a: {  	v33 =	vld [tilespmem:s8+$0x5100]  }
0x18b: {  	v31 =	vor.u32 $0x180, v20;
	v29 =	vld.idx.msk [tilespmem:v29+s3+$0x0], $0xffff  }
0x18c: {  	v27 =	vmul.f32 v28, v27  }
0x18d: {  	v28 =	vor.u32 $0x100, v22  }
0x18e: {  	[tilespmem:v53+s20+$0x0] =	vst.idx.add.f32.msk $0xffff, v27;
	v27 =	vor.u32 $0x180, v30  }
0x18f: {  	v32 =	vld [tilespmem:s2+$0x5180]  }
0x190: {  	v31 =	vld.idx.msk [tilespmem:v31+s3+$0x0], $0xffff;
	v29 =	vmul.f32 v33, v29;
	_ =	sdelay $0x1  }
0x191: {  	v54 =	vor.u32 $0x180, v21;
	[tilespmem:v28+s20+$0x0] =	vst.idx.add.f32.msk $0xffff, v29  }
0x192: {  	v24 =	vmul.f32 v26, v24;
	v26 =	vor.u32 $0x200, v20;
	v27 =	vld.idx.msk [tilespmem:v27+s3+$0x0], $0xffff  }
0x193: {  	v28 =	vld [tilespmem:s8+$0x5180]  }
0x194: {  	[tilespmem:v25+s20+$0x0] =	vst.idx.add.f32.msk $0xffff, v24;
	v29 =	vor.u32 $0x280, v19;
	v24 =	vmul.f32 v32, v31  }
0x195: {  	v25 =	vld [tilespmem:s0+$0x5280];
	v31 =	vor.u32 $0x180, v22  }
0x196: {  	[tilespmem:v54+s20+$0x0] =	vst.idx.add.f32.msk $0xffff, v24;
	v24 =	vor.u32 $0x200, v30  }
0x197: {  	v26 =	vld.idx.msk [tilespmem:v26+s3+$0x0], $0xffff  }
0x198: {  	v55 =	vld [tilespmem:s2+$0x5200];
	v27 =	vmul.f32 v28, v27  }
0x199: {  	v28 =	vld.idx.msk [tilespmem:v29+s3+$0x0], $0xffff  }
0x19a: {  	v29 =	vor.u32 $0x200, v21;
	[tilespmem:v31+s20+$0x0] =	vst.idx.add.f32.msk $0xffff, v27  }
0x19b: {  	v24 =	vld.idx.msk [tilespmem:v24+s3+$0x0], $0xffff  }
0x19c: {  	v27 =	vor.u32 $0x280, v20;
	v31 =	vld [tilespmem:s8+$0x5200]  }
0x19d: {  	v56 =	vor.u32 $0x280, v18;
	v26 =	vmul.f32 v55, v26  }
0x19e: {  	v57 =	vor.u32 $0x200, v22  }
0x19f: {  	[tilespmem:v29+s20+$0x0] =	vst.idx.add.f32.msk $0xffff, v26  }
0x1a0: {  	v25 =	vmul.f32 v25, v28;
	v28 =	vor.u32 $0x280, v30;
	v26 =	vld [tilespmem:s2+$0x5280]  }
0x1a1: {  	v29 =	vor.u32 $0x300, v19;
	v27 =	vld.idx.msk [tilespmem:v27+s3+$0x0], $0xffff;
	v24 =	vmul.f32 v31, v24  }
0x1a2: {  	[tilespmem:v56+s20+$0x0] =	vst.idx.add.f32.msk $0xffff, v25  }
0x1a3: {  	v25 =	vor.u32 $0x280, v21;
	[tilespmem:v57+s20+$0x0] =	vst.idx.add.f32.msk $0xffff, v24  }
0x1a4: {  	v24 =	vld [tilespmem:s8+$0x5280]  }
0x1a5: {  	v31 =	vor.u32 $0x300, v20;
	v28 =	vld.idx.msk [tilespmem:v28+s3+$0x0], $0xffff  }
0x1a6: {  	v29 =	vld.idx.msk [tilespmem:v29+s3+$0x0], $0xffff;
	v26 =	vmul.f32 v26, v27  }
0x1a7: {  	v58 =	vor.u32 $0x280, v22;
	v27 =	vld [tilespmem:s0+$0x5300]  }
0x1a8: {  	[tilespmem:v25+s20+$0x0] =	vst.idx.add.f32.msk $0xffff, v26;
	v25 =	vor.u32 $0x300, v30  }
0x1a9: {  	v26 =	vld [tilespmem:s1+$0x5380]  }
0x1aa: {  	v59 =	vor.u32 $0x300, v18;
	v31 =	vld.idx.msk [tilespmem:v31+s3+$0x0], $0xffff;
	v24 =	vmul.f32 v24, v28  }
0x1ab: {  	v19 =	vor.u32 $0x380, v19;
	v28 =	vld [tilespmem:s2+$0x5300]  }
0x1ac: {  	[tilespmem:v58+s20+$0x0] =	vst.idx.add.f32.msk $0xffff, v24  }
0x1ad: {  	v24 =	vmul.f32 v27, v29;
	v27 =	vor.u32 $0x300, v21;
	v25 =	vld.idx.msk [tilespmem:v25+s3+$0x0], $0xffff  }
0x1ae: {  	v20 =	vor.u32 $0x380, v20;
	v29 =	vld [tilespmem:s8+$0x5300]  }
0x1af: {  	[tilespmem:v59+s20+$0x0] =	vst.idx.add.f32.msk $0xffff, v24  }
0x1b0: {  	v19 =	vld.idx.msk [tilespmem:v19+s3+$0x0], $0xffff;
	v24 =	vmul.f32 v28, v31;
	v28 =	vor.u32 $0x300, v22  }
0x1b1: {  	v30 =	vor.u32 $0x380, v30;
	v31 =	vld [tilespmem:s0+$0x5380]  }
0x1b2: {  	[tilespmem:v27+s20+$0x0] =	vst.idx.add.f32.msk $0xffff, v24  }
0x1b3: {  	v20 =	vld.idx.msk [tilespmem:v20+s3+$0x0], $0xffff;
	v24 =	vmul.f32 v29, v25  }
0x1b4: {  	v25 =	vld [tilespmem:s2+$0x5380]  }
0x1b5: {  	[tilespmem:v28+s20+$0x0] =	vst.idx.add.f32.msk $0xffff, v24  }
0x1b6: {  	v17 =	vor.u32 $0x380, v17;
	v24 =	vld.idx.msk [tilespmem:v30+s3+$0x0], $0xffff  }
0x1b7: {  	v18 =	vor.u32 $0x380, v18;
	v27 =	vld [tilespmem:s8+$0x5380]  }
0x1b8: {  	v21 =	vor.u32 $0x380, v21  }
0x1b9: {  	v23 =	vmul.f32 v26, v23;
	v22 =	vor.u32 $0x380, v22  }
0x1ba: {  	v19 =	vmul.f32 v31, v19  }
0x1bb: {  	[tilespmem:v17+s20+$0x0] =	vst.idx.add.f32.msk $0xffff, v23;
	v17 =	vmul.f32 v25, v20  }
0x1bc: {  	[tilespmem:v18+s20+$0x0] =	vst.idx.add.f32.msk $0xffff, v19;
	v18 =	vmul.f32 v27, v24  }
0x1bd: {  	[tilespmem:v21+s20+$0x0] =	vst.idx.add.f32.msk $0xffff, v17  }
0x1be: {  	[tilespmem:v22+s20+$0x0] =	vst.idx.add.f32.msk $0xffff, v18  }
0x1bf: {  	v17 =	vld [tilespmem:$0x154B0];
	_ =	sdelay $0x4  }
0x1c0: {  	v18 =	vshrl.u32 v17, $0x8;
	v19 =	vshrl.u32 v17, $0x5  }
0x1c1: {  	v18 =	vand.u32 $0x7F, v18;
	v19 =	vand.u32 $0x7FFFC00, v19  }
0x1c2: {  	v18 =	vor.u32 v18, v19;
	_ =	sdelay $0x3  }
0x1c3: {  	v20 =	vld.idx.msk [tilespmem:v9+s15+$0x0], $0x3f  }
0x1c4: {  	v21 =	vshll.u32 v17, $0x3;
	v19 =	vld.idx.msk [tilespmem:v18+s3+$0x0], $0x3f  }
0x1c5: {  	v17 =	vand.u32 $0x7F, v17;
	v21 =	vand.u32 $0x400, v21  }
0x1c6: {  	v17 =	vor.u32 v17, v21  }
0x1c7: {  	v21 =	vor.u32 $0x80, v18;
	_ =	sdelay $0x1  }
0x1c8: {  	v19 =	vmul.f32 v20, v19;
	_ =	sdelay $0x1  }
0x1c9: {  	[tilespmem:v17+s20+$0x0] =	vst.idx.add.f32.msk $0x3f, v19  }
0x1ca: {  	v19 =	vld.idx.msk [tilespmem:v21+s3+$0x0], $0x3f  }
0x1cb: {  	v20 =	vld.idx.msk [tilespmem:v10+s15+$0x0], $0x3f;
	_ =	sdelay $0x1  }
0x1cc: {  	v21 =	vor.u32 $0x80, v17  }
0x1cd: {  	v22 =	vor.u32 $0x100, v18;
	_ =	sdelay $0x1  }
0x1ce: {  	v19 =	vmul.f32 v20, v19;
	_ =	sdelay $0x1  }
0x1cf: {  	[tilespmem:v21+s20+$0x0] =	vst.idx.add.f32.msk $0x3f, v19  }
0x1d0: {  	v19 =	vld.idx.msk [tilespmem:v22+s3+$0x0], $0x3f  }
0x1d1: {  	v20 =	vld.idx.msk [tilespmem:v11+s15+$0x0], $0x3f;
	_ =	sdelay $0x1  }
0x1d2: {  	v21 =	vor.u32 $0x100, v17  }
0x1d3: {  	v22 =	vor.u32 $0x180, v18;
	_ =	sdelay $0x1  }
0x1d4: {  	v19 =	vmul.f32 v20, v19;
	_ =	sdelay $0x1  }
0x1d5: {  	[tilespmem:v21+s20+$0x0] =	vst.idx.add.f32.msk $0x3f, v19  }
0x1d6: {  	v19 =	vld.idx.msk [tilespmem:v22+s3+$0x0], $0x3f  }
0x1d7: {  	v20 =	vld.idx.msk [tilespmem:v12+s15+$0x0], $0x3f;
	_ =	sdelay $0x1  }
0x1d8: {  	v21 =	vor.u32 $0x180, v17  }
0x1d9: {  	v22 =	vor.u32 $0x200, v18;
	_ =	sdelay $0x1  }
0x1da: {  	v19 =	vmul.f32 v20, v19;
	_ =	sdelay $0x1  }
0x1db: {  	[tilespmem:v21+s20+$0x0] =	vst.idx.add.f32.msk $0x3f, v19  }
0x1dc: {  	v19 =	vld.idx.msk [tilespmem:v22+s3+$0x0], $0x3f  }
0x1dd: {  	v20 =	vld.idx.msk [tilespmem:v13+s15+$0x0], $0x3f;
	_ =	sdelay $0x1  }
0x1de: {  	v21 =	vor.u32 $0x200, v17  }
0x1df: {  	v22 =	vor.u32 $0x280, v18;
	_ =	sdelay $0x1  }
0x1e0: {  	v19 =	vmul.f32 v20, v19;
	_ =	sdelay $0x1  }
0x1e1: {  	[tilespmem:v21+s20+$0x0] =	vst.idx.add.f32.msk $0x3f, v19  }
0x1e2: {  	v19 =	vld.idx.msk [tilespmem:v22+s3+$0x0], $0x3f  }
0x1e3: {  	v20 =	vld.idx.msk [tilespmem:v14+s15+$0x0], $0x3f;
	_ =	sdelay $0x1  }
0x1e4: {  	v21 =	vor.u32 $0x280, v17  }
0x1e5: {  	v22 =	vor.u32 $0x300, v18;
	_ =	sdelay $0x1  }
0x1e6: {  	v19 =	vmul.f32 v20, v19;
	_ =	sdelay $0x1  }
0x1e7: {  	[tilespmem:v21+s20+$0x0] =	vst.idx.add.f32.msk $0x3f, v19  }
0x1e8: {  	v19 =	vld.idx.msk [tilespmem:v22+s3+$0x0], $0x3f  }
0x1e9: {  	v20 =	vld.idx.msk [tilespmem:v15+s15+$0x0], $0x3f;
	_ =	sdelay $0x1  }
0x1ea: {  	v21 =	vor.u32 $0x300, v17  }
0x1eb: {  	v18 =	vor.u32 $0x380, v18;
	_ =	sdelay $0x1  }
0x1ec: {  	v19 =	vmul.f32 v20, v19;
	_ =	sdelay $0x1  }
0x1ed: {  	[tilespmem:v21+s20+$0x0] =	vst.idx.add.f32.msk $0x3f, v19  }
0x1ee: {  	v18 =	vld.idx.msk [tilespmem:v18+s3+$0x0], $0x3f  }
0x1ef: {  	v19 =	vld.idx.msk [tilespmem:v16+s15+$0x0], $0x3f;
	_ =	sdelay $0x1  }
0x1f0: {  	v17 =	vor.u32 $0x380, v17  }
0x1f1: {  	s10 =	smul.u32 $0xE800, s30;
	_ =	sdelay $0x1  }
0x1f2: {  	s0 =	sshrl.u32 s10, $0x3;
	v18 =	vmul.f32 v19, v18  }
0x1f3: {  	s0 =	sadd.s32 s6, s0  }
0x1f4: {  	s12 =	sshll.u32 s29, $0x9;
	s0 =	sadd.s32 $0xE00, s0;
	[tilespmem:v17+s20+$0x0] =	vst.idx.add.f32.msk $0x3f, v18  }
0x1f5: {  	[tilespmem:s15], [sflag:$0x4] =	stream.linear.gather [hbm4b:s0+s3], $0x7800, $0x38;
	[tilespmem:$0x16500] =	vst v63  }
0x1f6: {  	s0 =	sadd.s32 s12, s11  }
0x1f7: {  	[hbm4b:s0+s3] =	stream.linear.scatter [tilespmem:s20], [sflag:$0x5], $0x800, $0x38;
	[tilespmem:$0x16500] =	vst v63  }
0x1f8: {  	s0 =	simm.s32 @!p0 $0x6  }
0x1f9: {  	_ =	swait.ge @!p0 [sflag:s0], $0x800  }
0x1fa: {  	p1 =	seq.s32 s29, $0x7;
	s1 =	sadd.s32 $0x2, s31;
	[sflag:s0] =	ssyncset.done @!p0 $0x0  }
0x1fb: {  	s31 =	sadd.s32 @!p1 s4, s1;
	[sflag:s0] =	ssyncadd.s32 @!p0 $0xFFFFF800  }
0x1fc: {  	s0 =	smul.u32 @!p1 $0x500, s31;
	_ =	swait.ge [sflag:s23], $0x2800  }
0x1fd: {  	[sflag:s23] =	ssyncset.done $0x0  }
0x1fe: {  	s1 =	simm.s32 @!p1 $0x0;
	s0 =	sadd.s32 @!p1 s5, s0;
	[sflag:s23] =	ssyncadd.s32 $0xFFFFD800  }
0x1ff: {  	[tilespmem:s1], [sflag:$0x1] =	stream.linear.gather @!p1 [hbm4b:s0+s1], $0x2800, $0x38;
	[tilespmem:$0x16500] =	vst v63  }
0x200: {  	[tilespmem:$0x15D00] =	vst v0  }
0x201: {  	[tilespmem:$0x15D10] =	vst v0  }
0x202: {  	[tilespmem:$0x15D20] =	vst v0  }
0x203: {  	[tilespmem:$0x15D30] =	vst v0  }
0x204: {  	[tilespmem:$0x15D40] =	vst v0  }
0x205: {  	[tilespmem:$0x15D50] =	vst v0  }
0x206: {  	[tilespmem:$0x15D60] =	vst v0  }
0x207: {  	[tilespmem:$0x15D70] =	vst v0  }
0x208: {  	[tilespmem:$0x16100] =	vst v0  }
0x209: {  	[tilespmem:v1+s24+$0x0] =	vst.idx.msk $0x3f, v0  }
0x20a: {  	[tilespmem:$0x15D80] =	vst v0  }
0x20b: {  	[tilespmem:$0x15D90] =	vst v0  }
0x20c: {  	[tilespmem:$0x15DA0] =	vst v0  }
0x20d: {  	[tilespmem:$0x15DB0] =	vst v0  }
0x20e: {  	[tilespmem:$0x15DC0] =	vst v0  }
0x20f: {  	[tilespmem:$0x15DD0] =	vst v0  }
0x210: {  	[tilespmem:$0x15DE0] =	vst v0  }
0x211: {  	[tilespmem:$0x15DF0] =	vst v0  }
0x212: {  	[tilespmem:$0x16180] =	vst v0  }
0x213: {  	[tilespmem:v2+s24+$0x0] =	vst.idx.msk $0x3f, v0  }
0x214: {  	[tilespmem:$0x15E00] =	vst v0  }
0x215: {  	[tilespmem:$0x15E10] =	vst v0  }
0x216: {  	[tilespmem:$0x15E20] =	vst v0  }
0x217: {  	[tilespmem:$0x15E30] =	vst v0  }
0x218: {  	[tilespmem:$0x15E40] =	vst v0  }
0x219: {  	[tilespmem:$0x15E50] =	vst v0  }
0x21a: {  	[tilespmem:$0x15E60] =	vst v0  }
0x21b: {  	[tilespmem:$0x15E70] =	vst v0  }
0x21c: {  	[tilespmem:$0x16200] =	vst v0  }
0x21d: {  	[tilespmem:v3+s24+$0x0] =	vst.idx.msk $0x3f, v0  }
0x21e: {  	[tilespmem:$0x15E80] =	vst v0  }
0x21f: {  	[tilespmem:$0x15E90] =	vst v0  }
0x220: {  	[tilespmem:$0x15EA0] =	vst v0  }
0x221: {  	[tilespmem:$0x15EB0] =	vst v0  }
0x222: {  	[tilespmem:$0x15EC0] =	vst v0  }
0x223: {  	[tilespmem:$0x15ED0] =	vst v0  }
0x224: {  	[tilespmem:$0x15EE0] =	vst v0  }
0x225: {  	[tilespmem:$0x15EF0] =	vst v0  }
0x226: {  	[tilespmem:$0x16280] =	vst v0  }
0x227: {  	[tilespmem:v4+s24+$0x0] =	vst.idx.msk $0x3f, v0  }
0x228: {  	[tilespmem:$0x15F00] =	vst v0  }
0x229: {  	[tilespmem:$0x15F10] =	vst v0  }
0x22a: {  	[tilespmem:$0x15F20] =	vst v0  }
0x22b: {  	[tilespmem:$0x15F30] =	vst v0  }
0x22c: {  	[tilespmem:$0x15F40] =	vst v0  }
0x22d: {  	[tilespmem:$0x15F50] =	vst v0  }
0x22e: {  	[tilespmem:$0x15F60] =	vst v0  }
0x22f: {  	[tilespmem:$0x15F70] =	vst v0  }
0x230: {  	[tilespmem:$0x16300] =	vst v0  }
0x231: {  	[tilespmem:v5+s24+$0x0] =	vst.idx.msk $0x3f, v0  }
0x232: {  	[tilespmem:$0x15F80] =	vst v0  }
0x233: {  	[tilespmem:$0x15F90] =	vst v0  }
0x234: {  	[tilespmem:$0x15FA0] =	vst v0  }
0x235: {  	[tilespmem:$0x15FB0] =	vst v0  }
0x236: {  	[tilespmem:$0x15FC0] =	vst v0  }
0x237: {  	[tilespmem:$0x15FD0] =	vst v0  }
0x238: {  	[tilespmem:$0x15FE0] =	vst v0  }
0x239: {  	[tilespmem:$0x15FF0] =	vst v0  }
0x23a: {  	[tilespmem:$0x16380] =	vst v0  }
0x23b: {  	[tilespmem:v6+s24+$0x0] =	vst.idx.msk $0x3f, v0  }
0x23c: {  	[tilespmem:$0x16000] =	vst v0  }
0x23d: {  	[tilespmem:$0x16010] =	vst v0  }
0x23e: {  	[tilespmem:$0x16020] =	vst v0  }
0x23f: {  	[tilespmem:$0x16030] =	vst v0  }
0x240: {  	[tilespmem:$0x16040] =	vst v0  }
0x241: {  	[tilespmem:$0x16050] =	vst v0  }
0x242: {  	[tilespmem:$0x16060] =	vst v0  }
0x243: {  	[tilespmem:$0x16070] =	vst v0  }
0x244: {  	[tilespmem:$0x16400] =	vst v0  }
0x245: {  	[tilespmem:v7+s24+$0x0] =	vst.idx.msk $0x3f, v0  }
0x246: {  	[tilespmem:$0x16080] =	vst v0  }
0x247: {  	[tilespmem:$0x16090] =	vst v0  }
0x248: {  	[tilespmem:$0x160A0] =	vst v0  }
0x249: {  	[tilespmem:$0x160B0] =	vst v0  }
0x24a: {  	[tilespmem:$0x160C0] =	vst v0  }
0x24b: {  	[tilespmem:$0x160D0] =	vst v0  }
0x24c: {  	[tilespmem:$0x160E0] =	vst v0  }
0x24d: {  	[tilespmem:$0x160F0] =	vst v0  }
0x24e: {  	[tilespmem:$0x16480] =	vst v0  }
0x24f: {  	[tilespmem:v8+s24+$0x0] =	vst.idx.msk $0x3f, v0  }
0x250: {  	_ =	swait.ge [sflag:s21], $0x7000  }
0x251: {  	[sflag:s21] =	ssyncset.done $0x0  }
0x252: {  	s16 =	simm.s32 $0x13800;
	[sflag:s21] =	ssyncadd.s32 $0xFFFF9000  }
0x253: {  	v17 =	vld [tilespmem:s16+$0x0];
	_ =	sdelay $0x4  }
0x254: {  	v18 =	vshrl.u32 v17, $0x8;
	v19 =	vshrl.u32 v17, $0x5  }
0x255: {  	v18 =	vand.u32 $0x7F, v18;
	v19 =	vand.u32 $0x7FFFC00, v19  }
0x256: {  	v22 =	vor.u32 v18, v19  }
0x257: {  	s1 =	simm.s32 $0x0  }
0x258: {  	s17 =	sand.u32 $0x70, s1;
	s25 =	sand.u32 $0x7C00, s1  }
0x259: {  	s26 =	sor.u32 s17, s25  }
0x25a: {  	v19 =	vld [tilespmem:s26+$0x5000]  }
0x25b: {  	v20 =	vshll.u32 v17, $0x3;
	v18 =	vld.idx.msk [tilespmem:v22+s19+$0x0], $0xffff  }
0x25c: {  	v17 =	vand.u32 $0x7F, v17;
	v20 =	vand.u32 $0x400, v20  }
0x25d: {  	v17 =	vor.u32 v17, v20  }
0x25e: {  	v20 =	vor.u32 $0x80, v22;
	_ =	sdelay $0x1  }
0x25f: {  	v18 =	vmul.f32 v19, v18;
	_ =	sdelay $0x1  }
0x260: {  	[tilespmem:v17+s24+$0x0] =	vst.idx.add.f32.msk $0xffff, v18  }
0x261: {  	v18 =	vld.idx.msk [tilespmem:v20+s19+$0x0], $0xffff  }
0x262: {  	v19 =	vld [tilespmem:s26+$0x5080];
	_ =	sdelay $0x1  }
0x263: {  	s9 =	simm.s32 $0x13810;
	v21 =	vor.u32 $0x80, v17  }
0x264: {  	v20 =	vld [tilespmem:s9+$0x0]  }
0x265: {  	v23 =	vor.u32 $0x100, v22  }
0x266: {  	v18 =	vmul.f32 v19, v18;
	_ =	sdelay $0x1  }
0x267: {  	[tilespmem:v21+s24+$0x0] =	vst.idx.add.f32.msk $0xffff, v18  }
0x268: {  	v19 =	vshrl.u32 v20, $0x8;
	v18 =	vshrl.u32 v20, $0x5;
	v21 =	vld [tilespmem:s26+$0x5100]  }
0x269: {  	v19 =	vand.u32 $0x7F, v19;
	v18 =	vand.u32 $0x7FFFC00, v18;
	v23 =	vld.idx.msk [tilespmem:v23+s19+$0x0], $0xffff  }
0x26a: {  	v19 =	vor.u32 v19, v18  }
0x26b: {  	s10 =	simm.s32 $0x10;
	s0 =	simm.s32 $0x80;
	v18 =	vor.u32 $0x100, v17  }
0x26c: {  	s2 =	sand.u32 $0x70, s10;
	s12 =	sand.u32 $0x7C00, s0;
	v24 =	vor.u32 $0x180, v22  }
0x26d: {  	s2 =	sor.u32 s2, s12  }
0x26e: {  	v21 =	vmul.f32 v21, v23;
	v23 =	vld [tilespmem:s2+$0x5000]  }
0x26f: {  	v26 =	vshll.u32 v20, $0x3;
	v25 =	vld.idx.msk [tilespmem:v19+s19+$0x0], $0xffff  }
0x270: {  	v26 =	vand.u32 $0x400, v26;
	v20 =	vand.u32 $0x7F, v20;
	[tilespmem:v18+s24+$0x0] =	vst.idx.add.f32.msk $0xffff, v21  }
0x271: {  	v18 =	vor.u32 v20, v26;
	v20 =	vld.idx.msk [tilespmem:v24+s19+$0x0], $0xffff  }
0x272: {  	v21 =	vor.u32 $0x80, v19;
	v24 =	vld [tilespmem:s26+$0x5180];
	_ =	sdelay $0x1  }
0x273: {  	s16 =	simm.s32 $0x13820;
	v23 =	vmul.f32 v23, v25;
	v25 =	vor.u32 $0x180, v17  }
0x274: {  	v27 =	vor.u32 $0x200, v22;
	v26 =	vld [tilespmem:s16+$0x0]  }
0x275: {  	[tilespmem:v18+s24+$0x0] =	vst.idx.add.f32.msk $0xffff, v23  }
0x276: {  	v20 =	vmul.f32 v24, v20;
	v21 =	vld.idx.msk [tilespmem:v21+s19+$0x0], $0xffff  }
0x277: {  	v23 =	vld [tilespmem:s2+$0x5080]  }
0x278: {  	[tilespmem:v25+s24+$0x0] =	vst.idx.add.f32.msk $0xffff, v20  }
0x279: {  	v20 =	vor.u32 $0x80, v18;
	v24 =	vld.idx.msk [tilespmem:v27+s19+$0x0], $0xffff  }
0x27a: {  	v25 =	vld [tilespmem:s26+$0x5200]  }
0x27b: {  	v27 =	vor.u32 $0x100, v19  }
0x27c: {  	v21 =	vmul.f32 v23, v21;
	v23 =	vor.u32 $0x200, v17;
	_ =	sdelay $0x1  }
0x27d: {  	[tilespmem:v20+s24+$0x0] =	vst.idx.add.f32.msk $0xffff, v21;
	v21 =	vor.u32 $0x280, v22  }
0x27e: {  	v28 =	vshrl.u32 v26, $0x8;
	v20 =	vshrl.u32 v26, $0x5;
	v29 =	vld [tilespmem:s2+$0x5100];
	v24 =	vmul.f32 v25, v24  }
0x27f: {  	v25 =	vand.u32 $0x7F, v28;
	v20 =	vand.u32 $0x7FFFC00, v20;
	v27 =	vld.idx.msk [tilespmem:v27+s19+$0x0], $0xffff  }
0x280: {  	v20 =	vor.u32 v25, v20;
	[tilespmem:v23+s24+$0x0] =	vst.idx.add.f32.msk $0xffff, v24  }
0x281: {  	s10 =	simm.s32 $0x100;
	s17 =	simm.s32 $0x20;
	v25 =	vor.u32 $0x100, v18;
	v24 =	vld [tilespmem:s26+$0x5280]  }
0x282: {  	s12 =	simm.s32 $0x13830;
	s9 =	sand.u32 $0x70, s17;
	v30 =	vor.u32 $0x180, v19;
	s16 =	sand.u32 $0x7C00, s10;
	v28 =	vld.idx.msk [tilespmem:v21+s19+$0x0], $0xffff  }
0x283: {  	s16 =	sor.u32 s9, s16;
	v23 =	vld [tilespmem:s12+$0x0]  }
0x284: {  	v21 =	vmul.f32 v29, v27;
	v27 =	vor.u32 $0x280, v17;
	v29 =	vld [tilespmem:s16+$0x5000]  }
0x285: {  	v61 =	vor.u32 $0x300, v22;
	v60 =	vshll.u32 v26, $0x3;
	v31 =	vld.idx.msk [tilespmem:v20+s19+$0x0], $0xffff  }
0x286: {  	v32 =	vand.u32 $0x400, v60;
	v26 =	vand.u32 $0x7F, v26;
	[tilespmem:v25+s24+$0x0] =	vst.idx.add.f32.msk $0xffff, v21  }
0x287: {  	v21 =	vor.u32 v26, v32;
	v25 =	vld.idx.msk [tilespmem:v30+s19+$0x0], $0xffff;
	v24 =	vmul.f32 v24, v28  }
0x288: {  	v26 =	vor.u32 $0x80, v20;
	v28 =	vld [tilespmem:s2+$0x5180]  }
0x289: {  	[tilespmem:v27+s24+$0x0] =	vst.idx.add.f32.msk $0xffff, v24  }
0x28a: {  	v24 =	vmul.f32 v29, v31;
	v27 =	vor.u32 $0x180, v18;
	v29 =	vld.idx.msk [tilespmem:v61+s19+$0x0], $0xffff  }
0x28b: {  	v30 =	vor.u32 $0x200, v19;
	v31 =	vld [tilespmem:s26+$0x5300]  }
0x28c: {  	[tilespmem:v21+s24+$0x0] =	vst.idx.add.f32.msk $0xffff, v24  }
0x28d: {  	v62 =	vor.u32 $0x300, v17;
	v26 =	vld.idx.msk [tilespmem:v26+s19+$0x0], $0xffff;
	v24 =	vmul.f32 v28, v25  }
0x28e: {  	v22 =	vor.u32 $0x380, v22;
	v63 =	vld [tilespmem:s16+$0x5080]  }
0x28f: {  	[tilespmem:v27+s24+$0x0] =	vst.idx.add.f32.msk $0xffff, v24  }
0x290: {  	s25 =	sand.u32 $0x7, s1;
	v28 =	vor.u32 $0x80, v21;
	v24 =	vld.idx.msk [tilespmem:v30+s19+$0x0], $0xffff;
	v27 =	vmul.f32 v31, v29  }
0x291: {  	s26 =	sshll.u32 s25, $0x4;
	v25 =	vld [tilespmem:s2+$0x5200]  }
0x292: {  	s8 =	simm.s32 $0x30;
	s9 =	sadd.s32 $0x0, s26;
	[tilespmem:v62+s24+$0x0] =	vst.idx.add.f32.msk $0xffff, v27;
	v27 =	vor.u32 $0x100, v20  }
0x293: {  	s17 =	simm.s32 $0x40;
	s25 =	sor.u32 $0x380, s9;
	s9 =	simm.s32 $0x100;
	v29 =	vmul.f32 v63, v26;
	v26 =	vor.u32 $0x200, v18;
	v22 =	vld.idx.msk [tilespmem:v22+s19+$0x0], $0xffff  }
.LBB2_7:
0x294: {  	p0 =	sne.s32 s17, $0xDF0;
	v30 =	vld [tilespmem:s25+$0x5000]  }
0x295: {  	v31 =	vshrl.u32 v23, $0x8;
	[tilespmem:v28+s24+$0x0] =	vst.idx.add.f32.msk $0xffff, v29;
	v28 =	vor.u32 $0x280, v19  }
0x296: {  	v29 =	vshrl.u32 v23, $0x5;
	v32 =	vld [tilespmem:s16+$0x5100];
	v24 =	vmul.f32 v25, v24;
	v25 =	vor.u32 $0x380, v17;
	v17 =	vmovc v18;
	v18 =	vmovc v21  }
0x297: {  	v21 =	vand.u32 $0x7F, v31;
	v29 =	vand.u32 $0x7FFFC00, v29;
	v27 =	vld.idx.msk [tilespmem:v27+s19+$0x0], $0xffff  }
0x298: {  	v29 =	vor.u32 v21, v29;
	[tilespmem:v26+s24+$0x0] =	vst.idx.add.f32.msk $0xffff, v24  }
0x299: {  	v24 =	vld [tilespmem:s2+$0x5280];
	v21 =	vmul.f32 v30, v22  }
0x29a: {  	v22 =	vor.u32 $0x100, v18;
	v26 =	vld.idx.msk [tilespmem:v28+s19+$0x0], $0xffff  }
0x29b: {  	s12 =	sadd.s32 $0x10, s12;
	s10 =	sadd.s32 $0x80, s10;
	v28 =	vor.u32 $0x180, v20;
	[tilespmem:v25+s24+$0x0] =	vst.idx.add.f32.msk $0xffff, v21  }
0x29c: {  	s25 =	sand.u32 $0x70, s8;
	s8 =	smov.u32 s17;
	s26 =	sand.u32 $0x7C00, s10;
	v25 =	vld [tilespmem:s12+$0x0]  }
0x29d: {  	s25 =	sor.u32 s25, s26;
	v21 =	vmul.f32 v32, v27;
	v27 =	vor.u32 $0x280, v17;
	v30 =	vld.idx.msk [tilespmem:v29+s19+$0x0], $0xffff  }
0x29e: {  	v33 =	vor.u32 $0x300, v19;
	v32 =	vshll.u32 v23, $0x3;
	v31 =	vld [tilespmem:s25+$0x5000]  }
0x29f: {  	v34 =	vand.u32 $0x7F, v23;
	v32 =	vand.u32 $0x400, v32;
	[tilespmem:v22+s24+$0x0] =	vst.idx.add.f32.msk $0xffff, v21  }
0x2a0: {  	v21 =	vor.u32 v34, v32;
	v24 =	vmul.f32 v24, v26;
	v22 =	vld.idx.msk [tilespmem:v28+s19+$0x0], $0xffff  }
0x2a1: {  	v26 =	vor.u32 $0x80, v29;
	v28 =	vld [tilespmem:s16+$0x5180];
	v23 =	vmov v25  }
0x2a2: {  	[tilespmem:v27+s24+$0x0] =	vst.idx.add.f32.msk $0xffff, v24  }
0x2a3: {  	v25 =	vor.u32 $0x180, v18;
	v24 =	vmul.f32 v31, v30;
	v27 =	vld.idx.msk [tilespmem:v33+s19+$0x0], $0xffff  }
0x2a4: {  	v30 =	vor.u32 $0x200, v20;
	v31 =	vld [tilespmem:s2+$0x5300];
	s2 =	smov.u32 s16;
	s16 =	smov.u32 s25  }
0x2a5: {  	[tilespmem:v21+s24+$0x0] =	vst.idx.add.f32.msk $0xffff, v24  }
0x2a6: {  	v32 =	vor.u32 $0x300, v17;
	v26 =	vld.idx.msk [tilespmem:v26+s19+$0x0], $0xffff;
	v22 =	vmul.f32 v28, v22  }
0x2a7: {  	v34 =	vor.u32 $0x380, v19;
	v19 =	vmov v20;
	v20 =	vmov v29;
	v33 =	vld [tilespmem:s16+$0x5080]  }
.Ltmp2:
0x2a8: {  	s1 =	sadd.s32 $0x1, s1;
	[tilespmem:v25+s24+$0x0] =	vst.idx.add.f32.msk $0xffff, v22;
	(pc) =	sbr.rel @p0 .LBB2_7-.Ltmp2, $4  }
0x2a9: {  	s25 =	sand.u32 $0x7, s1;
	v28 =	vor.u32 $0x80, v21;
	v24 =	vld.idx.msk [tilespmem:v30+s19+$0x0], $0xffff;
	v22 =	vmul.f32 v31, v27  }
0x2aa: {  	s25 =	sshll.u32 s25, $0x4;
	v25 =	vld [tilespmem:s2+$0x5200]  }
0x2ab: {  	s25 =	sadd.s32 s25, s0;
	s0 =	smov.u32 s9;
	s9 =	smov.u32 s10;
	v27 =	vor.u32 $0x100, v20;
	[tilespmem:v32+s24+$0x0] =	vst.idx.add.f32.msk $0xffff, v22  }
0x2ac: {  	s17 =	sadd.s32 $0x10, s17;
	s25 =	sor.u32 $0x380, s25;
	v29 =	vmul.f32 v33, v26;
	v26 =	vor.u32 $0x200, v18;
	v22 =	vld.idx.msk [tilespmem:v34+s19+$0x0], $0xffff  }
0x2ad: {  	v30 =	vshrl.u32 v23, $0x8;
	v31 =	vshrl.u32 v23, $0x5  }
0x2ae: {  	v30 =	vand.u32 $0x7F, v30;
	v31 =	vand.u32 $0x7FFFC00, v31  }
0x2af: {  	v30 =	vor.u32 v30, v31  }
0x2b0: {  	s10 =	sadd.s32 $0x80, s10  }
0x2b1: {  	s8 =	sand.u32 $0x70, s8;
	s12 =	sand.u32 $0x7C00, s10  }
0x2b2: {  	s8 =	sor.u32 s8, s12  }
0x2b3: {  	v32 =	vld [tilespmem:s8+$0x5000]  }
0x2b4: {  	v33 =	vshll.u32 v23, $0x3;
	v31 =	vld.idx.msk [tilespmem:v30+s19+$0x0], $0xffff  }
0x2b5: {  	v23 =	vand.u32 $0x7F, v23;
	v33 =	vand.u32 $0x400, v33  }
0x2b6: {  	v23 =	vor.u32 v23, v33  }
0x2b7: {  	v50 =	vor.u32 $0x80, v30;
	_ =	sdelay $0x1  }
0x2b8: {  	v31 =	vmul.f32 v32, v31;
	_ =	sdelay $0x1  }
0x2b9: {  	[tilespmem:v23+s24+$0x0] =	vst.idx.add.f32.msk $0xffff, v31  }
0x2ba: {  	v31 =	vld.idx.msk [tilespmem:v50+s19+$0x0], $0xffff  }
0x2bb: {  	v51 =	vld [tilespmem:s8+$0x5080];
	_ =	sdelay $0x1  }
0x2bc: {  	v52 =	vor.u32 $0x80, v23  }
0x2bd: {  	[tilespmem:v28+s24+$0x0] =	vst.idx.add.f32.msk $0xffff, v29  }
0x2be: {  	v28 =	vld [tilespmem:s16+$0x5100];
	v29 =	vor.u32 $0x100, v30  }
0x2bf: {  	v27 =	vld.idx.msk [tilespmem:v27+s19+$0x0], $0xffff;
	v31 =	vmul.f32 v51, v31;
	_ =	sdelay $0x1  }
0x2c0: {  	v53 =	vor.u32 $0x100, v21;
	[tilespmem:v52+s24+$0x0] =	vst.idx.add.f32.msk $0xffff, v31  }
0x2c1: {  	v33 =	vld [tilespmem:s8+$0x5100]  }
0x2c2: {  	v31 =	vor.u32 $0x180, v20;
	v29 =	vld.idx.msk [tilespmem:v29+s19+$0x0], $0xffff  }
0x2c3: {  	v27 =	vmul.f32 v28, v27  }
0x2c4: {  	v28 =	vor.u32 $0x100, v23  }
0x2c5: {  	[tilespmem:v53+s24+$0x0] =	vst.idx.add.f32.msk $0xffff, v27;
	v27 =	vor.u32 $0x180, v30  }
0x2c6: {  	v32 =	vld [tilespmem:s16+$0x5180]  }
0x2c7: {  	v31 =	vld.idx.msk [tilespmem:v31+s19+$0x0], $0xffff;
	v29 =	vmul.f32 v33, v29;
	_ =	sdelay $0x1  }
0x2c8: {  	v54 =	vor.u32 $0x180, v21;
	[tilespmem:v28+s24+$0x0] =	vst.idx.add.f32.msk $0xffff, v29  }
0x2c9: {  	v24 =	vmul.f32 v25, v24;
	v25 =	vor.u32 $0x200, v20;
	v27 =	vld.idx.msk [tilespmem:v27+s19+$0x0], $0xffff  }
0x2ca: {  	v28 =	vld [tilespmem:s8+$0x5180]  }
0x2cb: {  	[tilespmem:v26+s24+$0x0] =	vst.idx.add.f32.msk $0xffff, v24;
	v29 =	vor.u32 $0x280, v19;
	v24 =	vmul.f32 v32, v31  }
0x2cc: {  	v26 =	vld [tilespmem:s2+$0x5280];
	v31 =	vor.u32 $0x180, v23  }
0x2cd: {  	[tilespmem:v54+s24+$0x0] =	vst.idx.add.f32.msk $0xffff, v24;
	v24 =	vor.u32 $0x200, v30  }
0x2ce: {  	v25 =	vld.idx.msk [tilespmem:v25+s19+$0x0], $0xffff  }
0x2cf: {  	v55 =	vld [tilespmem:s16+$0x5200];
	v27 =	vmul.f32 v28, v27  }
0x2d0: {  	v28 =	vld.idx.msk [tilespmem:v29+s19+$0x0], $0xffff  }
0x2d1: {  	v29 =	vor.u32 $0x200, v21;
	[tilespmem:v31+s24+$0x0] =	vst.idx.add.f32.msk $0xffff, v27  }
0x2d2: {  	v24 =	vld.idx.msk [tilespmem:v24+s19+$0x0], $0xffff  }
0x2d3: {  	v27 =	vor.u32 $0x280, v20;
	v31 =	vld [tilespmem:s8+$0x5200]  }
0x2d4: {  	v56 =	vor.u32 $0x280, v18;
	v25 =	vmul.f32 v55, v25  }
0x2d5: {  	v57 =	vor.u32 $0x200, v23  }
0x2d6: {  	[tilespmem:v29+s24+$0x0] =	vst.idx.add.f32.msk $0xffff, v25  }
0x2d7: {  	v25 =	vmul.f32 v26, v28;
	v28 =	vor.u32 $0x280, v30;
	v26 =	vld [tilespmem:s16+$0x5280]  }
0x2d8: {  	v29 =	vor.u32 $0x300, v19;
	v27 =	vld.idx.msk [tilespmem:v27+s19+$0x0], $0xffff;
	v24 =	vmul.f32 v31, v24  }
0x2d9: {  	[tilespmem:v56+s24+$0x0] =	vst.idx.add.f32.msk $0xffff, v25  }
0x2da: {  	v25 =	vor.u32 $0x280, v21;
	[tilespmem:v57+s24+$0x0] =	vst.idx.add.f32.msk $0xffff, v24  }
0x2db: {  	v24 =	vld [tilespmem:s8+$0x5280]  }
0x2dc: {  	v31 =	vor.u32 $0x300, v20;
	v28 =	vld.idx.msk [tilespmem:v28+s19+$0x0], $0xffff  }
0x2dd: {  	v29 =	vld.idx.msk [tilespmem:v29+s19+$0x0], $0xffff;
	v26 =	vmul.f32 v26, v27  }
0x2de: {  	v58 =	vor.u32 $0x280, v23;
	v27 =	vld [tilespmem:s2+$0x5300]  }
0x2df: {  	[tilespmem:v25+s24+$0x0] =	vst.idx.add.f32.msk $0xffff, v26;
	v25 =	vor.u32 $0x300, v30  }
0x2e0: {  	v26 =	vld [tilespmem:s25+$0x5000]  }
0x2e1: {  	v59 =	vor.u32 $0x300, v18;
	v31 =	vld.idx.msk [tilespmem:v31+s19+$0x0], $0xffff;
	v24 =	vmul.f32 v24, v28  }
0x2e2: {  	v19 =	vor.u32 $0x380, v19;
	v28 =	vld [tilespmem:s16+$0x5300]  }
0x2e3: {  	s1 =	sadd.s32 $0x1, s1;
	[tilespmem:v58+s24+$0x0] =	vst.idx.add.f32.msk $0xffff, v24  }
0x2e4: {  	s17 =	sand.u32 $0x7, s1;
	v24 =	vmul.f32 v27, v29;
	v27 =	vor.u32 $0x300, v21;
	v25 =	vld.idx.msk [tilespmem:v25+s19+$0x0], $0xffff  }
0x2e5: {  	v20 =	vor.u32 $0x380, v20;
	s2 =	sshll.u32 s17, $0x4;
	v29 =	vld [tilespmem:s8+$0x5300]  }
0x2e6: {  	s1 =	sadd.s32 $0x1, s1;
	s0 =	sadd.s32 s2, s0;
	[tilespmem:v59+s24+$0x0] =	vst.idx.add.f32.msk $0xffff, v24  }
0x2e7: {  	s0 =	sor.u32 $0x380, s0;
	s25 =	sand.u32 $0x7, s1;
	v19 =	vld.idx.msk [tilespmem:v19+s19+$0x0], $0xffff;
	v24 =	vmul.f32 v28, v31;
	v28 =	vor.u32 $0x300, v23  }
0x2e8: {  	v30 =	vor.u32 $0x380, v30;
	s26 =	sshll.u32 s25, $0x4;
	v31 =	vld [tilespmem:s0+$0x5000]  }
0x2e9: {  	s1 =	sadd.s32 $0x1, s1;
	s0 =	sadd.s32 s26, s9;
	[tilespmem:v27+s24+$0x0] =	vst.idx.add.f32.msk $0xffff, v24  }
0x2ea: {  	s1 =	sand.u32 $0x7, s1;
	s0 =	sor.u32 $0x380, s0;
	v20 =	vld.idx.msk [tilespmem:v20+s19+$0x0], $0xffff;
	v24 =	vmul.f32 v29, v25  }
0x2eb: {  	s1 =	sshll.u32 s1, $0x4;
	v25 =	vld [tilespmem:s0+$0x5000]  }
0x2ec: {  	s0 =	sadd.s32 s1, s10;
	[tilespmem:v28+s24+$0x0] =	vst.idx.add.f32.msk $0xffff, v24  }
0x2ed: {  	v17 =	vor.u32 $0x380, v17;
	s0 =	sor.u32 $0x380, s0;
	v24 =	vld.idx.msk [tilespmem:v30+s19+$0x0], $0xffff  }
0x2ee: {  	v18 =	vor.u32 $0x380, v18;
	v27 =	vld [tilespmem:s0+$0x5000]  }
0x2ef: {  	v21 =	vor.u32 $0x380, v21  }
0x2f0: {  	v22 =	vmul.f32 v26, v22;
	v23 =	vor.u32 $0x380, v23  }
0x2f1: {  	v19 =	vmul.f32 v31, v19  }
0x2f2: {  	[tilespmem:v17+s24+$0x0] =	vst.idx.add.f32.msk $0xffff, v22;
	v17 =	vmul.f32 v25, v20  }
0x2f3: {  	s0 =	smul.u32 @!p1 $0x1D00, s31;
	[tilespmem:v18+s24+$0x0] =	vst.idx.add.f32.msk $0xffff, v19;
	v18 =	vmul.f32 v27, v24  }
0x2f4: {  	[tilespmem:v21+s24+$0x0] =	vst.idx.add.f32.msk $0xffff, v17  }
0x2f5: {  	s2 =	simm.s32 @!p1 $0x5000;
	s1 =	simm.s32 @!p1 $0x0;
	s0 =	sadd.s32 @!p1 s6, s0;
	[tilespmem:v23+s24+$0x0] =	vst.idx.add.f32.msk $0xffff, v18  }
0x2f6: {  	[tilespmem:s2], [sflag:$0x3] =	stream.linear.gather @!p1 [hbm4b:s0+s1], $0x7000, $0x38;
	[tilespmem:$0x16500] =	vst v63  }
0x2f7: {  	_ =	swait.ge [sflag:s22], $0x7800  }
0x2f8: {  	[sflag:s22] =	ssyncset.done $0x0  }
0x2f9: {  	s2 =	simm.s32 $0x14600;
	[sflag:s22] =	ssyncadd.s32 $0xFFFF8800  }
0x2fa: {  	v17 =	vld [tilespmem:s2+$0x0];
	_ =	sdelay $0x4  }
0x2fb: {  	v18 =	vshrl.u32 v17, $0x8;
	v19 =	vshrl.u32 v17, $0x5  }
0x2fc: {  	v18 =	vand.u32 $0x7F, v18;
	v19 =	vand.u32 $0x7FFFC00, v19  }
0x2fd: {  	v23 =	vor.u32 v18, v19  }
0x2fe: {  	s8 =	simm.s32 $0xE00;
	s9 =	simm.s32 $0x7000  }
0x2ff: {  	s0 =	sand.u32 $0x70, s8;
	s1 =	sand.u32 $0xFC00, s9  }
0x300: {  	s1 =	sor.u32 s0, s1  }
0x301: {  	v19 =	vld [tilespmem:s1+$0x5000]  }
0x302: {  	v20 =	vshll.u32 v17, $0x3;
	v18 =	vld.idx.msk [tilespmem:v23+s19+$0x0], $0xffff  }
0x303: {  	v17 =	vand.u32 $0x7F, v17;
	v20 =	vand.u32 $0x400, v20  }
0x304: {  	v17 =	vor.u32 v17, v20  }
0x305: {  	v20 =	vor.u32 $0x80, v23;
	_ =	sdelay $0x1  }
0x306: {  	v18 =	vmul.f32 v19, v18;
	_ =	sdelay $0x1  }
0x307: {  	[tilespmem:v17+s24+$0x0] =	vst.idx.add.f32.msk $0xffff, v18  }
0x308: {  	v18 =	vld.idx.msk [tilespmem:v20+s19+$0x0], $0xffff  }
0x309: {  	v19 =	vld [tilespmem:s1+$0x5080];
	_ =	sdelay $0x1  }
0x30a: {  	s10 =	simm.s32 $0x14610;
	v21 =	vor.u32 $0x80, v17  }
0x30b: {  	v20 =	vld [tilespmem:s10+$0x0]  }
0x30c: {  	v22 =	vor.u32 $0x100, v23  }
0x30d: {  	v18 =	vmul.f32 v19, v18;
	_ =	sdelay $0x1  }
0x30e: {  	[tilespmem:v21+s24+$0x0] =	vst.idx.add.f32.msk $0xffff, v18  }
0x30f: {  	v19 =	vshrl.u32 v20, $0x8;
	v18 =	vshrl.u32 v20, $0x5;
	v21 =	vld [tilespmem:s1+$0x5100]  }
0x310: {  	v19 =	vand.u32 $0x7F, v19;
	v18 =	vand.u32 $0x7FFFC00, v18;
	v22 =	vld.idx.msk [tilespmem:v22+s19+$0x0], $0xffff  }
0x311: {  	v19 =	vor.u32 v19, v18  }
0x312: {  	s12 =	simm.s32 $0xE10;
	s16 =	simm.s32 $0x7080;
	v18 =	vor.u32 $0x100, v17  }
0x313: {  	s0 =	sand.u32 $0x70, s12;
	s2 =	sand.u32 $0xFC00, s16;
	v24 =	vor.u32 $0x180, v23  }
0x314: {  	s0 =	sor.u32 s0, s2  }
0x315: {  	v21 =	vmul.f32 v21, v22;
	v22 =	vld [tilespmem:s0+$0x5000]  }
0x316: {  	v26 =	vshll.u32 v20, $0x3;
	v25 =	vld.idx.msk [tilespmem:v19+s19+$0x0], $0xffff  }
0x317: {  	v26 =	vand.u32 $0x400, v26;
	v20 =	vand.u32 $0x7F, v20;
	[tilespmem:v18+s24+$0x0] =	vst.idx.add.f32.msk $0xffff, v21  }
0x318: {  	v18 =	vor.u32 v20, v26;
	v20 =	vld.idx.msk [tilespmem:v24+s19+$0x0], $0xffff  }
0x319: {  	v21 =	vor.u32 $0x80, v19;
	v24 =	vld [tilespmem:s1+$0x5180];
	_ =	sdelay $0x1  }
0x31a: {  	s17 =	simm.s32 $0x14620;
	v22 =	vmul.f32 v22, v25;
	v25 =	vor.u32 $0x180, v17  }
0x31b: {  	v27 =	vor.u32 $0x200, v23;
	v26 =	vld [tilespmem:s17+$0x0]  }
0x31c: {  	[tilespmem:v18+s24+$0x0] =	vst.idx.add.f32.msk $0xffff, v22  }
0x31d: {  	v20 =	vmul.f32 v24, v20;
	v21 =	vld.idx.msk [tilespmem:v21+s19+$0x0], $0xffff  }
0x31e: {  	v22 =	vld [tilespmem:s0+$0x5080]  }
0x31f: {  	[tilespmem:v25+s24+$0x0] =	vst.idx.add.f32.msk $0xffff, v20  }
0x320: {  	v20 =	vor.u32 $0x80, v18;
	v24 =	vld.idx.msk [tilespmem:v27+s19+$0x0], $0xffff  }
0x321: {  	v25 =	vld [tilespmem:s1+$0x5200]  }
0x322: {  	v27 =	vor.u32 $0x100, v19  }
0x323: {  	v21 =	vmul.f32 v22, v21;
	v22 =	vor.u32 $0x200, v17;
	_ =	sdelay $0x1  }
0x324: {  	[tilespmem:v20+s24+$0x0] =	vst.idx.add.f32.msk $0xffff, v21;
	v21 =	vor.u32 $0x280, v23  }
0x325: {  	v28 =	vshrl.u32 v26, $0x8;
	v20 =	vshrl.u32 v26, $0x5;
	v29 =	vld [tilespmem:s0+$0x5100];
	v24 =	vmul.f32 v25, v24  }
0x326: {  	v25 =	vand.u32 $0x7F, v28;
	v20 =	vand.u32 $0x7FFFC00, v20;
	v27 =	vld.idx.msk [tilespmem:v27+s19+$0x0], $0xffff  }
0x327: {  	v20 =	vor.u32 v25, v20;
	[tilespmem:v22+s24+$0x0] =	vst.idx.add.f32.msk $0xffff, v24  }
0x328: {  	s25 =	simm.s32 $0xE20;
	s9 =	simm.s32 $0x7100;
	v25 =	vor.u32 $0x100, v18;
	v24 =	vld [tilespmem:s1+$0x5280]  }
0x329: {  	s26 =	sand.u32 $0xFC00, s9;
	s2 =	sand.u32 $0x70, s25;
	s10 =	simm.s32 $0x14630;
	v30 =	vor.u32 $0x180, v19;
	v28 =	vld.idx.msk [tilespmem:v21+s19+$0x0], $0xffff  }
0x32a: {  	s2 =	sor.u32 s2, s26;
	v22 =	vld [tilespmem:s10+$0x0]  }
0x32b: {  	v21 =	vmul.f32 v29, v27;
	v27 =	vor.u32 $0x280, v17;
	v29 =	vld [tilespmem:s2+$0x5000]  }
0x32c: {  	v61 =	vor.u32 $0x300, v23;
	v60 =	vshll.u32 v26, $0x3;
	v31 =	vld.idx.msk [tilespmem:v20+s19+$0x0], $0xffff  }
0x32d: {  	v32 =	vand.u32 $0x400, v60;
	v26 =	vand.u32 $0x7F, v26;
	[tilespmem:v25+s24+$0x0] =	vst.idx.add.f32.msk $0xffff, v21  }
0x32e: {  	v21 =	vor.u32 v26, v32;
	v25 =	vld.idx.msk [tilespmem:v30+s19+$0x0], $0xffff;
	v24 =	vmul.f32 v24, v28  }
0x32f: {  	v26 =	vor.u32 $0x80, v20;
	v28 =	vld [tilespmem:s0+$0x5180]  }
0x330: {  	[tilespmem:v27+s24+$0x0] =	vst.idx.add.f32.msk $0xffff, v24  }
0x331: {  	v24 =	vmul.f32 v29, v31;
	v27 =	vor.u32 $0x180, v18;
	v29 =	vld.idx.msk [tilespmem:v61+s19+$0x0], $0xffff  }
0x332: {  	v30 =	vor.u32 $0x200, v19;
	v31 =	vld [tilespmem:s1+$0x5300]  }
0x333: {  	[tilespmem:v21+s24+$0x0] =	vst.idx.add.f32.msk $0xffff, v24  }
0x334: {  	v62 =	vor.u32 $0x300, v17;
	v26 =	vld.idx.msk [tilespmem:v26+s19+$0x0], $0xffff;
	v24 =	vmul.f32 v28, v25  }
0x335: {  	v23 =	vor.u32 $0x380, v23;
	v63 =	vld [tilespmem:s2+$0x5080]  }
0x336: {  	[tilespmem:v27+s24+$0x0] =	vst.idx.add.f32.msk $0xffff, v24  }
0x337: {  	v28 =	vor.u32 $0x80, v21;
	v24 =	vld.idx.msk [tilespmem:v30+s19+$0x0], $0xffff;
	v27 =	vmul.f32 v31, v29  }
0x338: {  	v25 =	vld [tilespmem:s0+$0x5200]  }
0x339: {  	[tilespmem:v62+s24+$0x0] =	vst.idx.add.f32.msk $0xffff, v27;
	v27 =	vor.u32 $0x100, v20  }
0x33a: {  	s8 =	simm.s32 $0xE30;
	s12 =	simm.s32 $0xE40;
	v29 =	vmul.f32 v63, v26;
	v26 =	vor.u32 $0x200, v18;
	v23 =	vld.idx.msk [tilespmem:v23+s19+$0x0], $0xffff  }
.LBB2_9:
0x33b: {  	p0 =	sne.s32 s12, $0x1CA0;
	v30 =	vld [tilespmem:s1+$0x5380];
	s1 =	smov.u32 s0;
	s0 =	smov.u32 s2  }
0x33c: {  	v31 =	vshrl.u32 v22, $0x8;
	[tilespmem:v28+s24+$0x0] =	vst.idx.add.f32.msk $0xffff, v29;
	v28 =	vor.u32 $0x280, v19  }
0x33d: {  	v29 =	vshrl.u32 v22, $0x5;
	v32 =	vld [tilespmem:s0+$0x5100];
	v24 =	vmul.f32 v25, v24;
	v25 =	vor.u32 $0x380, v17;
	v17 =	vmovc v18;
	v18 =	vmovc v21  }
0x33e: {  	v21 =	vand.u32 $0x7F, v31;
	v29 =	vand.u32 $0x7FFFC00, v29;
	v27 =	vld.idx.msk [tilespmem:v27+s19+$0x0], $0xffff  }
0x33f: {  	v29 =	vor.u32 v21, v29;
	[tilespmem:v26+s24+$0x0] =	vst.idx.add.f32.msk $0xffff, v24  }
0x340: {  	v24 =	vld [tilespmem:s1+$0x5280];
	v21 =	vmul.f32 v30, v23  }
0x341: {  	v23 =	vor.u32 $0x100, v18;
	v26 =	vld.idx.msk [tilespmem:v28+s19+$0x0], $0xffff  }
0x342: {  	s10 =	sadd.s32 $0x10, s10;
	s9 =	sadd.s32 $0x80, s9;
	v28 =	vor.u32 $0x180, v20;
	[tilespmem:v25+s24+$0x0] =	vst.idx.add.f32.msk $0xffff, v21  }
0x343: {  	s2 =	sand.u32 $0x70, s8;
	s8 =	smov.u32 s12;
	s16 =	sand.u32 $0xFC00, s9;
	v25 =	vld [tilespmem:s10+$0x0]  }
0x344: {  	s2 =	sor.u32 s2, s16;
	v21 =	vmul.f32 v32, v27;
	v27 =	vor.u32 $0x280, v17;
	v30 =	vld.idx.msk [tilespmem:v29+s19+$0x0], $0xffff  }
0x345: {  	v33 =	vor.u32 $0x300, v19;
	v32 =	vshll.u32 v22, $0x3;
	v31 =	vld [tilespmem:s2+$0x5000]  }
0x346: {  	v34 =	vand.u32 $0x7F, v22;
	v32 =	vand.u32 $0x400, v32;
	[tilespmem:v23+s24+$0x0] =	vst.idx.add.f32.msk $0xffff, v21  }
0x347: {  	v21 =	vor.u32 v34, v32;
	v24 =	vmul.f32 v24, v26;
	v23 =	vld.idx.msk [tilespmem:v28+s19+$0x0], $0xffff  }
0x348: {  	v26 =	vor.u32 $0x80, v29;
	v28 =	vld [tilespmem:s0+$0x5180];
	v22 =	vmov v25  }
0x349: {  	[tilespmem:v27+s24+$0x0] =	vst.idx.add.f32.msk $0xffff, v24  }
0x34a: {  	v25 =	vor.u32 $0x180, v18;
	v24 =	vmul.f32 v31, v30;
	v27 =	vld.idx.msk [tilespmem:v33+s19+$0x0], $0xffff  }
0x34b: {  	v30 =	vor.u32 $0x200, v20;
	v31 =	vld [tilespmem:s1+$0x5300]  }
0x34c: {  	[tilespmem:v21+s24+$0x0] =	vst.idx.add.f32.msk $0xffff, v24  }
0x34d: {  	v32 =	vor.u32 $0x300, v17;
	v26 =	vld.idx.msk [tilespmem:v26+s19+$0x0], $0xffff;
	v23 =	vmul.f32 v28, v23  }
0x34e: {  	v34 =	vor.u32 $0x380, v19;
	v19 =	vmov v20;
	v20 =	vmov v29;
	v33 =	vld [tilespmem:s2+$0x5080]  }
.Ltmp3:
0x34f: {  	[tilespmem:v25+s24+$0x0] =	vst.idx.add.f32.msk $0xffff, v23;
	(pc) =	sbr.rel @p0 .LBB2_9-.Ltmp3, $4  }
0x350: {  	v28 =	vor.u32 $0x80, v21;
	v24 =	vld.idx.msk [tilespmem:v30+s19+$0x0], $0xffff;
	v23 =	vmul.f32 v31, v27  }
0x351: {  	v25 =	vld [tilespmem:s0+$0x5200]  }
0x352: {  	v27 =	vor.u32 $0x100, v20;
	[tilespmem:v32+s24+$0x0] =	vst.idx.add.f32.msk $0xffff, v23  }
0x353: {  	s12 =	sadd.s32 $0x10, s12;
	v29 =	vmul.f32 v33, v26;
	v26 =	vor.u32 $0x200, v18;
	v23 =	vld.idx.msk [tilespmem:v34+s19+$0x0], $0xffff  }
0x354: {  	v30 =	vshrl.u32 v22, $0x8;
	v31 =	vshrl.u32 v22, $0x5  }
0x355: {  	v30 =	vand.u32 $0x7F, v30;
	v31 =	vand.u32 $0x7FFFC00, v31  }
0x356: {  	v30 =	vor.u32 v30, v31  }
0x357: {  	s9 =	sadd.s32 $0x80, s9  }
0x358: {  	s8 =	sand.u32 $0x70, s8;
	s9 =	sand.u32 $0xFC00, s9  }
0x359: {  	s8 =	sor.u32 s8, s9  }
0x35a: {  	v32 =	vld [tilespmem:s8+$0x5000]  }
0x35b: {  	v33 =	vshll.u32 v22, $0x3;
	v31 =	vld.idx.msk [tilespmem:v30+s19+$0x0], $0xffff  }
0x35c: {  	v61 =	vand.u32 $0x7F, v22;
	v33 =	vand.u32 $0x400, v33  }
0x35d: {  	v22 =	vor.u32 v61, v33  }
0x35e: {  	v62 =	vor.u32 $0x80, v30;
	_ =	sdelay $0x1  }
0x35f: {  	v31 =	vmul.f32 v32, v31;
	_ =	sdelay $0x1  }
0x360: {  	[tilespmem:v22+s24+$0x0] =	vst.idx.add.f32.msk $0xffff, v31  }
0x361: {  	v31 =	vld.idx.msk [tilespmem:v62+s19+$0x0], $0xffff  }
0x362: {  	v63 =	vld [tilespmem:s8+$0x5080];
	_ =	sdelay $0x1  }
0x363: {  	v36 =	vor.u32 $0x80, v22;
	_ =	sdelay $0x1  }
0x364: {  	[tilespmem:v28+s24+$0x0] =	vst.idx.add.f32.msk $0xffff, v29;
	v37 =	vor.u32 $0x100, v30  }
0x365: {  	v29 =	vld [tilespmem:s2+$0x5100];
	v31 =	vmul.f32 v63, v31  }
0x366: {  	v27 =	vld.idx.msk [tilespmem:v27+s19+$0x0], $0xffff  }
0x367: {  	[tilespmem:v36+s24+$0x0] =	vst.idx.add.f32.msk $0xffff, v31  }
0x368: {  	v38 =	vor.u32 $0x100, v21;
	v39 =	vld [tilespmem:s8+$0x5100]  }
0x369: {  	v40 =	vor.u32 $0x180, v20;
	v28 =	vld.idx.msk [tilespmem:v37+s19+$0x0], $0xffff;
	_ =	sdelay $0x1  }
0x36a: {  	v41 =	vor.u32 $0x100, v22;
	v27 =	vmul.f32 v29, v27  }
0x36b: {  	v34 =	vor.u32 $0x180, v30  }
0x36c: {  	[tilespmem:v38+s24+$0x0] =	vst.idx.add.f32.msk $0xffff, v27  }
0x36d: {  	v27 =	vld.idx.msk [tilespmem:v40+s19+$0x0], $0xffff;
	v28 =	vmul.f32 v39, v28  }
0x36e: {  	v31 =	vld [tilespmem:s2+$0x5180]  }
0x36f: {  	v49 =	vor.u32 $0x280, v19;
	[tilespmem:v41+s24+$0x0] =	vst.idx.add.f32.msk $0xffff, v28  }
0x370: {  	v42 =	vor.u32 $0x180, v21;
	v24 =	vmul.f32 v25, v24;
	v29 =	vld.idx.msk [tilespmem:v34+s19+$0x0], $0xffff  }
0x371: {  	v43 =	vor.u32 $0x200, v20;
	v44 =	vld [tilespmem:s8+$0x5180]  }
0x372: {  	[tilespmem:v26+s24+$0x0] =	vst.idx.add.f32.msk $0xffff, v24  }
0x373: {  	v45 =	vor.u32 $0x180, v22;
	v26 =	vld [tilespmem:s0+$0x5280];
	v27 =	vmul.f32 v31, v27  }
0x374: {  	v46 =	vor.u32 $0x200, v30;
	v32 =	vld.idx.msk [tilespmem:v49+s19+$0x0], $0xffff  }
0x375: {  	[tilespmem:v42+s24+$0x0] =	vst.idx.add.f32.msk $0xffff, v27  }
0x376: {  	v27 =	vld.idx.msk [tilespmem:v43+s19+$0x0], $0xffff;
	v47 =	vmul.f32 v44, v29  }
0x377: {  	v48 =	vld [tilespmem:s2+$0x5200]  }
0x378: {  	v54 =	vor.u32 $0x280, v18;
	[tilespmem:v45+s24+$0x0] =	vst.idx.add.f32.msk $0xffff, v47  }
0x379: {  	v50 =	vor.u32 $0x200, v21;
	v28 =	vld.idx.msk [tilespmem:v46+s19+$0x0], $0xffff  }
0x37a: {  	v31 =	vld [tilespmem:s8+$0x5200]  }
0x37b: {  	v51 =	vor.u32 $0x280, v20;
	v26 =	vmul.f32 v26, v32  }
0x37c: {  	v52 =	vor.u32 $0x200, v22;
	v27 =	vmul.f32 v48, v27  }
0x37d: {  	[tilespmem:v54+s24+$0x0] =	vst.idx.add.f32.msk $0xffff, v26  }
0x37e: {  	v53 =	vor.u32 $0x280, v30;
	[tilespmem:v50+s24+$0x0] =	vst.idx.add.f32.msk $0xffff, v27  }
0x37f: {  	v56 =	vor.u32 $0x300, v19;
	v55 =	vld [tilespmem:s2+$0x5280];
	v28 =	vmul.f32 v31, v28  }
0x380: {  	v24 =	vld.idx.msk [tilespmem:v51+s19+$0x0], $0xffff  }
0x381: {  	[tilespmem:v52+s24+$0x0] =	vst.idx.add.f32.msk $0xffff, v28  }
0x382: {  	v57 =	vor.u32 $0x280, v21;
	v29 =	vld [tilespmem:s8+$0x5280]  }
0x383: {  	v58 =	vor.u32 $0x300, v20;
	v25 =	vld.idx.msk [tilespmem:v53+s19+$0x0], $0xffff  }
0x384: {  	v26 =	vld.idx.msk [tilespmem:v56+s19+$0x0], $0xffff  }
0x385: {  	v59 =	vor.u32 $0x280, v22;
	v60 =	vld [tilespmem:s0+$0x5300];
	v24 =	vmul.f32 v55, v24  }
0x386: {  	v61 =	vor.u32 $0x300, v30;
	v36 =	vld [tilespmem:s1+$0x5380]  }
0x387: {  	[tilespmem:v57+s24+$0x0] =	vst.idx.add.f32.msk $0xffff, v24  }
0x388: {  	v62 =	vor.u32 $0x300, v18;
	v28 =	vld.idx.msk [tilespmem:v58+s19+$0x0], $0xffff;
	v25 =	vmul.f32 v29, v25  }
0x389: {  	v19 =	vor.u32 $0x380, v19;
	v63 =	vld [tilespmem:s2+$0x5300]  }
0x38a: {  	[tilespmem:v59+s24+$0x0] =	vst.idx.add.f32.msk $0xffff, v25  }
0x38b: {  	v37 =	vor.u32 $0x300, v21;
	v26 =	vmul.f32 v60, v26;
	v24 =	vld.idx.msk [tilespmem:v61+s19+$0x0], $0xffff  }
0x38c: {  	v38 =	vor.u32 $0x380, v20;
	v39 =	vld [tilespmem:s8+$0x5300]  }
0x38d: {  	[tilespmem:v62+s24+$0x0] =	vst.idx.add.f32.msk $0xffff, v26  }
0x38e: {  	v19 =	vld.idx.msk [tilespmem:v19+s19+$0x0], $0xffff;
	v41 =	vor.u32 $0x300, v22;
	v40 =	vmul.f32 v63, v28  }
0x38f: {  	v30 =	vor.u32 $0x380, v30;
	v29 =	vld [tilespmem:s0+$0x5380]  }
0x390: {  	[tilespmem:v37+s24+$0x0] =	vst.idx.add.f32.msk $0xffff, v40  }
0x391: {  	v20 =	vld.idx.msk [tilespmem:v38+s19+$0x0], $0xffff;
	v24 =	vmul.f32 v39, v24  }
0x392: {  	v26 =	vld [tilespmem:s2+$0x5380]  }
0x393: {  	[tilespmem:v41+s24+$0x0] =	vst.idx.add.f32.msk $0xffff, v24  }
0x394: {  	v17 =	vor.u32 $0x380, v17;
	v24 =	vld.idx.msk [tilespmem:v30+s19+$0x0], $0xffff  }
0x395: {  	v18 =	vor.u32 $0x380, v18;
	v42 =	vld [tilespmem:s8+$0x5380]  }
0x396: {  	v43 =	vor.u32 $0x380, v21  }
0x397: {  	v23 =	vmul.f32 v36, v23;
	v22 =	vor.u32 $0x380, v22  }
0x398: {  	v19 =	vmul.f32 v29, v19  }
0x399: {  	[tilespmem:v17+s24+$0x0] =	vst.idx.add.f32.msk $0xffff, v23;
	v17 =	vmul.f32 v26, v20  }
0x39a: {  	[tilespmem:v18+s24+$0x0] =	vst.idx.add.f32.msk $0xffff, v19;
	v18 =	vmul.f32 v42, v24  }
0x39b: {  	[tilespmem:v43+s24+$0x0] =	vst.idx.add.f32.msk $0xffff, v17  }
0x39c: {  	[tilespmem:v22+s24+$0x0] =	vst.idx.add.f32.msk $0xffff, v18  }
0x39d: {  	v17 =	vld [tilespmem:$0x154B0];
	_ =	sdelay $0x4  }
0x39e: {  	v18 =	vshrl.u32 v17, $0x8;
	v19 =	vshrl.u32 v17, $0x5  }
0x39f: {  	v18 =	vand.u32 $0x7F, v18;
	v19 =	vand.u32 $0x7FFFC00, v19  }
0x3a0: {  	v18 =	vor.u32 v18, v19;
	_ =	sdelay $0x3  }
0x3a1: {  	v44 =	vld.idx.msk [tilespmem:v9+s15+$0x0], $0x3f  }
0x3a2: {  	v45 =	vshll.u32 v17, $0x3;
	v19 =	vld.idx.msk [tilespmem:v18+s19+$0x0], $0x3f  }
0x3a3: {  	v17 =	vand.u32 $0x7F, v17;
	v21 =	vand.u32 $0x400, v45  }
0x3a4: {  	v17 =	vor.u32 v17, v21  }
0x3a5: {  	v46 =	vor.u32 $0x80, v18;
	_ =	sdelay $0x1  }
0x3a6: {  	v19 =	vmul.f32 v44, v19;
	_ =	sdelay $0x1  }
0x3a7: {  	[tilespmem:v17+s24+$0x0] =	vst.idx.add.f32.msk $0x3f, v19  }
0x3a8: {  	v19 =	vld.idx.msk [tilespmem:v46+s19+$0x0], $0x3f  }
0x3a9: {  	v47 =	vld.idx.msk [tilespmem:v10+s15+$0x0], $0x3f;
	_ =	sdelay $0x1  }
0x3aa: {  	v48 =	vor.u32 $0x80, v17  }
0x3ab: {  	v49 =	vor.u32 $0x100, v18;
	_ =	sdelay $0x1  }
0x3ac: {  	v19 =	vmul.f32 v47, v19;
	_ =	sdelay $0x1  }
0x3ad: {  	[tilespmem:v48+s24+$0x0] =	vst.idx.add.f32.msk $0x3f, v19  }
0x3ae: {  	v19 =	vld.idx.msk [tilespmem:v49+s19+$0x0], $0x3f  }
0x3af: {  	v50 =	vld.idx.msk [tilespmem:v11+s15+$0x0], $0x3f;
	_ =	sdelay $0x1  }
0x3b0: {  	v51 =	vor.u32 $0x100, v17  }
0x3b1: {  	v52 =	vor.u32 $0x180, v18;
	_ =	sdelay $0x1  }
0x3b2: {  	v19 =	vmul.f32 v50, v19;
	_ =	sdelay $0x1  }
0x3b3: {  	[tilespmem:v51+s24+$0x0] =	vst.idx.add.f32.msk $0x3f, v19  }
0x3b4: {  	v19 =	vld.idx.msk [tilespmem:v52+s19+$0x0], $0x3f  }
0x3b5: {  	v53 =	vld.idx.msk [tilespmem:v12+s15+$0x0], $0x3f;
	_ =	sdelay $0x1  }
0x3b6: {  	v54 =	vor.u32 $0x180, v17  }
0x3b7: {  	v55 =	vor.u32 $0x200, v18;
	_ =	sdelay $0x1  }
0x3b8: {  	v19 =	vmul.f32 v53, v19;
	_ =	sdelay $0x1  }
0x3b9: {  	[tilespmem:v54+s24+$0x0] =	vst.idx.add.f32.msk $0x3f, v19  }
0x3ba: {  	v19 =	vld.idx.msk [tilespmem:v55+s19+$0x0], $0x3f  }
0x3bb: {  	v56 =	vld.idx.msk [tilespmem:v13+s15+$0x0], $0x3f;
	_ =	sdelay $0x1  }
0x3bc: {  	v57 =	vor.u32 $0x200, v17  }
0x3bd: {  	v58 =	vor.u32 $0x280, v18;
	_ =	sdelay $0x1  }
0x3be: {  	v19 =	vmul.f32 v56, v19;
	_ =	sdelay $0x1  }
0x3bf: {  	[tilespmem:v57+s24+$0x0] =	vst.idx.add.f32.msk $0x3f, v19  }
0x3c0: {  	v19 =	vld.idx.msk [tilespmem:v58+s19+$0x0], $0x3f  }
0x3c1: {  	v59 =	vld.idx.msk [tilespmem:v14+s15+$0x0], $0x3f;
	_ =	sdelay $0x1  }
0x3c2: {  	v60 =	vor.u32 $0x280, v17  }
0x3c3: {  	v61 =	vor.u32 $0x300, v18;
	_ =	sdelay $0x1  }
0x3c4: {  	v19 =	vmul.f32 v59, v19;
	_ =	sdelay $0x1  }
0x3c5: {  	[tilespmem:v60+s24+$0x0] =	vst.idx.add.f32.msk $0x3f, v19  }
0x3c6: {  	v19 =	vld.idx.msk [tilespmem:v61+s19+$0x0], $0x3f  }
0x3c7: {  	v62 =	vld.idx.msk [tilespmem:v15+s15+$0x0], $0x3f;
	_ =	sdelay $0x1  }
0x3c8: {  	v63 =	vor.u32 $0x300, v17  }
0x3c9: {  	v18 =	vor.u32 $0x380, v18;
	_ =	sdelay $0x1  }
0x3ca: {  	v19 =	vmul.f32 v62, v19;
	_ =	sdelay $0x1  }
0x3cb: {  	[tilespmem:v63+s24+$0x0] =	vst.idx.add.f32.msk $0x3f, v19  }
0x3cc: {  	v18 =	vld.idx.msk [tilespmem:v18+s19+$0x0], $0x3f  }
0x3cd: {  	v19 =	vld.idx.msk [tilespmem:v16+s15+$0x0], $0x3f;
	_ =	sdelay $0x1  }
0x3ce: {  	v17 =	vor.u32 $0x380, v17  }
0x3cf: {  	s0 =	smul.u32 @!p1 $0xE800, s31  }
0x3d0: {  	s29 =	sadd.s32 $0x1, s29  }
0x3d1: {  	p0 =	sne.s32 s29, $0x8;
	s0 =	sshrl.u32 @!p1 s0, $0x3;
	v18 =	vmul.f32 v19, v18  }
.Ltmp4:
0x3d2: {  	s1 =	simm.s32 @!p1 $0x0;
	s0 =	sadd.s32 @!p1 s6, s0;
	(pc) =	sbr.rel @p0 .LBB2_2-.Ltmp4, $4  }
0x3d3: {  	s31 =	sshll.u32 s30, $0x8;
	s2 =	simm.s32 @!p1 $0xC000;
	s0 =	sadd.s32 @!p1 $0xE00, s0;
	[tilespmem:v17+s24+$0x0] =	vst.idx.add.f32.msk $0x3f, v18  }
0x3d4: {  	[tilespmem:s2], [sflag:$0x4] =	stream.linear.gather @!p1 [hbm4b:s0+s1], $0x7800, $0x38;
	[tilespmem:$0x16500] =	vst v63  }
0x3d5: {  	s0 =	sadd.s32 s7, s31  }
0x3d6: {  	[hbm4b:s0+s3] =	stream.linear.scatter [tilespmem:s24], [sflag:$0x6], $0x800, $0x38;
	[tilespmem:$0x16500] =	vst v63  }
0x3d7: {  	s0 =	simm.s32 $0x5  }
0x3d8: {  	_ =	swait.ge [sflag:s0], $0x800  }
0x3d9: {  	[sflag:s0] =	ssyncset.done $0x0  }
0x3da: {  	s1 =	simm.s32 $0x6;
	[sflag:s0] =	ssyncadd.s32 $0xFFFFF800  }
0x3db: {  	_ =	swait.ge [sflag:s1], $0x800  }
0x3dc: {  	s28 =	sadd.s32 $0x1, s28;
	s31 =	rddreg [dreg:$0x6]  }
0x3dd: {  	p0 =	sne.s32 s28, s31  }
.Ltmp5:
0x3de: {  	_ = 	snop;
	(pc) =	sbr.rel @p0 .LBB2_1-.Ltmp5, $3  }
0x3df: {  	_ =	sdelay $0x1  }
0x3e0: {  	[sflag:s1] =	ssyncset.done $0x0  }
0x3e1: {  	[sflag:s1] =	ssyncadd.s32 $0xFFFFF800  }
0x3e2: {  	_ =	sfence.sel $0x180000  }
0x3e3: {  	[bflag:$0x0] =	sbarrier.arrive $0xFFFF  }
0x3e4: {  	_ =	strace $0x90000047  }
0x3e5: {  	s0 =	stileid.u32;
	[bflag:$0x2] =	sbarrier.arrive $0xFFFF  }
0x3e6: {  	p0 =	sne.s32 s0, $0x0;
	s0 =	rddreg [dreg:$0x2]  }
0x3e7: {  	s0 =	sadd.s32 @!p0 $0x100000, s0  }
0x3e8: {  	[sflag:s0] =	ssyncadd.tile.s32 @!p0 $0x1;
	_ =	shalt  }
.Lfunc_end2:
_tile_overlayer_lowered:
.L_overlay_start_2:
0x3e9: {  	(tag) =	ssettag $0x2  }
0x3ea: {  	s0 =	rddreg [dreg:$0x0];
	s2 =	stileid.u32  }
0x3eb: {  	s1 =	rddreg [dreg:$0x1];
	p0 =	sne.s32 s2, $0x0  }
0x3ec: {  	s3 =	rddreg [dreg:$0x2];
	[bflag:$0x3] =	sbarrier.arrive $0xFFFF;
	s2 =	simm.s32 @!p0 $0x1C07  }
0x3ed: {  	[timem:s3], [sflag:s2] =	dma.local @!p0 [hbm:s0], s1  }
0x3ee: {  	s0 =	simm.s32 @!p0 $0x7  }
0x3ef: {  	_ =	swait.ge @!p0 [sflag:s0], s1  }
0x3f0: {  	s1 =	ssub.s32 @!p0 $0x0, s1;
	[sflag:s0] =	ssyncset.done @!p0 $0x0  }
0x3f1: {  	[sflag:s0] =	ssyncadd.s32 @!p0 s1  }
0x3f2: {  	[bflag:$0x3] =	sbarrier.arrive $0xFFFF  }
0x3f3: {  	_ =	shalt  }

</sc_bundles>
